<compile_context>
chip_gen: v7x
topology: tpu7x:2x2x1
jax: 0.10.2.dev20260603
libtpu: 0.0.44.dev20260713+nightly
codegen_flags: <defaults>
</compile_context>

<pallas_src>
import functools

import jax
import jax.numpy as jnp
import numpy as np
from jax import lax
from jax.experimental import pallas as pl
from jax.experimental.pallas import tpu as pltpu
from jax.experimental.pallas import tpu_sc as plsc

D_VEC = 128
L_POS = 50
K_SET = 16
N_CH = 4096
HID = 256

_NEG = float(np.finfo(np.float32).min)
_SEL_C = 256
_MLP_C = 1024
_NCORE = 2
_NW = 32


def _select_body(s_ref, i_ref, g_ref, n_ref):
    ms = s_ref[...]
    c = ms.shape[1]
    jio = lax.broadcasted_iota(jnp.int32, (L_POS, c), 0)
    rank = jnp.zeros((L_POS, c), jnp.float32)
    for i in range(L_POS):
        ri = ms[i:i + 1, :]
        cmp = (ri > ms) | ((ri >= ms) & (i < jio))
        rank = rank + jnp.where(cmp, 1.0, 0.0)
    sel = (ms > -1e37) & (rank < float(K_SET))
    self_ = jnp.where(sel, 1.0, 0.0)
    a = lax.broadcasted_iota(jnp.int32, (L_POS, L_POS), 0)
    b = lax.broadcasted_iota(jnp.int32, (L_POS, L_POS), 1)
    tri = jnp.where(a > b, 1.0, 0.0)
    slot = jnp.dot(tri, self_, preferred_element_type=jnp.float32)
    n_ref[...] = slot[L_POS - 1:L_POS, :] + self_[L_POS - 1:L_POS, :]
    idxf = i_ref[...]
    for s in range(K_SET):
        on = self_ * jnp.where(slot == float(s), 1.0, 0.0)
        g_ref[s:s + 1, :] = jnp.sum(idxf * on, axis=0,
                                    keepdims=True).astype(jnp.int32)


def _select(msT, iT):
    grid = N_CH // _SEL_C
    return pl.pallas_call(
        _select_body,
        grid=(grid,),
        in_specs=[pl.BlockSpec((L_POS, _SEL_C), lambda b: (0, b))
                  for _ in range(2)],
        out_specs=[pl.BlockSpec((K_SET, _SEL_C), lambda b: (0, b)),
                   pl.BlockSpec((1, _SEL_C), lambda b: (0, b))],
        out_shape=[jax.ShapeDtypeStruct((K_SET, N_CH), jnp.int32),
                   jax.ShapeDtypeStruct((1, N_CH), jnp.float32)],
    )(msT, iT)


def _gather(gT, v, h, H):
    mesh = plsc.VectorSubcoreMesh(core_axis_name="c", subcore_axis_name="s")
    rows_per_w = (H * K_SET) // _NW // 128

    @functools.partial(
        pl.kernel, mesh=mesh,
        out_type=jax.ShapeDtypeStruct((H, K_SET * D_VEC), jnp.float32),
        scratch_types=[
            pltpu.VMEM((rows_per_w * 128,), jnp.int32),
            pltpu.VMEM((128, D_VEC), jnp.float32),
            pltpu.VMEM((128, D_VEC), jnp.float32),
            pltpu.VMEM((128, D_VEC), jnp.float32),
            pltpu.VMEM((128, D_VEC), jnp.float32),
            pltpu.SemaphoreType.DMA,
            pltpu.SemaphoreType.DMA,
            pltpu.SemaphoreType.DMA,
            pltpu.SemaphoreType.DMA,
            pltpu.SemaphoreType.DMA,
            pltpu.SemaphoreType.DMA,
            pltpu.SemaphoreType.DMA,
            pltpu.SemaphoreType.DMA,
        ])
    def k(idx_hbm, table_hbm, out_hbm, idx_v,
          b0, b1, b2, b3, g0, g1, g2, g3, w0, w1, w2, w3):
        wid = lax.axis_index("s") * _NCORE + lax.axis_index("c")
        s_slot = wid // 2
        c_base = (wid % 2) * (H // 2)
        pltpu.sync_copy(
            idx_hbm.at[s_slot, pl.ds(h * H + c_base, rows_per_w * 128)],
            idx_v)
        bufs = (b0, b1, b2, b3)
        gsems = (g0, g1, g2, g3)
        wsems = (w0, w1, w2, w3)
        nb = 4
        gcp = [None] * nb
        wcp = [None] * nb
        for j in range(rows_per_w + 1):
            if j < rows_per_w:
                b = j % nb
                if wcp[b] is not None:
                    wcp[b].wait()
                gcp[b] = pltpu.async_copy(
                    table_hbm.at[idx_v.at[pl.ds(j * 128, 128)]],
                    bufs[b], gsems[b])
            if j >= 1:
                b = (j - 1) % nb
                gcp[b].wait()
                wcp[b] = pltpu.async_copy(
                    bufs[b],
                    out_hbm.at[pl.ds(c_base + (j - 1) * 128, 128),
                               pl.ds(s_slot * D_VEC, D_VEC)],
                    wsems[b])
        for b in range(nb):
            if wcp[b] is not None:
                wcp[b].wait()

    return k(gT, v)


def _mlp_body(p_ref, n_ref, c_ref, w1_ref, wc_ref, b1_ref, w2_ref, b2_ref,
              o_ref):
    ns = n_ref[...]
    si = lax.broadcasted_iota(jnp.int32, (_MLP_C, K_SET * D_VEC), 1) // D_VEC
    x = p_ref[...] * jnp.where(si < ns, 1.0, 0.0)
    h = jnp.dot(x, w1_ref[...], preferred_element_type=jnp.float32)
    h = h + jnp.log1p(c_ref[...]) * wc_ref[0:1, :] + b1_ref[...]
    act = 0.5 * h * (1.0 + lax.erf(h * np.float32(1.0 / np.sqrt(2.0))))
    o_ref[...] = (jnp.dot(act, w2_ref[...],
                          preferred_element_type=jnp.float32) + b2_ref[...])


def _mlp(packed, nsel_c, cnt_c, W1, b1r, W2, b2r):
    n_rows = packed.shape[0]
    grid = n_rows // _MLP_C
    return pl.pallas_call(
        _mlp_body,
        grid=(grid,),
        in_specs=[
            pl.BlockSpec((_MLP_C, K_SET * D_VEC), lambda b: (b, 0)),
            pl.BlockSpec((_MLP_C, 1), lambda b: (b, 0)),
            pl.BlockSpec((_MLP_C, 1), lambda b: (b, 0)),
            pl.BlockSpec((K_SET * D_VEC, HID), lambda b: (0, 0)),
            pl.BlockSpec((8, HID), lambda b: (K_SET * D_VEC // 8, 0)),
            pl.BlockSpec((1, HID), lambda b: (0, 0)),
            pl.BlockSpec((HID, D_VEC), lambda b: (0, 0)),
            pl.BlockSpec((1, D_VEC), lambda b: (0, 0)),
        ],
        out_specs=pl.BlockSpec((_MLP_C, D_VEC), lambda b: (b, 0)),
        out_shape=jax.ShapeDtypeStruct((n_rows, D_VEC), jnp.float32),
    )(packed, nsel_c, cnt_c, W1, W1, b1r, W2, b2r)


_SPLIT = 1


def kernel(v, batch_idx, mask, count, rank_scores, W1, b1, W2, b2):
    msT = jnp.where(mask, rank_scores, _NEG).T
    iT = batch_idx.astype(jnp.float32).T
    gT, nselT = _select(msT, iT)
    nsel_c = nselT.reshape(N_CH, 1)
    cnt_c = count.reshape(N_CH, 1)
    b1r = b1.reshape(1, HID)
    b2r = b2.reshape(1, D_VEC)
    H = N_CH // _SPLIT
    outs = []
    for h in range(_SPLIT):
        packed_h = _gather(gT, v, h, H)
        outs.append(_mlp(packed_h, nsel_c[h * H:(h + 1) * H],
                         cnt_c[h * H:(h + 1) * H], W1, b1r, W2, b2r))
    return outs[0] if _SPLIT == 1 else jnp.concatenate(outs, axis=0)

# --- scband reference (transcript-rebuilt; emitter-appended) ---
"""Pipeline reference for scband-concat-mlpaggregator-6167573037353 (READ-ONLY COPY).

The authoritative reference and input builder live on the scoring server;
editing this copy changes nothing except your own understanding.
"""

import jax, jax.numpy as jnp
import numpy as np

N_V = 100000
N_CHAINS = 4096
L = 50
D_V = 128
MAX_SET = 16
HIDDEN = 256


def setup_inputs(seed: int = 0) -> dict:
    key = jax.random.key(seed)
    ks = jax.random.split(key, 9)
    v = jax.random.normal(ks[0], (N_V, D_V), dtype=jnp.float32)
    batch_idx = jax.random.randint(ks[1], (N_CHAINS, L), 0, N_V, dtype=jnp.int64) if jax.config.jax_enable_x64 else jax.random.randint(ks[1], (N_CHAINS, L), 0, N_V, dtype=jnp.int32)
    mask = jax.random.randint(ks[2], (N_CHAINS, L), 0, 2).astype(jnp.bool_)
    count = jax.random.uniform(ks[3], (N_CHAINS,), dtype=jnp.float32) * 16.0
    rank_scores = jax.random.normal(ks[4], (N_CHAINS, L), dtype=jnp.float32)
    in_dim = MAX_SET * D_V + 1
    W1 = jax.random.normal(ks[5], (in_dim, HIDDEN), dtype=jnp.float32) * (1.0 / np.sqrt(in_dim))
    b1 = jnp.zeros((HIDDEN,), dtype=jnp.float32)
    W2 = jax.random.normal(ks[6], (HIDDEN, D_V), dtype=jnp.float32) * (1.0 / np.sqrt(HIDDEN))
    b2 = jnp.zeros((D_V,), dtype=jnp.float32)
    return {"v": v, "batch_idx": batch_idx, "mask": mask, "count": count,
            "rank_scores": rank_scores, "W1": W1, "b1": b1, "W2": W2, "b2": b2}


def _pack_selected_members(chain_x, mask, max_set_size, rank_scores):
    n_chains, Lm, d = chain_x.shape
    keep = min(int(max_set_size), int(Lm))
    base_scores = rank_scores.astype(jnp.float32)
    neg_inf = jnp.finfo(jnp.float32).min
    masked_scores = jnp.where(mask, base_scores, jnp.full_like(base_scores, neg_inf))
    _, top_idx = jax.lax.top_k(masked_scores, keep)
    picked = jnp.take_along_axis(mask, top_idx, axis=1)
    sentinel = jnp.full_like(top_idx, Lm)
    sortable = jnp.where(picked, top_idx, sentinel)
    order = jnp.argsort(sortable, axis=1)
    sortable = jnp.take_along_axis(sortable, order, axis=1)
    picked = jnp.take_along_axis(picked, order, axis=1)
    safe_idx = jnp.where(picked, sortable, jnp.zeros_like(sortable))
    gather_idx = jnp.broadcast_to(safe_idx[:, :, None], (n_chains, keep, d))
    packed = jnp.take_along_axis(chain_x, gather_idx, axis=1)
    packed = packed * picked[:, :, None].astype(packed.dtype)
    return packed, picked


def reference(v, batch_idx, mask, count, rank_scores, W1, b1, W2, b2):
    chain_v = jnp.take(v, batch_idx, axis=0)
    d_v = chain_v.shape[-1]
    packed, _ = _pack_selected_members(chain_v, mask, MAX_SET, rank_scores)
    n_chains = packed.shape[0]
    k_keep = packed.shape[1]
    if k_keep < MAX_SET:
        pad = jnp.zeros((n_chains, MAX_SET - k_keep, d_v), dtype=chain_v.dtype)
        packed = jnp.concatenate([packed, pad], axis=1)
    flat = packed.reshape(n_chains, MAX_SET * d_v)
    log_count = jnp.log1p(count.astype(chain_v.dtype))[:, None]
    x = jnp.concatenate([flat, log_count], axis=-1)
    h = jax.nn.gelu(x @ W1 + b1, approximate=False)
    out = h @ W2 + b2
    return out

if __name__ == "__main__":
    import jax
    _d = setup_inputs()
    print(jax.jit(kernel)(*tuple(_d.values())))

</pallas_src>

<mosaic_0001>
#map = affine_map<(d0, d1) -> (0, 0)>
module attributes {stable_mosaic.version = 14 : i64} {
  func.func @k(%arg0: i32, %arg1: i32, %arg2: memref<16x4096xi32, #tpu.memory_space<hbm>>, %arg3: memref<100000x128xf32, #tpu.memory_space<hbm>>, %arg4: memref<4096x2048xf32, #tpu.memory_space<hbm>>, %arg5: memref<2048xi32, #tpu.memory_space<vmem>>, %arg6: memref<128x128xf32, #tpu.memory_space<vmem>>, %arg7: memref<128x128xf32, #tpu.memory_space<vmem>>, %arg8: memref<128x128xf32, #tpu.memory_space<vmem>>, %arg9: memref<128x128xf32, #tpu.memory_space<vmem>>, %arg10: memref<!tpu.dma_semaphore, #tpu.memory_space<semaphore_mem>>, %arg11: memref<!tpu.dma_semaphore, #tpu.memory_space<semaphore_mem>>, %arg12: memref<!tpu.dma_semaphore, #tpu.memory_space<semaphore_mem>>, %arg13: memref<!tpu.dma_semaphore, #tpu.memory_space<semaphore_mem>>, %arg14: memref<!tpu.dma_semaphore, #tpu.memory_space<semaphore_mem>>, %arg15: memref<!tpu.dma_semaphore, #tpu.memory_space<semaphore_mem>>, %arg16: memref<!tpu.dma_semaphore, #tpu.memory_space<semaphore_mem>>, %arg17: memref<!tpu.dma_semaphore, #tpu.memory_space<semaphore_mem>>) attributes {dimension_semantics = [#tpu.dimension_semantics<core_parallel>, #tpu.dimension_semantics<subcore_parallel>], iteration_bounds = array<i64: 2, 16>, scalar_prefetch = 0 : i64, scratch_operands = 13 : i64, tpu.core_type = #tpu.core_type<sc_vector_subcore>, window_params = [{transform_indices = #map}, {transform_indices = #map}, {transform_indices = #map}]} {
    %mul3A = arith.constant 2 : i32
    %mul3A_0 = arith.muli %arg1, %mul3A : i32
    %add3A = arith.addi %mul3A_0, %arg0 : i32
    %jit3A = arith.constant 2 : i32
    %div3A = arith.divsi %add3A, %jit3A : i32
    %sign3A = arith.constant 0 : i32
    %sign3A_1 = arith.cmpi sgt, %add3A, %sign3A : i32
    %sign3A_2 = arith.extui %sign3A_1 : i1 to i32
    %sign3A_3 = arith.constant 0 : i32
    %sign3A_4 = arith.cmpi slt, %add3A, %sign3A_3 : i32
    %sign3A_5 = arith.extui %sign3A_4 : i1 to i32
    %sign3A_6 = arith.subi %sign3A_2, %sign3A_5 : i32
    %sign3A_7 = arith.constant 0 : i32
    %sign3A_8 = arith.cmpi sgt, %jit3A, %sign3A_7 : i32
    %sign3A_9 = arith.extui %sign3A_8 : i1 to i32
    %sign3A_10 = arith.constant 0 : i32
    %sign3A_11 = arith.cmpi slt, %jit3A, %sign3A_10 : i32
    %sign3A_12 = arith.extui %sign3A_11 : i1 to i32
    %sign3A_13 = arith.subi %sign3A_9, %sign3A_12 : i32
    %ne3A = arith.cmpi ne, %sign3A_6, %sign3A_13 : i32
    %rem3A = arith.remsi %add3A, %jit3A : i32
    %ne3A_14 = arith.constant 0 : i32
    %ne3A_15 = arith.cmpi ne, %rem3A, %ne3A_14 : i32
    %and3A = arith.andi %ne3A, %ne3A_15 : i1
    %sub3A = arith.constant 1 : i32
    %sub3A_16 = arith.subi %div3A, %sub3A : i32
    %select_n3A = arith.select %and3A, %sub3A_16, %div3A : i32
    %jit3A_17 = arith.constant 2 : i32
    %eq3A = arith.constant 0 : i32
    %eq3A_18 = arith.cmpi eq, %jit3A_17, %eq3A : i32
    %jit3A_19 = arith.constant 1 : i32
    %select_n3A_20 = arith.select %eq3A_18, %jit3A_19, %jit3A_17 : i32
    %rem3A_21 = arith.remsi %add3A, %select_n3A_20 : i32
    %ne3A_22 = arith.constant 0 : i32
    %ne3A_23 = arith.cmpi ne, %rem3A_21, %ne3A_22 : i32
    %lt3A = arith.constant 0 : i32
    %lt3A_24 = arith.cmpi slt, %rem3A_21, %lt3A : i32
    %lt3A_25 = arith.constant 0 : i32
    %lt3A_26 = arith.cmpi slt, %select_n3A_20, %lt3A_25 : i32
    %ne3A_27 = arith.xori %lt3A_24, %lt3A_26 : i1
    %and3A_28 = arith.andi %ne3A_27, %ne3A_23 : i1
    %add3A_29 = arith.addi %rem3A_21, %select_n3A_20 : i32
    %select_n3A_30 = arith.select %and3A_28, %add3A_29, %rem3A_21 : i32
    %mul3A_31 = arith.constant 2048 : i32
    %mul3A_32 = arith.muli %select_n3A_30, %mul3A_31 : i32
    %add3A_33 = arith.constant 0 : i32
    %add3A_34 = arith.addi %add3A_33, %mul3A_32 : i32
    "tpu.region"() ({
      %run_scoped3A = tpu.sem_alloc : memref<!tpu.dma_semaphore, #tpu.memory_space<semaphore_mem>>
      %dma_start3A_321 = tpu.memref_slice %arg2[%select_n3A, %add3A_34] : memref<16x4096xi32, #tpu.memory_space<hbm>> -> memref<1x2048xi32, #tpu.memory_space<hbm>>
      %dma_start3A_322 = tpu.memref_squeeze %dma_start3A_321 : memref<1x2048xi32, #tpu.memory_space<hbm>> -> memref<2048xi32, #tpu.memory_space<hbm>>
      %dma_start3A_323 = tpu.memref_slice %arg2[%select_n3A, %add3A_34] : memref<16x4096xi32, #tpu.memory_space<hbm>> -> memref<1x2048xi32, #tpu.memory_space<hbm>>
      %dma_start3A_324 = tpu.memref_squeeze %dma_start3A_323 : memref<1x2048xi32, #tpu.memory_space<hbm>> -> memref<2048xi32, #tpu.memory_space<hbm>>
      tpu.enqueue_dma source(%dma_start3A_324 : memref<2048xi32, #tpu.memory_space<hbm>>) target(%arg5 : memref<2048xi32, #tpu.memory_space<vmem>>) target_semaphore(%run_scoped3A : memref<!tpu.dma_semaphore, #tpu.memory_space<semaphore_mem>>)
      %dma_wait3A_325 = tpu.memref_slice %arg2[%select_n3A, %add3A_34] : memref<16x4096xi32, #tpu.memory_space<hbm>> -> memref<1x2048xi32, #tpu.memory_space<hbm>>
      %dma_wait3A_326 = tpu.memref_squeeze %dma_wait3A_325 : memref<1x2048xi32, #tpu.memory_space<hbm>> -> memref<2048xi32, #tpu.memory_space<hbm>>
      %dma_wait3A_327 = tpu.memref_slice %arg2[%select_n3A, %add3A_34] : memref<16x4096xi32, #tpu.memory_space<hbm>> -> memref<1x2048xi32, #tpu.memory_space<hbm>>
      %dma_wait3A_328 = tpu.memref_squeeze %dma_wait3A_327 : memref<1x2048xi32, #tpu.memory_space<hbm>> -> memref<2048xi32, #tpu.memory_space<hbm>>
      tpu.wait_dma2 semaphore(%run_scoped3A : memref<!tpu.dma_semaphore, #tpu.memory_space<semaphore_mem>>) src(%dma_wait3A_328 : memref<2048xi32, #tpu.memory_space<hbm>>) dst(%arg5 : memref<2048xi32, #tpu.memory_space<vmem>>)
      tpu.yield
    }) : () -> ()
    %dma_start3A = arith.constant 0 : i32
    %dma_start3A_35 = tpu.memref_slice %arg5[%dma_start3A] : memref<2048xi32, #tpu.memory_space<vmem>> -> memref<128xi32, #tpu.memory_space<vmem>>
    %dma_start3A_36 = arith.constant 0 : i32
    %dma_start3A_37 = arith.constant 0 : i32
    %dma_start3A_38 = tpu.memref_slice %arg3[%dma_start3A_36, %dma_start3A_37] : memref<100000x128xf32, #tpu.memory_space<hbm>> -> memref<100000x128xf32, #tpu.memory_space<hbm>>
    tpu.enqueue_indirect_dma source(%dma_start3A_38 : memref<100000x128xf32, #tpu.memory_space<hbm>>) target(%arg6 : memref<128x128xf32, #tpu.memory_space<vmem>>) offsets(%dma_start3A_35 : memref<128xi32, #tpu.memory_space<vmem>>) semaphore(%arg10 : memref<!tpu.dma_semaphore, #tpu.memory_space<semaphore_mem>>)
    %dma_start3A_39 = arith.constant 128 : i32
    %dma_start3A_40 = tpu.memref_slice %arg5[%dma_start3A_39] : memref<2048xi32, #tpu.memory_space<vmem>> -> memref<128xi32, #tpu.memory_space<vmem>>
    %dma_start3A_41 = arith.constant 0 : i32
    %dma_start3A_42 = arith.constant 0 : i32
    %dma_start3A_43 = tpu.memref_slice %arg3[%dma_start3A_41, %dma_start3A_42] : memref<100000x128xf32, #tpu.memory_space<hbm>> -> memref<100000x128xf32, #tpu.memory_space<hbm>>
    tpu.enqueue_indirect_dma source(%dma_start3A_43 : memref<100000x128xf32, #tpu.memory_space<hbm>>) target(%arg7 : memref<128x128xf32, #tpu.memory_space<vmem>>) offsets(%dma_start3A_40 : memref<128xi32, #tpu.memory_space<vmem>>) semaphore(%arg11 : memref<!tpu.dma_semaphore, #tpu.memory_space<semaphore_mem>>)
    %dma_wait3A = arith.constant 0 : i32
    %dma_wait3A_44 = tpu.memref_slice %arg5[%dma_wait3A] : memref<2048xi32, #tpu.memory_space<vmem>> -> memref<128xi32, #tpu.memory_space<vmem>>
    %dma_wait3A_45 = arith.constant 0 : i32
    %dma_wait3A_46 = arith.constant 0 : i32
    %dma_wait3A_47 = tpu.memref_slice %arg3[%dma_wait3A_45, %dma_wait3A_46] : memref<100000x128xf32, #tpu.memory_space<hbm>> -> memref<100000x128xf32, #tpu.memory_space<hbm>>
    tpu.wait_indirect_dma semaphore(%arg10 : memref<!tpu.dma_semaphore, #tpu.memory_space<semaphore_mem>>) src(%dma_wait3A_47 : memref<100000x128xf32, #tpu.memory_space<hbm>>) dst(%arg6 : memref<128x128xf32, #tpu.memory_space<vmem>>)
    %add3A_48 = arith.constant 0 : i32
    %add3A_49 = arith.addi %mul3A_32, %add3A_48 : i32
    %mul3A_50 = arith.constant 128 : i32
    %mul3A_51 = arith.muli %select_n3A, %mul3A_50 : i32
    %dma_start3A_52 = tpu.memref_slice %arg4[%add3A_49, %mul3A_51] : memref<4096x2048xf32, #tpu.memory_space<hbm>> -> memref<128x128xf32, #tpu.memory_space<hbm>>
    %dma_start3A_53 = tpu.memref_slice %arg4[%add3A_49, %mul3A_51] : memref<4096x2048xf32, #tpu.memory_space<hbm>> -> memref<128x128xf32, #tpu.memory_space<hbm>>
    tpu.enqueue_dma source(%arg6 : memref<128x128xf32, #tpu.memory_space<vmem>>) target(%dma_start3A_53 : memref<128x128xf32, #tpu.memory_space<hbm>>) target_semaphore(%arg14 : memref<!tpu.dma_semaphore, #tpu.memory_space<semaphore_mem>>)
    %dma_start3A_54 = arith.constant 256 : i32
    %dma_start3A_55 = tpu.memref_slice %arg5[%dma_start3A_54] : memref<2048xi32, #tpu.memory_space<vmem>> -> memref<128xi32, #tpu.memory_space<vmem>>
    %dma_start3A_56 = arith.constant 0 : i32
    %dma_start3A_57 = arith.constant 0 : i32
    %dma_start3A_58 = tpu.memref_slice %arg3[%dma_start3A_56, %dma_start3A_57] : memref<100000x128xf32, #tpu.memory_space<hbm>> -> memref<100000x128xf32, #tpu.memory_space<hbm>>
    tpu.enqueue_indirect_dma source(%dma_start3A_58 : memref<100000x128xf32, #tpu.memory_space<hbm>>) target(%arg8 : memref<128x128xf32, #tpu.memory_space<vmem>>) offsets(%dma_start3A_55 : memref<128xi32, #tpu.memory_space<vmem>>) semaphore(%arg12 : memref<!tpu.dma_semaphore, #tpu.memory_space<semaphore_mem>>)
    %dma_wait3A_59 = arith.constant 128 : i32
    %dma_wait3A_60 = tpu.memref_slice %arg5[%dma_wait3A_59] : memref<2048xi32, #tpu.memory_space<vmem>> -> memref<128xi32, #tpu.memory_space<vmem>>
    %dma_wait3A_61 = arith.constant 0 : i32
    %dma_wait3A_62 = arith.constant 0 : i32
    %dma_wait3A_63 = tpu.memref_slice %arg3[%dma_wait3A_61, %dma_wait3A_62] : memref<100000x128xf32, #tpu.memory_space<hbm>> -> memref<100000x128xf32, #tpu.memory_space<hbm>>
    tpu.wait_indirect_dma semaphore(%arg11 : memref<!tpu.dma_semaphore, #tpu.memory_space<semaphore_mem>>) src(%dma_wait3A_63 : memref<100000x128xf32, #tpu.memory_space<hbm>>) dst(%arg7 : memref<128x128xf32, #tpu.memory_space<vmem>>)
    %add3A_64 = arith.constant 128 : i32
    %add3A_65 = arith.addi %mul3A_32, %add3A_64 : i32
    %mul3A_66 = arith.constant 128 : i32
    %mul3A_67 = arith.muli %select_n3A, %mul3A_66 : i32
    %dma_start3A_68 = tpu.memref_slice %arg4[%add3A_65, %mul3A_67] : memref<4096x2048xf32, #tpu.memory_space<hbm>> -> memref<128x128xf32, #tpu.memory_space<hbm>>
    %dma_start3A_69 = tpu.memref_slice %arg4[%add3A_65, %mul3A_67] : memref<4096x2048xf32, #tpu.memory_space<hbm>> -> memref<128x128xf32, #tpu.memory_space<hbm>>
    tpu.enqueue_dma source(%arg7 : memref<128x128xf32, #tpu.memory_space<vmem>>) target(%dma_start3A_69 : memref<128x128xf32, #tpu.memory_space<hbm>>) target_semaphore(%arg15 : memref<!tpu.dma_semaphore, #tpu.memory_space<semaphore_mem>>)
    %dma_start3A_70 = arith.constant 384 : i32
    %dma_start3A_71 = tpu.memref_slice %arg5[%dma_start3A_70] : memref<2048xi32, #tpu.memory_space<vmem>> -> memref<128xi32, #tpu.memory_space<vmem>>
    %dma_start3A_72 = arith.constant 0 : i32
    %dma_start3A_73 = arith.constant 0 : i32
    %dma_start3A_74 = tpu.memref_slice %arg3[%dma_start3A_72, %dma_start3A_73] : memref<100000x128xf32, #tpu.memory_space<hbm>> -> memref<100000x128xf32, #tpu.memory_space<hbm>>
    tpu.enqueue_indirect_dma source(%dma_start3A_74 : memref<100000x128xf32, #tpu.memory_space<hbm>>) target(%arg9 : memref<128x128xf32, #tpu.memory_space<vmem>>) offsets(%dma_start3A_71 : memref<128xi32, #tpu.memory_space<vmem>>) semaphore(%arg13 : memref<!tpu.dma_semaphore, #tpu.memory_space<semaphore_mem>>)
    %dma_wait3A_75 = arith.constant 256 : i32
    %dma_wait3A_76 = tpu.memref_slice %arg5[%dma_wait3A_75] : memref<2048xi32, #tpu.memory_space<vmem>> -> memref<128xi32, #tpu.memory_space<vmem>>
    %dma_wait3A_77 = arith.constant 0 : i32
    %dma_wait3A_78 = arith.constant 0 : i32
    %dma_wait3A_79 = tpu.memref_slice %arg3[%dma_wait3A_77, %dma_wait3A_78] : memref<100000x128xf32, #tpu.memory_space<hbm>> -> memref<100000x128xf32, #tpu.memory_space<hbm>>
    tpu.wait_indirect_dma semaphore(%arg12 : memref<!tpu.dma_semaphore, #tpu.memory_space<semaphore_mem>>) src(%dma_wait3A_79 : memref<100000x128xf32, #tpu.memory_space<hbm>>) dst(%arg8 : memref<128x128xf32, #tpu.memory_space<vmem>>)
    %add3A_80 = arith.constant 256 : i32
    %add3A_81 = arith.addi %mul3A_32, %add3A_80 : i32
    %mul3A_82 = arith.constant 128 : i32
    %mul3A_83 = arith.muli %select_n3A, %mul3A_82 : i32
    %dma_start3A_84 = tpu.memref_slice %arg4[%add3A_81, %mul3A_83] : memref<4096x2048xf32, #tpu.memory_space<hbm>> -> memref<128x128xf32, #tpu.memory_space<hbm>>
    %dma_start3A_85 = tpu.memref_slice %arg4[%add3A_81, %mul3A_83] : memref<4096x2048xf32, #tpu.memory_space<hbm>> -> memref<128x128xf32, #tpu.memory_space<hbm>>
    tpu.enqueue_dma source(%arg8 : memref<128x128xf32, #tpu.memory_space<vmem>>) target(%dma_start3A_85 : memref<128x128xf32, #tpu.memory_space<hbm>>) target_semaphore(%arg16 : memref<!tpu.dma_semaphore, #tpu.memory_space<semaphore_mem>>)
    %dma_wait3A_86 = tpu.memref_slice %arg4[%add3A_49, %mul3A_51] : memref<4096x2048xf32, #tpu.memory_space<hbm>> -> memref<128x128xf32, #tpu.memory_space<hbm>>
    %dma_wait3A_87 = tpu.memref_slice %arg4[%add3A_49, %mul3A_51] : memref<4096x2048xf32, #tpu.memory_space<hbm>> -> memref<128x128xf32, #tpu.memory_space<hbm>>
    tpu.wait_dma2 semaphore(%arg14 : memref<!tpu.dma_semaphore, #tpu.memory_space<semaphore_mem>>) src(%arg6 : memref<128x128xf32, #tpu.memory_space<vmem>>) dst(%dma_wait3A_87 : memref<128x128xf32, #tpu.memory_space<hbm>>)
    %dma_start3A_88 = arith.constant 512 : i32
    %dma_start3A_89 = tpu.memref_slice %arg5[%dma_start3A_88] : memref<2048xi32, #tpu.memory_space<vmem>> -> memref<128xi32, #tpu.memory_space<vmem>>
    %dma_start3A_90 = arith.constant 0 : i32
    %dma_start3A_91 = arith.constant 0 : i32
    %dma_start3A_92 = tpu.memref_slice %arg3[%dma_start3A_90, %dma_start3A_91] : memref<100000x128xf32, #tpu.memory_space<hbm>> -> memref<100000x128xf32, #tpu.memory_space<hbm>>
    tpu.enqueue_indirect_dma source(%dma_start3A_92 : memref<100000x128xf32, #tpu.memory_space<hbm>>) target(%arg6 : memref<128x128xf32, #tpu.memory_space<vmem>>) offsets(%dma_start3A_89 : memref<128xi32, #tpu.memory_space<vmem>>) semaphore(%arg10 : memref<!tpu.dma_semaphore, #tpu.memory_space<semaphore_mem>>)
    %dma_wait3A_93 = arith.constant 384 : i32
    %dma_wait3A_94 = tpu.memref_slice %arg5[%dma_wait3A_93] : memref<2048xi32, #tpu.memory_space<vmem>> -> memref<128xi32, #tpu.memory_space<vmem>>
    %dma_wait3A_95 = arith.constant 0 : i32
    %dma_wait3A_96 = arith.constant 0 : i32
    %dma_wait3A_97 = tpu.memref_slice %arg3[%dma_wait3A_95, %dma_wait3A_96] : memref<100000x128xf32, #tpu.memory_space<hbm>> -> memref<100000x128xf32, #tpu.memory_space<hbm>>
    tpu.wait_indirect_dma semaphore(%arg13 : memref<!tpu.dma_semaphore, #tpu.memory_space<semaphore_mem>>) src(%dma_wait3A_97 : memref<100000x128xf32, #tpu.memory_space<hbm>>) dst(%arg9 : memref<128x128xf32, #tpu.memory_space<vmem>>)
    %add3A_98 = arith.constant 384 : i32
    %add3A_99 = arith.addi %mul3A_32, %add3A_98 : i32
    %mul3A_100 = arith.constant 128 : i32
    %mul3A_101 = arith.muli %select_n3A, %mul3A_100 : i32
    %dma_start3A_102 = tpu.memref_slice %arg4[%add3A_99, %mul3A_101] : memref<4096x2048xf32, #tpu.memory_space<hbm>> -> memref<128x128xf32, #tpu.memory_space<hbm>>
    %dma_start3A_103 = tpu.memref_slice %arg4[%add3A_99, %mul3A_101] : memref<4096x2048xf32, #tpu.memory_space<hbm>> -> memref<128x128xf32, #tpu.memory_space<hbm>>
    tpu.enqueue_dma source(%arg9 : memref<128x128xf32, #tpu.memory_space<vmem>>) target(%dma_start3A_103 : memref<128x128xf32, #tpu.memory_space<hbm>>) target_semaphore(%arg17 : memref<!tpu.dma_semaphore, #tpu.memory_space<semaphore_mem>>)
    %dma_wait3A_104 = tpu.memref_slice %arg4[%add3A_65, %mul3A_67] : memref<4096x2048xf32, #tpu.memory_space<hbm>> -> memref<128x128xf32, #tpu.memory_space<hbm>>
    %dma_wait3A_105 = tpu.memref_slice %arg4[%add3A_65, %mul3A_67] : memref<4096x2048xf32, #tpu.memory_space<hbm>> -> memref<128x128xf32, #tpu.memory_space<hbm>>
    tpu.wait_dma2 semaphore(%arg15 : memref<!tpu.dma_semaphore, #tpu.memory_space<semaphore_mem>>) src(%arg7 : memref<128x128xf32, #tpu.memory_space<vmem>>) dst(%dma_wait3A_105 : memref<128x128xf32, #tpu.memory_space<hbm>>)
    %dma_start3A_106 = arith.constant 640 : i32
    %dma_start3A_107 = tpu.memref_slice %arg5[%dma_start3A_106] : memref<2048xi32, #tpu.memory_space<vmem>> -> memref<128xi32, #tpu.memory_space<vmem>>
    %dma_start3A_108 = arith.constant 0 : i32
    %dma_start3A_109 = arith.constant 0 : i32
    %dma_start3A_110 = tpu.memref_slice %arg3[%dma_start3A_108, %dma_start3A_109] : memref<100000x128xf32, #tpu.memory_space<hbm>> -> memref<100000x128xf32, #tpu.memory_space<hbm>>
    tpu.enqueue_indirect_dma source(%dma_start3A_110 : memref<100000x128xf32, #tpu.memory_space<hbm>>) target(%arg7 : memref<128x128xf32, #tpu.memory_space<vmem>>) offsets(%dma_start3A_107 : memref<128xi32, #tpu.memory_space<vmem>>) semaphore(%arg11 : memref<!tpu.dma_semaphore, #tpu.memory_space<semaphore_mem>>)
    %dma_wait3A_111 = arith.constant 512 : i32
    %dma_wait3A_112 = tpu.memref_slice %arg5[%dma_wait3A_111] : memref<2048xi32, #tpu.memory_space<vmem>> -> memref<128xi32, #tpu.memory_space<vmem>>
    %dma_wait3A_113 = arith.constant 0 : i32
    %dma_wait3A_114 = arith.constant 0 : i32
    %dma_wait3A_115 = tpu.memref_slice %arg3[%dma_wait3A_113, %dma_wait3A_114] : memref<100000x128xf32, #tpu.memory_space<hbm>> -> memref<100000x128xf32, #tpu.memory_space<hbm>>
    tpu.wait_indirect_dma semaphore(%arg10 : memref<!tpu.dma_semaphore, #tpu.memory_space<semaphore_mem>>) src(%dma_wait3A_115 : memref<100000x128xf32, #tpu.memory_space<hbm>>) dst(%arg6 : memref<128x128xf32, #tpu.memory_space<vmem>>)
    %add3A_116 = arith.constant 512 : i32
    %add3A_117 = arith.addi %mul3A_32, %add3A_116 : i32
    %mul3A_118 = arith.constant 128 : i32
    %mul3A_119 = arith.muli %select_n3A, %mul3A_118 : i32
    %dma_start3A_120 = tpu.memref_slice %arg4[%add3A_117, %mul3A_119] : memref<4096x2048xf32, #tpu.memory_space<hbm>> -> memref<128x128xf32, #tpu.memory_space<hbm>>
    %dma_start3A_121 = tpu.memref_slice %arg4[%add3A_117, %mul3A_119] : memref<4096x2048xf32, #tpu.memory_space<hbm>> -> memref<128x128xf32, #tpu.memory_space<hbm>>
    tpu.enqueue_dma source(%arg6 : memref<128x128xf32, #tpu.memory_space<vmem>>) target(%dma_start3A_121 : memref<128x128xf32, #tpu.memory_space<hbm>>) target_semaphore(%arg14 : memref<!tpu.dma_semaphore, #tpu.memory_space<semaphore_mem>>)
    %dma_wait3A_122 = tpu.memref_slice %arg4[%add3A_81, %mul3A_83] : memref<4096x2048xf32, #tpu.memory_space<hbm>> -> memref<128x128xf32, #tpu.memory_space<hbm>>
    %dma_wait3A_123 = tpu.memref_slice %arg4[%add3A_81, %mul3A_83] : memref<4096x2048xf32, #tpu.memory_space<hbm>> -> memref<128x128xf32, #tpu.memory_space<hbm>>
    tpu.wait_dma2 semaphore(%arg16 : memref<!tpu.dma_semaphore, #tpu.memory_space<semaphore_mem>>) src(%arg8 : memref<128x128xf32, #tpu.memory_space<vmem>>) dst(%dma_wait3A_123 : memref<128x128xf32, #tpu.memory_space<hbm>>)
    %dma_start3A_124 = arith.constant 768 : i32
    %dma_start3A_125 = tpu.memref_slice %arg5[%dma_start3A_124] : memref<2048xi32, #tpu.memory_space<vmem>> -> memref<128xi32, #tpu.memory_space<vmem>>
    %dma_start3A_126 = arith.constant 0 : i32
    %dma_start3A_127 = arith.constant 0 : i32
    %dma_start3A_128 = tpu.memref_slice %arg3[%dma_start3A_126, %dma_start3A_127] : memref<100000x128xf32, #tpu.memory_space<hbm>> -> memref<100000x128xf32, #tpu.memory_space<hbm>>
    tpu.enqueue_indirect_dma source(%dma_start3A_128 : memref<100000x128xf32, #tpu.memory_space<hbm>>) target(%arg8 : memref<128x128xf32, #tpu.memory_space<vmem>>) offsets(%dma_start3A_125 : memref<128xi32, #tpu.memory_space<vmem>>) semaphore(%arg12 : memref<!tpu.dma_semaphore, #tpu.memory_space<semaphore_mem>>)
    %dma_wait3A_129 = arith.constant 640 : i32
    %dma_wait3A_130 = tpu.memref_slice %arg5[%dma_wait3A_129] : memref<2048xi32, #tpu.memory_space<vmem>> -> memref<128xi32, #tpu.memory_space<vmem>>
    %dma_wait3A_131 = arith.constant 0 : i32
    %dma_wait3A_132 = arith.constant 0 : i32
    %dma_wait3A_133 = tpu.memref_slice %arg3[%dma_wait3A_131, %dma_wait3A_132] : memref<100000x128xf32, #tpu.memory_space<hbm>> -> memref<100000x128xf32, #tpu.memory_space<hbm>>
    tpu.wait_indirect_dma semaphore(%arg11 : memref<!tpu.dma_semaphore, #tpu.memory_space<semaphore_mem>>) src(%dma_wait3A_133 : memref<100000x128xf32, #tpu.memory_space<hbm>>) dst(%arg7 : memref<128x128xf32, #tpu.memory_space<vmem>>)
    %add3A_134 = arith.constant 640 : i32
    %add3A_135 = arith.addi %mul3A_32, %add3A_134 : i32
    %mul3A_136 = arith.constant 128 : i32
    %mul3A_137 = arith.muli %select_n3A, %mul3A_136 : i32
    %dma_start3A_138 = tpu.memref_slice %arg4[%add3A_135, %mul3A_137] : memref<4096x2048xf32, #tpu.memory_space<hbm>> -> memref<128x128xf32, #tpu.memory_space<hbm>>
    %dma_start3A_139 = tpu.memref_slice %arg4[%add3A_135, %mul3A_137] : memref<4096x2048xf32, #tpu.memory_space<hbm>> -> memref<128x128xf32, #tpu.memory_space<hbm>>
    tpu.enqueue_dma source(%arg7 : memref<128x128xf32, #tpu.memory_space<vmem>>) target(%dma_start3A_139 : memref<128x128xf32, #tpu.memory_space<hbm>>) target_semaphore(%arg15 : memref<!tpu.dma_semaphore, #tpu.memory_space<semaphore_mem>>)
    %dma_wait3A_140 = tpu.memref_slice %arg4[%add3A_99, %mul3A_101] : memref<4096x2048xf32, #tpu.memory_space<hbm>> -> memref<128x128xf32, #tpu.memory_space<hbm>>
    %dma_wait3A_141 = tpu.memref_slice %arg4[%add3A_99, %mul3A_101] : memref<4096x2048xf32, #tpu.memory_space<hbm>> -> memref<128x128xf32, #tpu.memory_space<hbm>>
    tpu.wait_dma2 semaphore(%arg17 : memref<!tpu.dma_semaphore, #tpu.memory_space<semaphore_mem>>) src(%arg9 : memref<128x128xf32, #tpu.memory_space<vmem>>) dst(%dma_wait3A_141 : memref<128x128xf32, #tpu.memory_space<hbm>>)
    %dma_start3A_142 = arith.constant 896 : i32
    %dma_start3A_143 = tpu.memref_slice %arg5[%dma_start3A_142] : memref<2048xi32, #tpu.memory_space<vmem>> -> memref<128xi32, #tpu.memory_space<vmem>>
    %dma_start3A_144 = arith.constant 0 : i32
    %dma_start3A_145 = arith.constant 0 : i32
    %dma_start3A_146 = tpu.memref_slice %arg3[%dma_start3A_144, %dma_start3A_145] : memref<100000x128xf32, #tpu.memory_space<hbm>> -> memref<100000x128xf32, #tpu.memory_space<hbm>>
    tpu.enqueue_indirect_dma source(%dma_start3A_146 : memref<100000x128xf32, #tpu.memory_space<hbm>>) target(%arg9 : memref<128x128xf32, #tpu.memory_space<vmem>>) offsets(%dma_start3A_143 : memref<128xi32, #tpu.memory_space<vmem>>) semaphore(%arg13 : memref<!tpu.dma_semaphore, #tpu.memory_space<semaphore_mem>>)
    %dma_wait3A_147 = arith.constant 768 : i32
    %dma_wait3A_148 = tpu.memref_slice %arg5[%dma_wait3A_147] : memref<2048xi32, #tpu.memory_space<vmem>> -> memref<128xi32, #tpu.memory_space<vmem>>
    %dma_wait3A_149 = arith.constant 0 : i32
    %dma_wait3A_150 = arith.constant 0 : i32
    %dma_wait3A_151 = tpu.memref_slice %arg3[%dma_wait3A_149, %dma_wait3A_150] : memref<100000x128xf32, #tpu.memory_space<hbm>> -> memref<100000x128xf32, #tpu.memory_space<hbm>>
    tpu.wait_indirect_dma semaphore(%arg12 : memref<!tpu.dma_semaphore, #tpu.memory_space<semaphore_mem>>) src(%dma_wait3A_151 : memref<100000x128xf32, #tpu.memory_space<hbm>>) dst(%arg8 : memref<128x128xf32, #tpu.memory_space<vmem>>)
    %add3A_152 = arith.constant 768 : i32
    %add3A_153 = arith.addi %mul3A_32, %add3A_152 : i32
    %mul3A_154 = arith.constant 128 : i32
    %mul3A_155 = arith.muli %select_n3A, %mul3A_154 : i32
    %dma_start3A_156 = tpu.memref_slice %arg4[%add3A_153, %mul3A_155] : memref<4096x2048xf32, #tpu.memory_space<hbm>> -> memref<128x128xf32, #tpu.memory_space<hbm>>
    %dma_start3A_157 = tpu.memref_slice %arg4[%add3A_153, %mul3A_155] : memref<4096x2048xf32, #tpu.memory_space<hbm>> -> memref<128x128xf32, #tpu.memory_space<hbm>>
    tpu.enqueue_dma source(%arg8 : memref<128x128xf32, #tpu.memory_space<vmem>>) target(%dma_start3A_157 : memref<128x128xf32, #tpu.memory_space<hbm>>) target_semaphore(%arg16 : memref<!tpu.dma_semaphore, #tpu.memory_space<semaphore_mem>>)
    %dma_wait3A_158 = tpu.memref_slice %arg4[%add3A_117, %mul3A_119] : memref<4096x2048xf32, #tpu.memory_space<hbm>> -> memref<128x128xf32, #tpu.memory_space<hbm>>
    %dma_wait3A_159 = tpu.memref_slice %arg4[%add3A_117, %mul3A_119] : memref<4096x2048xf32, #tpu.memory_space<hbm>> -> memref<128x128xf32, #tpu.memory_space<hbm>>
    tpu.wait_dma2 semaphore(%arg14 : memref<!tpu.dma_semaphore, #tpu.memory_space<semaphore_mem>>) src(%arg6 : memref<128x128xf32, #tpu.memory_space<vmem>>) dst(%dma_wait3A_159 : memref<128x128xf32, #tpu.memory_space<hbm>>)
    %dma_start3A_160 = arith.constant 1024 : i32
    %dma_start3A_161 = tpu.memref_slice %arg5[%dma_start3A_160] : memref<2048xi32, #tpu.memory_space<vmem>> -> memref<128xi32, #tpu.memory_space<vmem>>
    %dma_start3A_162 = arith.constant 0 : i32
    %dma_start3A_163 = arith.constant 0 : i32
    %dma_start3A_164 = tpu.memref_slice %arg3[%dma_start3A_162, %dma_start3A_163] : memref<100000x128xf32, #tpu.memory_space<hbm>> -> memref<100000x128xf32, #tpu.memory_space<hbm>>
    tpu.enqueue_indirect_dma source(%dma_start3A_164 : memref<100000x128xf32, #tpu.memory_space<hbm>>) target(%arg6 : memref<128x128xf32, #tpu.memory_space<vmem>>) offsets(%dma_start3A_161 : memref<128xi32, #tpu.memory_space<vmem>>) semaphore(%arg10 : memref<!tpu.dma_semaphore, #tpu.memory_space<semaphore_mem>>)
    %dma_wait3A_165 = arith.constant 896 : i32
    %dma_wait3A_166 = tpu.memref_slice %arg5[%dma_wait3A_165] : memref<2048xi32, #tpu.memory_space<vmem>> -> memref<128xi32, #tpu.memory_space<vmem>>
    %dma_wait3A_167 = arith.constant 0 : i32
    %dma_wait3A_168 = arith.constant 0 : i32
    %dma_wait3A_169 = tpu.memref_slice %arg3[%dma_wait3A_167, %dma_wait3A_168] : memref<100000x128xf32, #tpu.memory_space<hbm>> -> memref<100000x128xf32, #tpu.memory_space<hbm>>
    tpu.wait_indirect_dma semaphore(%arg13 : memref<!tpu.dma_semaphore, #tpu.memory_space<semaphore_mem>>) src(%dma_wait3A_169 : memref<100000x128xf32, #tpu.memory_space<hbm>>) dst(%arg9 : memref<128x128xf32, #tpu.memory_space<vmem>>)
    %add3A_170 = arith.constant 896 : i32
    %add3A_171 = arith.addi %mul3A_32, %add3A_170 : i32
    %mul3A_172 = arith.constant 128 : i32
    %mul3A_173 = arith.muli %select_n3A, %mul3A_172 : i32
    %dma_start3A_174 = tpu.memref_slice %arg4[%add3A_171, %mul3A_173] : memref<4096x2048xf32, #tpu.memory_space<hbm>> -> memref<128x128xf32, #tpu.memory_space<hbm>>
    %dma_start3A_175 = tpu.memref_slice %arg4[%add3A_171, %mul3A_173] : memref<4096x2048xf32, #tpu.memory_space<hbm>> -> memref<128x128xf32, #tpu.memory_space<hbm>>
    tpu.enqueue_dma source(%arg9 : memref<128x128xf32, #tpu.memory_space<vmem>>) target(%dma_start3A_175 : memref<128x128xf32, #tpu.memory_space<hbm>>) target_semaphore(%arg17 : memref<!tpu.dma_semaphore, #tpu.memory_space<semaphore_mem>>)
    %dma_wait3A_176 = tpu.memref_slice %arg4[%add3A_135, %mul3A_137] : memref<4096x2048xf32, #tpu.memory_space<hbm>> -> memref<128x128xf32, #tpu.memory_space<hbm>>
    %dma_wait3A_177 = tpu.memref_slice %arg4[%add3A_135, %mul3A_137] : memref<4096x2048xf32, #tpu.memory_space<hbm>> -> memref<128x128xf32, #tpu.memory_space<hbm>>
    tpu.wait_dma2 semaphore(%arg15 : memref<!tpu.dma_semaphore, #tpu.memory_space<semaphore_mem>>) src(%arg7 : memref<128x128xf32, #tpu.memory_space<vmem>>) dst(%dma_wait3A_177 : memref<128x128xf32, #tpu.memory_space<hbm>>)
    %dma_start3A_178 = arith.constant 1152 : i32
    %dma_start3A_179 = tpu.memref_slice %arg5[%dma_start3A_178] : memref<2048xi32, #tpu.memory_space<vmem>> -> memref<128xi32, #tpu.memory_space<vmem>>
    %dma_start3A_180 = arith.constant 0 : i32
    %dma_start3A_181 = arith.constant 0 : i32
    %dma_start3A_182 = tpu.memref_slice %arg3[%dma_start3A_180, %dma_start3A_181] : memref<100000x128xf32, #tpu.memory_space<hbm>> -> memref<100000x128xf32, #tpu.memory_space<hbm>>
    tpu.enqueue_indirect_dma source(%dma_start3A_182 : memref<100000x128xf32, #tpu.memory_space<hbm>>) target(%arg7 : memref<128x128xf32, #tpu.memory_space<vmem>>) offsets(%dma_start3A_179 : memref<128xi32, #tpu.memory_space<vmem>>) semaphore(%arg11 : memref<!tpu.dma_semaphore, #tpu.memory_space<semaphore_mem>>)
    %dma_wait3A_183 = arith.constant 1024 : i32
    %dma_wait3A_184 = tpu.memref_slice %arg5[%dma_wait3A_183] : memref<2048xi32, #tpu.memory_space<vmem>> -> memref<128xi32, #tpu.memory_space<vmem>>
    %dma_wait3A_185 = arith.constant 0 : i32
    %dma_wait3A_186 = arith.constant 0 : i32
    %dma_wait3A_187 = tpu.memref_slice %arg3[%dma_wait3A_185, %dma_wait3A_186] : memref<100000x128xf32, #tpu.memory_space<hbm>> -> memref<100000x128xf32, #tpu.memory_space<hbm>>
    tpu.wait_indirect_dma semaphore(%arg10 : memref<!tpu.dma_semaphore, #tpu.memory_space<semaphore_mem>>) src(%dma_wait3A_187 : memref<100000x128xf32, #tpu.memory_space<hbm>>) dst(%arg6 : memref<128x128xf32, #tpu.memory_space<vmem>>)
    %add3A_188 = arith.constant 1024 : i32
    %add3A_189 = arith.addi %mul3A_32, %add3A_188 : i32
    %mul3A_190 = arith.constant 128 : i32
    %mul3A_191 = arith.muli %select_n3A, %mul3A_190 : i32
    %dma_start3A_192 = tpu.memref_slice %arg4[%add3A_189, %mul3A_191] : memref<4096x2048xf32, #tpu.memory_space<hbm>> -> memref<128x128xf32, #tpu.memory_space<hbm>>
    %dma_start3A_193 = tpu.memref_slice %arg4[%add3A_189, %mul3A_191] : memref<4096x2048xf32, #tpu.memory_space<hbm>> -> memref<128x128xf32, #tpu.memory_space<hbm>>
    tpu.enqueue_dma source(%arg6 : memref<128x128xf32, #tpu.memory_space<vmem>>) target(%dma_start3A_193 : memref<128x128xf32, #tpu.memory_space<hbm>>) target_semaphore(%arg14 : memref<!tpu.dma_semaphore, #tpu.memory_space<semaphore_mem>>)
    %dma_wait3A_194 = tpu.memref_slice %arg4[%add3A_153, %mul3A_155] : memref<4096x2048xf32, #tpu.memory_space<hbm>> -> memref<128x128xf32, #tpu.memory_space<hbm>>
    %dma_wait3A_195 = tpu.memref_slice %arg4[%add3A_153, %mul3A_155] : memref<4096x2048xf32, #tpu.memory_space<hbm>> -> memref<128x128xf32, #tpu.memory_space<hbm>>
    tpu.wait_dma2 semaphore(%arg16 : memref<!tpu.dma_semaphore, #tpu.memory_space<semaphore_mem>>) src(%arg8 : memref<128x128xf32, #tpu.memory_space<vmem>>) dst(%dma_wait3A_195 : memref<128x128xf32, #tpu.memory_space<hbm>>)
    %dma_start3A_196 = arith.constant 1280 : i32
    %dma_start3A_197 = tpu.memref_slice %arg5[%dma_start3A_196] : memref<2048xi32, #tpu.memory_space<vmem>> -> memref<128xi32, #tpu.memory_space<vmem>>
    %dma_start3A_198 = arith.constant 0 : i32
    %dma_start3A_199 = arith.constant 0 : i32
    %dma_start3A_200 = tpu.memref_slice %arg3[%dma_start3A_198, %dma_start3A_199] : memref<100000x128xf32, #tpu.memory_space<hbm>> -> memref<100000x128xf32, #tpu.memory_space<hbm>>
    tpu.enqueue_indirect_dma source(%dma_start3A_200 : memref<100000x128xf32, #tpu.memory_space<hbm>>) target(%arg8 : memref<128x128xf32, #tpu.memory_space<vmem>>) offsets(%dma_start3A_197 : memref<128xi32, #tpu.memory_space<vmem>>) semaphore(%arg12 : memref<!tpu.dma_semaphore, #tpu.memory_space<semaphore_mem>>)
    %dma_wait3A_201 = arith.constant 1152 : i32
    %dma_wait3A_202 = tpu.memref_slice %arg5[%dma_wait3A_201] : memref<2048xi32, #tpu.memory_space<vmem>> -> memref<128xi32, #tpu.memory_space<vmem>>
    %dma_wait3A_203 = arith.constant 0 : i32
    %dma_wait3A_204 = arith.constant 0 : i32
    %dma_wait3A_205 = tpu.memref_slice %arg3[%dma_wait3A_203, %dma_wait3A_204] : memref<100000x128xf32, #tpu.memory_space<hbm>> -> memref<100000x128xf32, #tpu.memory_space<hbm>>
    tpu.wait_indirect_dma semaphore(%arg11 : memref<!tpu.dma_semaphore, #tpu.memory_space<semaphore_mem>>) src(%dma_wait3A_205 : memref<100000x128xf32, #tpu.memory_space<hbm>>) dst(%arg7 : memref<128x128xf32, #tpu.memory_space<vmem>>)
    %add3A_206 = arith.constant 1152 : i32
    %add3A_207 = arith.addi %mul3A_32, %add3A_206 : i32
    %mul3A_208 = arith.constant 128 : i32
    %mul3A_209 = arith.muli %select_n3A, %mul3A_208 : i32
    %dma_start3A_210 = tpu.memref_slice %arg4[%add3A_207, %mul3A_209] : memref<4096x2048xf32, #tpu.memory_space<hbm>> -> memref<128x128xf32, #tpu.memory_space<hbm>>
    %dma_start3A_211 = tpu.memref_slice %arg4[%add3A_207, %mul3A_209] : memref<4096x2048xf32, #tpu.memory_space<hbm>> -> memref<128x128xf32, #tpu.memory_space<hbm>>
    tpu.enqueue_dma source(%arg7 : memref<128x128xf32, #tpu.memory_space<vmem>>) target(%dma_start3A_211 : memref<128x128xf32, #tpu.memory_space<hbm>>) target_semaphore(%arg15 : memref<!tpu.dma_semaphore, #tpu.memory_space<semaphore_mem>>)
    %dma_wait3A_212 = tpu.memref_slice %arg4[%add3A_171, %mul3A_173] : memref<4096x2048xf32, #tpu.memory_space<hbm>> -> memref<128x128xf32, #tpu.memory_space<hbm>>
    %dma_wait3A_213 = tpu.memref_slice %arg4[%add3A_171, %mul3A_173] : memref<4096x2048xf32, #tpu.memory_space<hbm>> -> memref<128x128xf32, #tpu.memory_space<hbm>>
    tpu.wait_dma2 semaphore(%arg17 : memref<!tpu.dma_semaphore, #tpu.memory_space<semaphore_mem>>) src(%arg9 : memref<128x128xf32, #tpu.memory_space<vmem>>) dst(%dma_wait3A_213 : memref<128x128xf32, #tpu.memory_space<hbm>>)
    %dma_start3A_214 = arith.constant 1408 : i32
    %dma_start3A_215 = tpu.memref_slice %arg5[%dma_start3A_214] : memref<2048xi32, #tpu.memory_space<vmem>> -> memref<128xi32, #tpu.memory_space<vmem>>
    %dma_start3A_216 = arith.constant 0 : i32
    %dma_start3A_217 = arith.constant 0 : i32
    %dma_start3A_218 = tpu.memref_slice %arg3[%dma_start3A_216, %dma_start3A_217] : memref<100000x128xf32, #tpu.memory_space<hbm>> -> memref<100000x128xf32, #tpu.memory_space<hbm>>
    tpu.enqueue_indirect_dma source(%dma_start3A_218 : memref<100000x128xf32, #tpu.memory_space<hbm>>) target(%arg9 : memref<128x128xf32, #tpu.memory_space<vmem>>) offsets(%dma_start3A_215 : memref<128xi32, #tpu.memory_space<vmem>>) semaphore(%arg13 : memref<!tpu.dma_semaphore, #tpu.memory_space<semaphore_mem>>)
    %dma_wait3A_219 = arith.constant 1280 : i32
    %dma_wait3A_220 = tpu.memref_slice %arg5[%dma_wait3A_219] : memref<2048xi32, #tpu.memory_space<vmem>> -> memref<128xi32, #tpu.memory_space<vmem>>
    %dma_wait3A_221 = arith.constant 0 : i32
    %dma_wait3A_222 = arith.constant 0 : i32
    %dma_wait3A_223 = tpu.memref_slice %arg3[%dma_wait3A_221, %dma_wait3A_222] : memref<100000x128xf32, #tpu.memory_space<hbm>> -> memref<100000x128xf32, #tpu.memory_space<hbm>>
    tpu.wait_indirect_dma semaphore(%arg12 : memref<!tpu.dma_semaphore, #tpu.memory_space<semaphore_mem>>) src(%dma_wait3A_223 : memref<100000x128xf32, #tpu.memory_space<hbm>>) dst(%arg8 : memref<128x128xf32, #tpu.memory_space<vmem>>)
    %add3A_224 = arith.constant 1280 : i32
    %add3A_225 = arith.addi %mul3A_32, %add3A_224 : i32
    %mul3A_226 = arith.constant 128 : i32
    %mul3A_227 = arith.muli %select_n3A, %mul3A_226 : i32
    %dma_start3A_228 = tpu.memref_slice %arg4[%add3A_225, %mul3A_227] : memref<4096x2048xf32, #tpu.memory_space<hbm>> -> memref<128x128xf32, #tpu.memory_space<hbm>>
    %dma_start3A_229 = tpu.memref_slice %arg4[%add3A_225, %mul3A_227] : memref<4096x2048xf32, #tpu.memory_space<hbm>> -> memref<128x128xf32, #tpu.memory_space<hbm>>
    tpu.enqueue_dma source(%arg8 : memref<128x128xf32, #tpu.memory_space<vmem>>) target(%dma_start3A_229 : memref<128x128xf32, #tpu.memory_space<hbm>>) target_semaphore(%arg16 : memref<!tpu.dma_semaphore, #tpu.memory_space<semaphore_mem>>)
    %dma_wait3A_230 = tpu.memref_slice %arg4[%add3A_189, %mul3A_191] : memref<4096x2048xf32, #tpu.memory_space<hbm>> -> memref<128x128xf32, #tpu.memory_space<hbm>>
    %dma_wait3A_231 = tpu.memref_slice %arg4[%add3A_189, %mul3A_191] : memref<4096x2048xf32, #tpu.memory_space<hbm>> -> memref<128x128xf32, #tpu.memory_space<hbm>>
    tpu.wait_dma2 semaphore(%arg14 : memref<!tpu.dma_semaphore, #tpu.memory_space<semaphore_mem>>) src(%arg6 : memref<128x128xf32, #tpu.memory_space<vmem>>) dst(%dma_wait3A_231 : memref<128x128xf32, #tpu.memory_space<hbm>>)
    %dma_start3A_232 = arith.constant 1536 : i32
    %dma_start3A_233 = tpu.memref_slice %arg5[%dma_start3A_232] : memref<2048xi32, #tpu.memory_space<vmem>> -> memref<128xi32, #tpu.memory_space<vmem>>
    %dma_start3A_234 = arith.constant 0 : i32
    %dma_start3A_235 = arith.constant 0 : i32
    %dma_start3A_236 = tpu.memref_slice %arg3[%dma_start3A_234, %dma_start3A_235] : memref<100000x128xf32, #tpu.memory_space<hbm>> -> memref<100000x128xf32, #tpu.memory_space<hbm>>
    tpu.enqueue_indirect_dma source(%dma_start3A_236 : memref<100000x128xf32, #tpu.memory_space<hbm>>) target(%arg6 : memref<128x128xf32, #tpu.memory_space<vmem>>) offsets(%dma_start3A_233 : memref<128xi32, #tpu.memory_space<vmem>>) semaphore(%arg10 : memref<!tpu.dma_semaphore, #tpu.memory_space<semaphore_mem>>)
    %dma_wait3A_237 = arith.constant 1408 : i32
    %dma_wait3A_238 = tpu.memref_slice %arg5[%dma_wait3A_237] : memref<2048xi32, #tpu.memory_space<vmem>> -> memref<128xi32, #tpu.memory_space<vmem>>
    %dma_wait3A_239 = arith.constant 0 : i32
    %dma_wait3A_240 = arith.constant 0 : i32
    %dma_wait3A_241 = tpu.memref_slice %arg3[%dma_wait3A_239, %dma_wait3A_240] : memref<100000x128xf32, #tpu.memory_space<hbm>> -> memref<100000x128xf32, #tpu.memory_space<hbm>>
    tpu.wait_indirect_dma semaphore(%arg13 : memref<!tpu.dma_semaphore, #tpu.memory_space<semaphore_mem>>) src(%dma_wait3A_241 : memref<100000x128xf32, #tpu.memory_space<hbm>>) dst(%arg9 : memref<128x128xf32, #tpu.memory_space<vmem>>)
    %add3A_242 = arith.constant 1408 : i32
    %add3A_243 = arith.addi %mul3A_32, %add3A_242 : i32
    %mul3A_244 = arith.constant 128 : i32
    %mul3A_245 = arith.muli %select_n3A, %mul3A_244 : i32
    %dma_start3A_246 = tpu.memref_slice %arg4[%add3A_243, %mul3A_245] : memref<4096x2048xf32, #tpu.memory_space<hbm>> -> memref<128x128xf32, #tpu.memory_space<hbm>>
    %dma_start3A_247 = tpu.memref_slice %arg4[%add3A_243, %mul3A_245] : memref<4096x2048xf32, #tpu.memory_space<hbm>> -> memref<128x128xf32, #tpu.memory_space<hbm>>
    tpu.enqueue_dma source(%arg9 : memref<128x128xf32, #tpu.memory_space<vmem>>) target(%dma_start3A_247 : memref<128x128xf32, #tpu.memory_space<hbm>>) target_semaphore(%arg17 : memref<!tpu.dma_semaphore, #tpu.memory_space<semaphore_mem>>)
    %dma_wait3A_248 = tpu.memref_slice %arg4[%add3A_207, %mul3A_209] : memref<4096x2048xf32, #tpu.memory_space<hbm>> -> memref<128x128xf32, #tpu.memory_space<hbm>>
    %dma_wait3A_249 = tpu.memref_slice %arg4[%add3A_207, %mul3A_209] : memref<4096x2048xf32, #tpu.memory_space<hbm>> -> memref<128x128xf32, #tpu.memory_space<hbm>>
    tpu.wait_dma2 semaphore(%arg15 : memref<!tpu.dma_semaphore, #tpu.memory_space<semaphore_mem>>) src(%arg7 : memref<128x128xf32, #tpu.memory_space<vmem>>) dst(%dma_wait3A_249 : memref<128x128xf32, #tpu.memory_space<hbm>>)
    %dma_start3A_250 = arith.constant 1664 : i32
    %dma_start3A_251 = tpu.memref_slice %arg5[%dma_start3A_250] : memref<2048xi32, #tpu.memory_space<vmem>> -> memref<128xi32, #tpu.memory_space<vmem>>
    %dma_start3A_252 = arith.constant 0 : i32
    %dma_start3A_253 = arith.constant 0 : i32
    %dma_start3A_254 = tpu.memref_slice %arg3[%dma_start3A_252, %dma_start3A_253] : memref<100000x128xf32, #tpu.memory_space<hbm>> -> memref<100000x128xf32, #tpu.memory_space<hbm>>
    tpu.enqueue_indirect_dma source(%dma_start3A_254 : memref<100000x128xf32, #tpu.memory_space<hbm>>) target(%arg7 : memref<128x128xf32, #tpu.memory_space<vmem>>) offsets(%dma_start3A_251 : memref<128xi32, #tpu.memory_space<vmem>>) semaphore(%arg11 : memref<!tpu.dma_semaphore, #tpu.memory_space<semaphore_mem>>)
    %dma_wait3A_255 = arith.constant 1536 : i32
    %dma_wait3A_256 = tpu.memref_slice %arg5[%dma_wait3A_255] : memref<2048xi32, #tpu.memory_space<vmem>> -> memref<128xi32, #tpu.memory_space<vmem>>
    %dma_wait3A_257 = arith.constant 0 : i32
    %dma_wait3A_258 = arith.constant 0 : i32
    %dma_wait3A_259 = tpu.memref_slice %arg3[%dma_wait3A_257, %dma_wait3A_258] : memref<100000x128xf32, #tpu.memory_space<hbm>> -> memref<100000x128xf32, #tpu.memory_space<hbm>>
    tpu.wait_indirect_dma semaphore(%arg10 : memref<!tpu.dma_semaphore, #tpu.memory_space<semaphore_mem>>) src(%dma_wait3A_259 : memref<100000x128xf32, #tpu.memory_space<hbm>>) dst(%arg6 : memref<128x128xf32, #tpu.memory_space<vmem>>)
    %add3A_260 = arith.constant 1536 : i32
    %add3A_261 = arith.addi %mul3A_32, %add3A_260 : i32
    %mul3A_262 = arith.constant 128 : i32
    %mul3A_263 = arith.muli %select_n3A, %mul3A_262 : i32
    %dma_start3A_264 = tpu.memref_slice %arg4[%add3A_261, %mul3A_263] : memref<4096x2048xf32, #tpu.memory_space<hbm>> -> memref<128x128xf32, #tpu.memory_space<hbm>>
    %dma_start3A_265 = tpu.memref_slice %arg4[%add3A_261, %mul3A_263] : memref<4096x2048xf32, #tpu.memory_space<hbm>> -> memref<128x128xf32, #tpu.memory_space<hbm>>
    tpu.enqueue_dma source(%arg6 : memref<128x128xf32, #tpu.memory_space<vmem>>) target(%dma_start3A_265 : memref<128x128xf32, #tpu.memory_space<hbm>>) target_semaphore(%arg14 : memref<!tpu.dma_semaphore, #tpu.memory_space<semaphore_mem>>)
    %dma_wait3A_266 = tpu.memref_slice %arg4[%add3A_225, %mul3A_227] : memref<4096x2048xf32, #tpu.memory_space<hbm>> -> memref<128x128xf32, #tpu.memory_space<hbm>>
    %dma_wait3A_267 = tpu.memref_slice %arg4[%add3A_225, %mul3A_227] : memref<4096x2048xf32, #tpu.memory_space<hbm>> -> memref<128x128xf32, #tpu.memory_space<hbm>>
    tpu.wait_dma2 semaphore(%arg16 : memref<!tpu.dma_semaphore, #tpu.memory_space<semaphore_mem>>) src(%arg8 : memref<128x128xf32, #tpu.memory_space<vmem>>) dst(%dma_wait3A_267 : memref<128x128xf32, #tpu.memory_space<hbm>>)
    %dma_start3A_268 = arith.constant 1792 : i32
    %dma_start3A_269 = tpu.memref_slice %arg5[%dma_start3A_268] : memref<2048xi32, #tpu.memory_space<vmem>> -> memref<128xi32, #tpu.memory_space<vmem>>
    %dma_start3A_270 = arith.constant 0 : i32
    %dma_start3A_271 = arith.constant 0 : i32
    %dma_start3A_272 = tpu.memref_slice %arg3[%dma_start3A_270, %dma_start3A_271] : memref<100000x128xf32, #tpu.memory_space<hbm>> -> memref<100000x128xf32, #tpu.memory_space<hbm>>
    tpu.enqueue_indirect_dma source(%dma_start3A_272 : memref<100000x128xf32, #tpu.memory_space<hbm>>) target(%arg8 : memref<128x128xf32, #tpu.memory_space<vmem>>) offsets(%dma_start3A_269 : memref<128xi32, #tpu.memory_space<vmem>>) semaphore(%arg12 : memref<!tpu.dma_semaphore, #tpu.memory_space<semaphore_mem>>)
    %dma_wait3A_273 = arith.constant 1664 : i32
    %dma_wait3A_274 = tpu.memref_slice %arg5[%dma_wait3A_273] : memref<2048xi32, #tpu.memory_space<vmem>> -> memref<128xi32, #tpu.memory_space<vmem>>
    %dma_wait3A_275 = arith.constant 0 : i32
    %dma_wait3A_276 = arith.constant 0 : i32
    %dma_wait3A_277 = tpu.memref_slice %arg3[%dma_wait3A_275, %dma_wait3A_276] : memref<100000x128xf32, #tpu.memory_space<hbm>> -> memref<100000x128xf32, #tpu.memory_space<hbm>>
    tpu.wait_indirect_dma semaphore(%arg11 : memref<!tpu.dma_semaphore, #tpu.memory_space<semaphore_mem>>) src(%dma_wait3A_277 : memref<100000x128xf32, #tpu.memory_space<hbm>>) dst(%arg7 : memref<128x128xf32, #tpu.memory_space<vmem>>)
    %add3A_278 = arith.constant 1664 : i32
    %add3A_279 = arith.addi %mul3A_32, %add3A_278 : i32
    %mul3A_280 = arith.constant 128 : i32
    %mul3A_281 = arith.muli %select_n3A, %mul3A_280 : i32
    %dma_start3A_282 = tpu.memref_slice %arg4[%add3A_279, %mul3A_281] : memref<4096x2048xf32, #tpu.memory_space<hbm>> -> memref<128x128xf32, #tpu.memory_space<hbm>>
    %dma_start3A_283 = tpu.memref_slice %arg4[%add3A_279, %mul3A_281] : memref<4096x2048xf32, #tpu.memory_space<hbm>> -> memref<128x128xf32, #tpu.memory_space<hbm>>
    tpu.enqueue_dma source(%arg7 : memref<128x128xf32, #tpu.memory_space<vmem>>) target(%dma_start3A_283 : memref<128x128xf32, #tpu.memory_space<hbm>>) target_semaphore(%arg15 : memref<!tpu.dma_semaphore, #tpu.memory_space<semaphore_mem>>)
    %dma_wait3A_284 = tpu.memref_slice %arg4[%add3A_243, %mul3A_245] : memref<4096x2048xf32, #tpu.memory_space<hbm>> -> memref<128x128xf32, #tpu.memory_space<hbm>>
    %dma_wait3A_285 = tpu.memref_slice %arg4[%add3A_243, %mul3A_245] : memref<4096x2048xf32, #tpu.memory_space<hbm>> -> memref<128x128xf32, #tpu.memory_space<hbm>>
    tpu.wait_dma2 semaphore(%arg17 : memref<!tpu.dma_semaphore, #tpu.memory_space<semaphore_mem>>) src(%arg9 : memref<128x128xf32, #tpu.memory_space<vmem>>) dst(%dma_wait3A_285 : memref<128x128xf32, #tpu.memory_space<hbm>>)
    %dma_start3A_286 = arith.constant 1920 : i32
    %dma_start3A_287 = tpu.memref_slice %arg5[%dma_start3A_286] : memref<2048xi32, #tpu.memory_space<vmem>> -> memref<128xi32, #tpu.memory_space<vmem>>
    %dma_start3A_288 = arith.constant 0 : i32
    %dma_start3A_289 = arith.constant 0 : i32
    %dma_start3A_290 = tpu.memref_slice %arg3[%dma_start3A_288, %dma_start3A_289] : memref<100000x128xf32, #tpu.memory_space<hbm>> -> memref<100000x128xf32, #tpu.memory_space<hbm>>
    tpu.enqueue_indirect_dma source(%dma_start3A_290 : memref<100000x128xf32, #tpu.memory_space<hbm>>) target(%arg9 : memref<128x128xf32, #tpu.memory_space<vmem>>) offsets(%dma_start3A_287 : memref<128xi32, #tpu.memory_space<vmem>>) semaphore(%arg13 : memref<!tpu.dma_semaphore, #tpu.memory_space<semaphore_mem>>)
    %dma_wait3A_291 = arith.constant 1792 : i32
    %dma_wait3A_292 = tpu.memref_slice %arg5[%dma_wait3A_291] : memref<2048xi32, #tpu.memory_space<vmem>> -> memref<128xi32, #tpu.memory_space<vmem>>
    %dma_wait3A_293 = arith.constant 0 : i32
    %dma_wait3A_294 = arith.constant 0 : i32
    %dma_wait3A_295 = tpu.memref_slice %arg3[%dma_wait3A_293, %dma_wait3A_294] : memref<100000x128xf32, #tpu.memory_space<hbm>> -> memref<100000x128xf32, #tpu.memory_space<hbm>>
    tpu.wait_indirect_dma semaphore(%arg12 : memref<!tpu.dma_semaphore, #tpu.memory_space<semaphore_mem>>) src(%dma_wait3A_295 : memref<100000x128xf32, #tpu.memory_space<hbm>>) dst(%arg8 : memref<128x128xf32, #tpu.memory_space<vmem>>)
    %add3A_296 = arith.constant 1792 : i32
    %add3A_297 = arith.addi %mul3A_32, %add3A_296 : i32
    %mul3A_298 = arith.constant 128 : i32
    %mul3A_299 = arith.muli %select_n3A, %mul3A_298 : i32
    %dma_start3A_300 = tpu.memref_slice %arg4[%add3A_297, %mul3A_299] : memref<4096x2048xf32, #tpu.memory_space<hbm>> -> memref<128x128xf32, #tpu.memory_space<hbm>>
    %dma_start3A_301 = tpu.memref_slice %arg4[%add3A_297, %mul3A_299] : memref<4096x2048xf32, #tpu.memory_space<hbm>> -> memref<128x128xf32, #tpu.memory_space<hbm>>
    tpu.enqueue_dma source(%arg8 : memref<128x128xf32, #tpu.memory_space<vmem>>) target(%dma_start3A_301 : memref<128x128xf32, #tpu.memory_space<hbm>>) target_semaphore(%arg16 : memref<!tpu.dma_semaphore, #tpu.memory_space<semaphore_mem>>)
    %dma_wait3A_302 = arith.constant 1920 : i32
    %dma_wait3A_303 = tpu.memref_slice %arg5[%dma_wait3A_302] : memref<2048xi32, #tpu.memory_space<vmem>> -> memref<128xi32, #tpu.memory_space<vmem>>
    %dma_wait3A_304 = arith.constant 0 : i32
    %dma_wait3A_305 = arith.constant 0 : i32
    %dma_wait3A_306 = tpu.memref_slice %arg3[%dma_wait3A_304, %dma_wait3A_305] : memref<100000x128xf32, #tpu.memory_space<hbm>> -> memref<100000x128xf32, #tpu.memory_space<hbm>>
    tpu.wait_indirect_dma semaphore(%arg13 : memref<!tpu.dma_semaphore, #tpu.memory_space<semaphore_mem>>) src(%dma_wait3A_306 : memref<100000x128xf32, #tpu.memory_space<hbm>>) dst(%arg9 : memref<128x128xf32, #tpu.memory_space<vmem>>)
    %add3A_307 = arith.constant 1920 : i32
    %add3A_308 = arith.addi %mul3A_32, %add3A_307 : i32
    %mul3A_309 = arith.constant 128 : i32
    %mul3A_310 = arith.muli %select_n3A, %mul3A_309 : i32
    %dma_start3A_311 = tpu.memref_slice %arg4[%add3A_308, %mul3A_310] : memref<4096x2048xf32, #tpu.memory_space<hbm>> -> memref<128x128xf32, #tpu.memory_space<hbm>>
    %dma_start3A_312 = tpu.memref_slice %arg4[%add3A_308, %mul3A_310] : memref<4096x2048xf32, #tpu.memory_space<hbm>> -> memref<128x128xf32, #tpu.memory_space<hbm>>
    tpu.enqueue_dma source(%arg9 : memref<128x128xf32, #tpu.memory_space<vmem>>) target(%dma_start3A_312 : memref<128x128xf32, #tpu.memory_space<hbm>>) target_semaphore(%arg17 : memref<!tpu.dma_semaphore, #tpu.memory_space<semaphore_mem>>)
    %dma_wait3A_313 = tpu.memref_slice %arg4[%add3A_261, %mul3A_263] : memref<4096x2048xf32, #tpu.memory_space<hbm>> -> memref<128x128xf32, #tpu.memory_space<hbm>>
    %dma_wait3A_314 = tpu.memref_slice %arg4[%add3A_261, %mul3A_263] : memref<4096x2048xf32, #tpu.memory_space<hbm>> -> memref<128x128xf32, #tpu.memory_space<hbm>>
    tpu.wait_dma2 semaphore(%arg14 : memref<!tpu.dma_semaphore, #tpu.memory_space<semaphore_mem>>) src(%arg6 : memref<128x128xf32, #tpu.memory_space<vmem>>) dst(%dma_wait3A_314 : memref<128x128xf32, #tpu.memory_space<hbm>>)
    %dma_wait3A_315 = tpu.memref_slice %arg4[%add3A_279, %mul3A_281] : memref<4096x2048xf32, #tpu.memory_space<hbm>> -> memref<128x128xf32, #tpu.memory_space<hbm>>
    %dma_wait3A_316 = tpu.memref_slice %arg4[%add3A_279, %mul3A_281] : memref<4096x2048xf32, #tpu.memory_space<hbm>> -> memref<128x128xf32, #tpu.memory_space<hbm>>
    tpu.wait_dma2 semaphore(%arg15 : memref<!tpu.dma_semaphore, #tpu.memory_space<semaphore_mem>>) src(%arg7 : memref<128x128xf32, #tpu.memory_space<vmem>>) dst(%dma_wait3A_316 : memref<128x128xf32, #tpu.memory_space<hbm>>)
    %dma_wait3A_317 = tpu.memref_slice %arg4[%add3A_297, %mul3A_299] : memref<4096x2048xf32, #tpu.memory_space<hbm>> -> memref<128x128xf32, #tpu.memory_space<hbm>>
    %dma_wait3A_318 = tpu.memref_slice %arg4[%add3A_297, %mul3A_299] : memref<4096x2048xf32, #tpu.memory_space<hbm>> -> memref<128x128xf32, #tpu.memory_space<hbm>>
    tpu.wait_dma2 semaphore(%arg16 : memref<!tpu.dma_semaphore, #tpu.memory_space<semaphore_mem>>) src(%arg8 : memref<128x128xf32, #tpu.memory_space<vmem>>) dst(%dma_wait3A_318 : memref<128x128xf32, #tpu.memory_space<hbm>>)
    %dma_wait3A_319 = tpu.memref_slice %arg4[%add3A_308, %mul3A_310] : memref<4096x2048xf32, #tpu.memory_space<hbm>> -> memref<128x128xf32, #tpu.memory_space<hbm>>
    %dma_wait3A_320 = tpu.memref_slice %arg4[%add3A_308, %mul3A_310] : memref<4096x2048xf32, #tpu.memory_space<hbm>> -> memref<128x128xf32, #tpu.memory_space<hbm>>
    tpu.wait_dma2 semaphore(%arg17 : memref<!tpu.dma_semaphore, #tpu.memory_space<semaphore_mem>>) src(%arg9 : memref<128x128xf32, #tpu.memory_space<vmem>>) dst(%dma_wait3A_320 : memref<128x128xf32, #tpu.memory_space<hbm>>)
    return
  }
}

module attributes {stable_mosaic.version = 14 : i64} {
  func.func @_mlp_body(%arg0: i32, %arg1: memref<1024x2048xf32, #tpu.memory_space<vmem>>, %arg2: memref<1024x1xf32, #tpu.memory_space<vmem>>, %arg3: memref<1024x1xf32, #tpu.memory_space<vmem>>, %arg4: memref<2048x256xf32, #tpu.memory_space<vmem>>, %arg5: memref<8x256xf32, #tpu.memory_space<vmem>>, %arg6: memref<1x256xf32, #tpu.memory_space<vmem>>, %arg7: memref<256x128xf32, #tpu.memory_space<vmem>>, %arg8: memref<1x128xf32, #tpu.memory_space<vmem>>, %arg9: memref<1024x128xf32, #tpu.memory_space<vmem>>) attributes {dimension_semantics = [#tpu.dimension_semantics<arbitrary>], iteration_bounds = array<i64: 4>, scalar_prefetch = 0 : i64, scratch_operands = 0 : i64, tpu.core_type = #tpu.core_type<tc>, window_params = [{transform_indices = @transform_0, window_bounds = array<i64: 1024, 2048>}, {transform_indices = @transform_1, window_bounds = array<i64: 1024, 1>}, {transform_indices = @transform_2, window_bounds = array<i64: 1024, 1>}, {transform_indices = @transform_3, window_bounds = array<i64: 2048, 256>}, {transform_indices = @transform_4, window_bounds = array<i64: 8, 256>}, {pipeline_mode = #tpu.pipeline_mode<synchronous>, transform_indices = @transform_5, window_bounds = array<i64: 1, 256>}, {pipeline_mode = #tpu.pipeline_mode<synchronous>, transform_indices = @transform_6, window_bounds = array<i64: 256, 128>}, {pipeline_mode = #tpu.pipeline_mode<synchronous>, transform_indices = @transform_7, window_bounds = array<i64: 1, 128>}, {transform_indices = @transform_8, window_bounds = array<i64: 1024, 128>}]} {
    %get3A = arith.constant 0 : index
    %get3A_0 = arith.constant 0 : index
    %get3A_1 = vector.load %arg2[%get3A, %get3A_0] : memref<1024x1xf32, #tpu.memory_space<vmem>>, vector<1024x1xf32>
    %iota3A = tpu.iota {dimensions = array<i32: 1>} : vector<1024x2048xi32>
    %jit3A = arith.constant 128 : i32
    %div3A = vector.broadcast %jit3A : i32 to vector<1024x2048xi32>
    %div3A_2 = arith.divsi %iota3A, %div3A : vector<1024x2048xi32>
    %sign3A = arith.constant 0 : i32
    %sign3A_3 = vector.broadcast %sign3A : i32 to vector<1024x2048xi32>
    %sign3A_4 = arith.cmpi sgt, %iota3A, %sign3A_3 : vector<1024x2048xi32>
    %sign3A_5 = arith.extui %sign3A_4 : vector<1024x2048xi1> to vector<1024x2048xi32>
    %sign3A_6 = arith.constant 0 : i32
    %sign3A_7 = vector.broadcast %sign3A_6 : i32 to vector<1024x2048xi32>
    %sign3A_8 = arith.cmpi slt, %iota3A, %sign3A_7 : vector<1024x2048xi32>
    %sign3A_9 = arith.extui %sign3A_8 : vector<1024x2048xi1> to vector<1024x2048xi32>
    %sign3A_10 = arith.subi %sign3A_5, %sign3A_9 : vector<1024x2048xi32>
    %sign3A_11 = arith.constant 0 : i32
    %sign3A_12 = arith.cmpi sgt, %jit3A, %sign3A_11 : i32
    %sign3A_13 = arith.extui %sign3A_12 : i1 to i32
    %sign3A_14 = arith.constant 0 : i32
    %sign3A_15 = arith.cmpi slt, %jit3A, %sign3A_14 : i32
    %sign3A_16 = arith.extui %sign3A_15 : i1 to i32
    %sign3A_17 = arith.subi %sign3A_13, %sign3A_16 : i32
    %ne3A = vector.broadcast %sign3A_17 : i32 to vector<1024x2048xi32>
    %ne3A_18 = arith.cmpi ne, %sign3A_10, %ne3A : vector<1024x2048xi32>
    %rem3A = vector.broadcast %jit3A : i32 to vector<1024x2048xi32>
    %rem3A_19 = arith.remsi %iota3A, %rem3A : vector<1024x2048xi32>
    %ne3A_20 = arith.constant 0 : i32
    %ne3A_21 = vector.broadcast %ne3A_20 : i32 to vector<1024x2048xi32>
    %ne3A_22 = arith.cmpi ne, %rem3A_19, %ne3A_21 : vector<1024x2048xi32>
    %and3A = arith.andi %ne3A_18, %ne3A_22 : vector<1024x2048xi1>
    %sub3A = arith.constant 1 : i32
    %sub3A_23 = vector.broadcast %sub3A : i32 to vector<1024x2048xi32>
    %sub3A_24 = arith.subi %div3A_2, %sub3A_23 : vector<1024x2048xi32>
    %select_n3A = arith.select %and3A, %sub3A_24, %div3A_2 : vector<1024x2048xi1>, vector<1024x2048xi32>
    %get3A_25 = arith.constant 0 : index
    %get3A_26 = arith.constant 0 : index
    %get3A_27 = vector.load %arg1[%get3A_25, %get3A_26] : memref<1024x2048xf32, #tpu.memory_space<vmem>>, vector<1024x2048xf32>
    %convert_element_type3A = arith.sitofp %select_n3A : vector<1024x2048xi32> to vector<1024x2048xf32>
    %lt3A = vector.broadcast %get3A_1 : vector<1024x1xf32> to vector<1024x2048xf32>
    %lt3A_28 = arith.cmpf olt, %convert_element_type3A, %lt3A : vector<1024x2048xf32>
    %jit3A_29 = arith.constant 1.000000e+00 : f32
    %jit3A_30 = arith.constant 0.000000e+00 : f32
    %broadcast_in_dim3A = vector.broadcast %jit3A_29 : f32 to vector<1024x2048xf32>
    %broadcast_in_dim3A_31 = vector.broadcast %jit3A_30 : f32 to vector<1024x2048xf32>
    %select_n3A_32 = arith.select %lt3A_28, %broadcast_in_dim3A, %broadcast_in_dim3A_31 : vector<1024x2048xi1>, vector<1024x2048xf32>
    %mul3A = arith.mulf %get3A_27, %select_n3A_32 : vector<1024x2048xf32>
    %get3A_33 = arith.constant 0 : index
    %get3A_34 = arith.constant 0 : index
    %get3A_35 = vector.load %arg4[%get3A_33, %get3A_34] : memref<2048x256xf32, #tpu.memory_space<vmem>>, vector<2048x256xf32>
    %dot_general3A = arith.constant dense<0.000000e+00> : vector<1024x256xf32>
    %dot_general3A_36 = tpu.matmul %mul3A, %get3A_35, %dot_general3A {dimension_numbers = #tpu.dot_dimension_numbers<[1], [0], [0], [1], [0, 0, 1, 1], [], []>, transpose_lhs_hint = false} : vector<1024x2048xf32>, vector<2048x256xf32>, vector<1024x256xf32> -> vector<1024x256xf32>
    %get3A_37 = arith.constant 0 : index
    %get3A_38 = arith.constant 0 : index
    %get3A_39 = vector.load %arg3[%get3A_37, %get3A_38] : memref<1024x1xf32, #tpu.memory_space<vmem>>, vector<1024x1xf32>
    %log1p3A = math.log1p %get3A_39 : vector<1024x1xf32>
    %get3A_40 = arith.constant 0 : index
    %get3A_41 = arith.constant 0 : index
    %get3A_42 = vector.load %arg5[%get3A_40, %get3A_41] : memref<8x256xf32, #tpu.memory_space<vmem>>, vector<1x256xf32>
    %mul3A_43 = vector.broadcast %log1p3A : vector<1024x1xf32> to vector<1024x256xf32>
    %mul3A_44 = vector.broadcast %get3A_42 : vector<1x256xf32> to vector<1024x256xf32>
    %mul3A_45 = arith.mulf %mul3A_43, %mul3A_44 : vector<1024x256xf32>
    %add3A = arith.addf %dot_general3A_36, %mul3A_45 : vector<1024x256xf32>
    %get3A_46 = arith.constant 0 : index
    %get3A_47 = arith.constant 0 : index
    %get3A_48 = vector.load %arg6[%get3A_46, %get3A_47] : memref<1x256xf32, #tpu.memory_space<vmem>>, vector<1x256xf32>
    %add3A_49 = vector.broadcast %get3A_48 : vector<1x256xf32> to vector<1024x256xf32>
    %add3A_50 = arith.addf %add3A, %add3A_49 : vector<1024x256xf32>
    %mul3A_51 = arith.constant 5.000000e-01 : f32
    %mul3A_52 = vector.broadcast %mul3A_51 : f32 to vector<1024x256xf32>
    %mul3A_53 = arith.mulf %mul3A_52, %add3A_50 : vector<1024x256xf32>
    %mul3A_54 = arith.constant 0.707106769 : f32
    %mul3A_55 = vector.broadcast %mul3A_54 : f32 to vector<1024x256xf32>
    %mul3A_56 = arith.mulf %add3A_50, %mul3A_55 : vector<1024x256xf32>
    %erf3A = math.erf %mul3A_56 : vector<1024x256xf32>
    %add3A_57 = arith.constant 1.000000e+00 : f32
    %add3A_58 = vector.broadcast %add3A_57 : f32 to vector<1024x256xf32>
    %add3A_59 = arith.addf %add3A_58, %erf3A : vector<1024x256xf32>
    %mul3A_60 = arith.mulf %mul3A_53, %add3A_59 : vector<1024x256xf32>
    %get3A_61 = arith.constant 0 : index
    %get3A_62 = arith.constant 0 : index
    %get3A_63 = vector.load %arg7[%get3A_61, %get3A_62] : memref<256x128xf32, #tpu.memory_space<vmem>>, vector<256x128xf32>
    %dot_general3A_64 = arith.constant dense<0.000000e+00> : vector<1024x128xf32>
    %dot_general3A_65 = tpu.matmul %mul3A_60, %get3A_63, %dot_general3A_64 {dimension_numbers = #tpu.dot_dimension_numbers<[1], [0], [0], [1], [0, 0, 1, 1], [], []>, transpose_lhs_hint = false} : vector<1024x256xf32>, vector<256x128xf32>, vector<1024x128xf32> -> vector<1024x128xf32>
    %get3A_66 = arith.constant 0 : index
    %get3A_67 = arith.constant 0 : index
    %get3A_68 = vector.load %arg8[%get3A_66, %get3A_67] : memref<1x128xf32, #tpu.memory_space<vmem>>, vector<1x128xf32>
    %add3A_69 = vector.broadcast %get3A_68 : vector<1x128xf32> to vector<1024x128xf32>
    %add3A_70 = arith.addf %dot_general3A_65, %add3A_69 : vector<1024x128xf32>
    %swap3A = arith.constant 0 : index
    %swap3A_71 = arith.constant 0 : index
    %swap3A_72 = vector.load %arg9[%swap3A, %swap3A_71] : memref<1024x128xf32, #tpu.memory_space<vmem>>, vector<1024x128xf32>
    tpu.vector_store %arg9[%swap3A, %swap3A_71], %add3A_70 {strides = array<i32>} : memref<1024x128xf32, #tpu.memory_space<vmem>>, vector<1024x128xf32>,
    return
  }
  func.func @transform_0(%arg0: i32) -> (i32, i32) {
    %c0_i32 = arith.constant 0 : i32
    %c0_i32_0 = arith.constant 0 : i32
    return %arg0, %c0_i32 : i32, i32
  }
  func.func @transform_1(%arg0: i32) -> (i32, i32) {
    %c0_i32 = arith.constant 0 : i32
    %c0_i32_0 = arith.constant 0 : i32
    return %arg0, %c0_i32 : i32, i32
  }
  func.func @transform_2(%arg0: i32) -> (i32, i32) {
    %c0_i32 = arith.constant 0 : i32
    %c0_i32_0 = arith.constant 0 : i32
    return %arg0, %c0_i32 : i32, i32
  }
  func.func @transform_3(%arg0: i32) -> (i32, i32) {
    %c0_i32 = arith.constant 0 : i32
    %c0_i32_0 = arith.constant 0 : i32
    %c0_i32_1 = arith.constant 0 : i32
    return %c0_i32, %c0_i32_0 : i32, i32
  }
  func.func @transform_4(%arg0: i32) -> (i32, i32) {
    %c256_i32 = arith.constant 256 : i32
    %c0_i32 = arith.constant 0 : i32
    %c0_i32_0 = arith.constant 0 : i32
    return %c256_i32, %c0_i32 : i32, i32
  }
  func.func @transform_5(%arg0: i32) -> (i32, i32) {
    %c0_i32 = arith.constant 0 : i32
    %c0_i32_0 = arith.constant 0 : i32
    %c0_i32_1 = arith.constant 0 : i32
    return %c0_i32, %c0_i32_0 : i32, i32
  }
  func.func @transform_6(%arg0: i32) -> (i32, i32) {
    %c0_i32 = arith.constant 0 : i32
    %c0_i32_0 = arith.constant 0 : i32
    %c0_i32_1 = arith.constant 0 : i32
    return %c0_i32, %c0_i32_0 : i32, i32
  }
  func.func @transform_7(%arg0: i32) -> (i32, i32) {
    %c0_i32 = arith.constant 0 : i32
    %c0_i32_0 = arith.constant 0 : i32
    %c0_i32_1 = arith.constant 0 : i32
    return %c0_i32, %c0_i32_0 : i32, i32
  }
  func.func @transform_8(%arg0: i32) -> (i32, i32) {
    %c0_i32 = arith.constant 0 : i32
    %c0_i32_0 = arith.constant 0 : i32
    return %arg0, %c0_i32 : i32, i32
  }
}

module attributes {stable_mosaic.version = 14 : i64} {
  func.func @_select_body(%arg0: i32, %arg1: memref<50x256xf32, #tpu.memory_space<vmem>>, %arg2: memref<50x256xf32, #tpu.memory_space<vmem>>, %arg3: memref<16x256xi32, #tpu.memory_space<vmem>>, %arg4: memref<1x256xf32, #tpu.memory_space<vmem>>) attributes {dimension_semantics = [#tpu.dimension_semantics<arbitrary>], iteration_bounds = array<i64: 16>, scalar_prefetch = 0 : i64, scratch_operands = 0 : i64, tpu.core_type = #tpu.core_type<tc>, window_params = [{transform_indices = @transform_0, window_bounds = array<i64: 50, 256>}, {transform_indices = @transform_1, window_bounds = array<i64: 50, 256>}, {transform_indices = @transform_2, window_bounds = array<i64: 16, 256>}, {transform_indices = @transform_3, window_bounds = array<i64: 1, 256>}]} {
    %get3A = arith.constant 0 : index
    %get3A_0 = arith.constant 0 : index
    %get3A_1 = vector.load %arg1[%get3A, %get3A_0] : memref<50x256xf32, #tpu.memory_space<vmem>>, vector<50x256xf32>
    %iota3A = tpu.iota {dimensions = array<i32: 0>} : vector<50x256xi32>
    %broadcast_in_dim3A = arith.constant 0.000000e+00 : f32
    %broadcast_in_dim3A_2 = vector.broadcast %broadcast_in_dim3A : f32 to vector<50x256xf32>
    %slice3A = vector.extract_strided_slice %get3A_1 {offsets = [0, 0], sizes = [1, 256], strides = [1, 1]} : vector<50x256xf32> to vector<1x256xf32>
    %gt3A = vector.broadcast %slice3A : vector<1x256xf32> to vector<50x256xf32>
    %gt3A_3 = arith.cmpf ogt, %gt3A, %get3A_1 : vector<50x256xf32>
    %ge3A = vector.broadcast %slice3A : vector<1x256xf32> to vector<50x256xf32>
    %ge3A_4 = arith.cmpf oge, %ge3A, %get3A_1 : vector<50x256xf32>
    %gt3A_5 = arith.constant 0 : i32
    %gt3A_6 = vector.broadcast %gt3A_5 : i32 to vector<50x256xi32>
    %gt3A_7 = arith.cmpi sgt, %iota3A, %gt3A_6 : vector<50x256xi32>
    %and3A = arith.andi %ge3A_4, %gt3A_7 : vector<50x256xi1>
    %or3A = arith.ori %gt3A_3, %and3A : vector<50x256xi1>
    %jit3A = arith.constant 1.000000e+00 : f32
    %jit3A_8 = arith.constant 0.000000e+00 : f32
    %broadcast_in_dim3A_9 = vector.broadcast %jit3A : f32 to vector<50x256xf32>
    %broadcast_in_dim3A_10 = vector.broadcast %jit3A_8 : f32 to vector<50x256xf32>
    %select_n3A = arith.select %or3A, %broadcast_in_dim3A_9, %broadcast_in_dim3A_10 : vector<50x256xi1>, vector<50x256xf32>
    %add3A = arith.addf %broadcast_in_dim3A_2, %select_n3A : vector<50x256xf32>
    %slice3A_11 = vector.extract_strided_slice %get3A_1 {offsets = [1, 0], sizes = [1, 256], strides = [1, 1]} : vector<50x256xf32> to vector<1x256xf32>
    %gt3A_12 = vector.broadcast %slice3A_11 : vector<1x256xf32> to vector<50x256xf32>
    %gt3A_13 = arith.cmpf ogt, %gt3A_12, %get3A_1 : vector<50x256xf32>
    %ge3A_14 = vector.broadcast %slice3A_11 : vector<1x256xf32> to vector<50x256xf32>
    %ge3A_15 = arith.cmpf oge, %ge3A_14, %get3A_1 : vector<50x256xf32>
    %gt3A_16 = arith.constant 1 : i32
    %gt3A_17 = vector.broadcast %gt3A_16 : i32 to vector<50x256xi32>
    %gt3A_18 = arith.cmpi sgt, %iota3A, %gt3A_17 : vector<50x256xi32>
    %and3A_19 = arith.andi %ge3A_15, %gt3A_18 : vector<50x256xi1>
    %or3A_20 = arith.ori %gt3A_13, %and3A_19 : vector<50x256xi1>
    %jit3A_21 = arith.constant 1.000000e+00 : f32
    %jit3A_22 = arith.constant 0.000000e+00 : f32
    %broadcast_in_dim3A_23 = vector.broadcast %jit3A_21 : f32 to vector<50x256xf32>
    %broadcast_in_dim3A_24 = vector.broadcast %jit3A_22 : f32 to vector<50x256xf32>
    %select_n3A_25 = arith.select %or3A_20, %broadcast_in_dim3A_23, %broadcast_in_dim3A_24 : vector<50x256xi1>, vector<50x256xf32>
    %add3A_26 = arith.addf %add3A, %select_n3A_25 : vector<50x256xf32>
    %slice3A_27 = vector.extract_strided_slice %get3A_1 {offsets = [2, 0], sizes = [1, 256], strides = [1, 1]} : vector<50x256xf32> to vector<1x256xf32>
    %gt3A_28 = vector.broadcast %slice3A_27 : vector<1x256xf32> to vector<50x256xf32>
    %gt3A_29 = arith.cmpf ogt, %gt3A_28, %get3A_1 : vector<50x256xf32>
    %ge3A_30 = vector.broadcast %slice3A_27 : vector<1x256xf32> to vector<50x256xf32>
    %ge3A_31 = arith.cmpf oge, %ge3A_30, %get3A_1 : vector<50x256xf32>
    %gt3A_32 = arith.constant 2 : i32
    %gt3A_33 = vector.broadcast %gt3A_32 : i32 to vector<50x256xi32>
    %gt3A_34 = arith.cmpi sgt, %iota3A, %gt3A_33 : vector<50x256xi32>
    %and3A_35 = arith.andi %ge3A_31, %gt3A_34 : vector<50x256xi1>
    %or3A_36 = arith.ori %gt3A_29, %and3A_35 : vector<50x256xi1>
    %jit3A_37 = arith.constant 1.000000e+00 : f32
    %jit3A_38 = arith.constant 0.000000e+00 : f32
    %broadcast_in_dim3A_39 = vector.broadcast %jit3A_37 : f32 to vector<50x256xf32>
    %broadcast_in_dim3A_40 = vector.broadcast %jit3A_38 : f32 to vector<50x256xf32>
    %select_n3A_41 = arith.select %or3A_36, %broadcast_in_dim3A_39, %broadcast_in_dim3A_40 : vector<50x256xi1>, vector<50x256xf32>
    %add3A_42 = arith.addf %add3A_26, %select_n3A_41 : vector<50x256xf32>
    %slice3A_43 = vector.extract_strided_slice %get3A_1 {offsets = [3, 0], sizes = [1, 256], strides = [1, 1]} : vector<50x256xf32> to vector<1x256xf32>
    %gt3A_44 = vector.broadcast %slice3A_43 : vector<1x256xf32> to vector<50x256xf32>
    %gt3A_45 = arith.cmpf ogt, %gt3A_44, %get3A_1 : vector<50x256xf32>
    %ge3A_46 = vector.broadcast %slice3A_43 : vector<1x256xf32> to vector<50x256xf32>
    %ge3A_47 = arith.cmpf oge, %ge3A_46, %get3A_1 : vector<50x256xf32>
    %gt3A_48 = arith.constant 3 : i32
    %gt3A_49 = vector.broadcast %gt3A_48 : i32 to vector<50x256xi32>
    %gt3A_50 = arith.cmpi sgt, %iota3A, %gt3A_49 : vector<50x256xi32>
    %and3A_51 = arith.andi %ge3A_47, %gt3A_50 : vector<50x256xi1>
    %or3A_52 = arith.ori %gt3A_45, %and3A_51 : vector<50x256xi1>
    %jit3A_53 = arith.constant 1.000000e+00 : f32
    %jit3A_54 = arith.constant 0.000000e+00 : f32
    %broadcast_in_dim3A_55 = vector.broadcast %jit3A_53 : f32 to vector<50x256xf32>
    %broadcast_in_dim3A_56 = vector.broadcast %jit3A_54 : f32 to vector<50x256xf32>
    %select_n3A_57 = arith.select %or3A_52, %broadcast_in_dim3A_55, %broadcast_in_dim3A_56 : vector<50x256xi1>, vector<50x256xf32>
    %add3A_58 = arith.addf %add3A_42, %select_n3A_57 : vector<50x256xf32>
    %slice3A_59 = vector.extract_strided_slice %get3A_1 {offsets = [4, 0], sizes = [1, 256], strides = [1, 1]} : vector<50x256xf32> to vector<1x256xf32>
    %gt3A_60 = vector.broadcast %slice3A_59 : vector<1x256xf32> to vector<50x256xf32>
    %gt3A_61 = arith.cmpf ogt, %gt3A_60, %get3A_1 : vector<50x256xf32>
    %ge3A_62 = vector.broadcast %slice3A_59 : vector<1x256xf32> to vector<50x256xf32>
    %ge3A_63 = arith.cmpf oge, %ge3A_62, %get3A_1 : vector<50x256xf32>
    %gt3A_64 = arith.constant 4 : i32
    %gt3A_65 = vector.broadcast %gt3A_64 : i32 to vector<50x256xi32>
    %gt3A_66 = arith.cmpi sgt, %iota3A, %gt3A_65 : vector<50x256xi32>
    %and3A_67 = arith.andi %ge3A_63, %gt3A_66 : vector<50x256xi1>
    %or3A_68 = arith.ori %gt3A_61, %and3A_67 : vector<50x256xi1>
    %jit3A_69 = arith.constant 1.000000e+00 : f32
    %jit3A_70 = arith.constant 0.000000e+00 : f32
    %broadcast_in_dim3A_71 = vector.broadcast %jit3A_69 : f32 to vector<50x256xf32>
    %broadcast_in_dim3A_72 = vector.broadcast %jit3A_70 : f32 to vector<50x256xf32>
    %select_n3A_73 = arith.select %or3A_68, %broadcast_in_dim3A_71, %broadcast_in_dim3A_72 : vector<50x256xi1>, vector<50x256xf32>
    %add3A_74 = arith.addf %add3A_58, %select_n3A_73 : vector<50x256xf32>
    %slice3A_75 = vector.extract_strided_slice %get3A_1 {offsets = [5, 0], sizes = [1, 256], strides = [1, 1]} : vector<50x256xf32> to vector<1x256xf32>
    %gt3A_76 = vector.broadcast %slice3A_75 : vector<1x256xf32> to vector<50x256xf32>
    %gt3A_77 = arith.cmpf ogt, %gt3A_76, %get3A_1 : vector<50x256xf32>
    %ge3A_78 = vector.broadcast %slice3A_75 : vector<1x256xf32> to vector<50x256xf32>
    %ge3A_79 = arith.cmpf oge, %ge3A_78, %get3A_1 : vector<50x256xf32>
    %gt3A_80 = arith.constant 5 : i32
    %gt3A_81 = vector.broadcast %gt3A_80 : i32 to vector<50x256xi32>
    %gt3A_82 = arith.cmpi sgt, %iota3A, %gt3A_81 : vector<50x256xi32>
    %and3A_83 = arith.andi %ge3A_79, %gt3A_82 : vector<50x256xi1>
    %or3A_84 = arith.ori %gt3A_77, %and3A_83 : vector<50x256xi1>
    %jit3A_85 = arith.constant 1.000000e+00 : f32
    %jit3A_86 = arith.constant 0.000000e+00 : f32
    %broadcast_in_dim3A_87 = vector.broadcast %jit3A_85 : f32 to vector<50x256xf32>
    %broadcast_in_dim3A_88 = vector.broadcast %jit3A_86 : f32 to vector<50x256xf32>
    %select_n3A_89 = arith.select %or3A_84, %broadcast_in_dim3A_87, %broadcast_in_dim3A_88 : vector<50x256xi1>, vector<50x256xf32>
    %add3A_90 = arith.addf %add3A_74, %select_n3A_89 : vector<50x256xf32>
    %slice3A_91 = vector.extract_strided_slice %get3A_1 {offsets = [6, 0], sizes = [1, 256], strides = [1, 1]} : vector<50x256xf32> to vector<1x256xf32>
    %gt3A_92 = vector.broadcast %slice3A_91 : vector<1x256xf32> to vector<50x256xf32>
    %gt3A_93 = arith.cmpf ogt, %gt3A_92, %get3A_1 : vector<50x256xf32>
    %ge3A_94 = vector.broadcast %slice3A_91 : vector<1x256xf32> to vector<50x256xf32>
    %ge3A_95 = arith.cmpf oge, %ge3A_94, %get3A_1 : vector<50x256xf32>
    %gt3A_96 = arith.constant 6 : i32
    %gt3A_97 = vector.broadcast %gt3A_96 : i32 to vector<50x256xi32>
    %gt3A_98 = arith.cmpi sgt, %iota3A, %gt3A_97 : vector<50x256xi32>
    %and3A_99 = arith.andi %ge3A_95, %gt3A_98 : vector<50x256xi1>
    %or3A_100 = arith.ori %gt3A_93, %and3A_99 : vector<50x256xi1>
    %jit3A_101 = arith.constant 1.000000e+00 : f32
    %jit3A_102 = arith.constant 0.000000e+00 : f32
    %broadcast_in_dim3A_103 = vector.broadcast %jit3A_101 : f32 to vector<50x256xf32>
    %broadcast_in_dim3A_104 = vector.broadcast %jit3A_102 : f32 to vector<50x256xf32>
    %select_n3A_105 = arith.select %or3A_100, %broadcast_in_dim3A_103, %broadcast_in_dim3A_104 : vector<50x256xi1>, vector<50x256xf32>
    %add3A_106 = arith.addf %add3A_90, %select_n3A_105 : vector<50x256xf32>
    %slice3A_107 = vector.extract_strided_slice %get3A_1 {offsets = [7, 0], sizes = [1, 256], strides = [1, 1]} : vector<50x256xf32> to vector<1x256xf32>
    %gt3A_108 = vector.broadcast %slice3A_107 : vector<1x256xf32> to vector<50x256xf32>
    %gt3A_109 = arith.cmpf ogt, %gt3A_108, %get3A_1 : vector<50x256xf32>
    %ge3A_110 = vector.broadcast %slice3A_107 : vector<1x256xf32> to vector<50x256xf32>
    %ge3A_111 = arith.cmpf oge, %ge3A_110, %get3A_1 : vector<50x256xf32>
    %gt3A_112 = arith.constant 7 : i32
    %gt3A_113 = vector.broadcast %gt3A_112 : i32 to vector<50x256xi32>
    %gt3A_114 = arith.cmpi sgt, %iota3A, %gt3A_113 : vector<50x256xi32>
    %and3A_115 = arith.andi %ge3A_111, %gt3A_114 : vector<50x256xi1>
    %or3A_116 = arith.ori %gt3A_109, %and3A_115 : vector<50x256xi1>
    %jit3A_117 = arith.constant 1.000000e+00 : f32
    %jit3A_118 = arith.constant 0.000000e+00 : f32
    %broadcast_in_dim3A_119 = vector.broadcast %jit3A_117 : f32 to vector<50x256xf32>
    %broadcast_in_dim3A_120 = vector.broadcast %jit3A_118 : f32 to vector<50x256xf32>
    %select_n3A_121 = arith.select %or3A_116, %broadcast_in_dim3A_119, %broadcast_in_dim3A_120 : vector<50x256xi1>, vector<50x256xf32>
    %add3A_122 = arith.addf %add3A_106, %select_n3A_121 : vector<50x256xf32>
    %slice3A_123 = vector.extract_strided_slice %get3A_1 {offsets = [8, 0], sizes = [1, 256], strides = [1, 1]} : vector<50x256xf32> to vector<1x256xf32>
    %gt3A_124 = vector.broadcast %slice3A_123 : vector<1x256xf32> to vector<50x256xf32>
    %gt3A_125 = arith.cmpf ogt, %gt3A_124, %get3A_1 : vector<50x256xf32>
    %ge3A_126 = vector.broadcast %slice3A_123 : vector<1x256xf32> to vector<50x256xf32>
    %ge3A_127 = arith.cmpf oge, %ge3A_126, %get3A_1 : vector<50x256xf32>
    %gt3A_128 = arith.constant 8 : i32
    %gt3A_129 = vector.broadcast %gt3A_128 : i32 to vector<50x256xi32>
    %gt3A_130 = arith.cmpi sgt, %iota3A, %gt3A_129 : vector<50x256xi32>
    %and3A_131 = arith.andi %ge3A_127, %gt3A_130 : vector<50x256xi1>
    %or3A_132 = arith.ori %gt3A_125, %and3A_131 : vector<50x256xi1>
    %jit3A_133 = arith.constant 1.000000e+00 : f32
    %jit3A_134 = arith.constant 0.000000e+00 : f32
    %broadcast_in_dim3A_135 = vector.broadcast %jit3A_133 : f32 to vector<50x256xf32>
    %broadcast_in_dim3A_136 = vector.broadcast %jit3A_134 : f32 to vector<50x256xf32>
    %select_n3A_137 = arith.select %or3A_132, %broadcast_in_dim3A_135, %broadcast_in_dim3A_136 : vector<50x256xi1>, vector<50x256xf32>
    %add3A_138 = arith.addf %add3A_122, %select_n3A_137 : vector<50x256xf32>
    %slice3A_139 = vector.extract_strided_slice %get3A_1 {offsets = [9, 0], sizes = [1, 256], strides = [1, 1]} : vector<50x256xf32> to vector<1x256xf32>
    %gt3A_140 = vector.broadcast %slice3A_139 : vector<1x256xf32> to vector<50x256xf32>
    %gt3A_141 = arith.cmpf ogt, %gt3A_140, %get3A_1 : vector<50x256xf32>
    %ge3A_142 = vector.broadcast %slice3A_139 : vector<1x256xf32> to vector<50x256xf32>
    %ge3A_143 = arith.cmpf oge, %ge3A_142, %get3A_1 : vector<50x256xf32>
    %gt3A_144 = arith.constant 9 : i32
    %gt3A_145 = vector.broadcast %gt3A_144 : i32 to vector<50x256xi32>
    %gt3A_146 = arith.cmpi sgt, %iota3A, %gt3A_145 : vector<50x256xi32>
    %and3A_147 = arith.andi %ge3A_143, %gt3A_146 : vector<50x256xi1>
    %or3A_148 = arith.ori %gt3A_141, %and3A_147 : vector<50x256xi1>
    %jit3A_149 = arith.constant 1.000000e+00 : f32
    %jit3A_150 = arith.constant 0.000000e+00 : f32
    %broadcast_in_dim3A_151 = vector.broadcast %jit3A_149 : f32 to vector<50x256xf32>
    %broadcast_in_dim3A_152 = vector.broadcast %jit3A_150 : f32 to vector<50x256xf32>
    %select_n3A_153 = arith.select %or3A_148, %broadcast_in_dim3A_151, %broadcast_in_dim3A_152 : vector<50x256xi1>, vector<50x256xf32>
    %add3A_154 = arith.addf %add3A_138, %select_n3A_153 : vector<50x256xf32>
    %slice3A_155 = vector.extract_strided_slice %get3A_1 {offsets = [10, 0], sizes = [1, 256], strides = [1, 1]} : vector<50x256xf32> to vector<1x256xf32>
    %gt3A_156 = vector.broadcast %slice3A_155 : vector<1x256xf32> to vector<50x256xf32>
    %gt3A_157 = arith.cmpf ogt, %gt3A_156, %get3A_1 : vector<50x256xf32>
    %ge3A_158 = vector.broadcast %slice3A_155 : vector<1x256xf32> to vector<50x256xf32>
    %ge3A_159 = arith.cmpf oge, %ge3A_158, %get3A_1 : vector<50x256xf32>
    %gt3A_160 = arith.constant 10 : i32
    %gt3A_161 = vector.broadcast %gt3A_160 : i32 to vector<50x256xi32>
    %gt3A_162 = arith.cmpi sgt, %iota3A, %gt3A_161 : vector<50x256xi32>
    %and3A_163 = arith.andi %ge3A_159, %gt3A_162 : vector<50x256xi1>
    %or3A_164 = arith.ori %gt3A_157, %and3A_163 : vector<50x256xi1>
    %jit3A_165 = arith.constant 1.000000e+00 : f32
    %jit3A_166 = arith.constant 0.000000e+00 : f32
    %broadcast_in_dim3A_167 = vector.broadcast %jit3A_165 : f32 to vector<50x256xf32>
    %broadcast_in_dim3A_168 = vector.broadcast %jit3A_166 : f32 to vector<50x256xf32>
    %select_n3A_169 = arith.select %or3A_164, %broadcast_in_dim3A_167, %broadcast_in_dim3A_168 : vector<50x256xi1>, vector<50x256xf32>
    %add3A_170 = arith.addf %add3A_154, %select_n3A_169 : vector<50x256xf32>
    %slice3A_171 = vector.extract_strided_slice %get3A_1 {offsets = [11, 0], sizes = [1, 256], strides = [1, 1]} : vector<50x256xf32> to vector<1x256xf32>
    %gt3A_172 = vector.broadcast %slice3A_171 : vector<1x256xf32> to vector<50x256xf32>
    %gt3A_173 = arith.cmpf ogt, %gt3A_172, %get3A_1 : vector<50x256xf32>
    %ge3A_174 = vector.broadcast %slice3A_171 : vector<1x256xf32> to vector<50x256xf32>
    %ge3A_175 = arith.cmpf oge, %ge3A_174, %get3A_1 : vector<50x256xf32>
    %gt3A_176 = arith.constant 11 : i32
    %gt3A_177 = vector.broadcast %gt3A_176 : i32 to vector<50x256xi32>
    %gt3A_178 = arith.cmpi sgt, %iota3A, %gt3A_177 : vector<50x256xi32>
    %and3A_179 = arith.andi %ge3A_175, %gt3A_178 : vector<50x256xi1>
    %or3A_180 = arith.ori %gt3A_173, %and3A_179 : vector<50x256xi1>
    %jit3A_181 = arith.constant 1.000000e+00 : f32
    %jit3A_182 = arith.constant 0.000000e+00 : f32
    %broadcast_in_dim3A_183 = vector.broadcast %jit3A_181 : f32 to vector<50x256xf32>
    %broadcast_in_dim3A_184 = vector.broadcast %jit3A_182 : f32 to vector<50x256xf32>
    %select_n3A_185 = arith.select %or3A_180, %broadcast_in_dim3A_183, %broadcast_in_dim3A_184 : vector<50x256xi1>, vector<50x256xf32>
    %add3A_186 = arith.addf %add3A_170, %select_n3A_185 : vector<50x256xf32>
    %slice3A_187 = vector.extract_strided_slice %get3A_1 {offsets = [12, 0], sizes = [1, 256], strides = [1, 1]} : vector<50x256xf32> to vector<1x256xf32>
    %gt3A_188 = vector.broadcast %slice3A_187 : vector<1x256xf32> to vector<50x256xf32>
    %gt3A_189 = arith.cmpf ogt, %gt3A_188, %get3A_1 : vector<50x256xf32>
    %ge3A_190 = vector.broadcast %slice3A_187 : vector<1x256xf32> to vector<50x256xf32>
    %ge3A_191 = arith.cmpf oge, %ge3A_190, %get3A_1 : vector<50x256xf32>
    %gt3A_192 = arith.constant 12 : i32
    %gt3A_193 = vector.broadcast %gt3A_192 : i32 to vector<50x256xi32>
    %gt3A_194 = arith.cmpi sgt, %iota3A, %gt3A_193 : vector<50x256xi32>
    %and3A_195 = arith.andi %ge3A_191, %gt3A_194 : vector<50x256xi1>
    %or3A_196 = arith.ori %gt3A_189, %and3A_195 : vector<50x256xi1>
    %jit3A_197 = arith.constant 1.000000e+00 : f32
    %jit3A_198 = arith.constant 0.000000e+00 : f32
    %broadcast_in_dim3A_199 = vector.broadcast %jit3A_197 : f32 to vector<50x256xf32>
    %broadcast_in_dim3A_200 = vector.broadcast %jit3A_198 : f32 to vector<50x256xf32>
    %select_n3A_201 = arith.select %or3A_196, %broadcast_in_dim3A_199, %broadcast_in_dim3A_200 : vector<50x256xi1>, vector<50x256xf32>
    %add3A_202 = arith.addf %add3A_186, %select_n3A_201 : vector<50x256xf32>
    %slice3A_203 = vector.extract_strided_slice %get3A_1 {offsets = [13, 0], sizes = [1, 256], strides = [1, 1]} : vector<50x256xf32> to vector<1x256xf32>
    %gt3A_204 = vector.broadcast %slice3A_203 : vector<1x256xf32> to vector<50x256xf32>
    %gt3A_205 = arith.cmpf ogt, %gt3A_204, %get3A_1 : vector<50x256xf32>
    %ge3A_206 = vector.broadcast %slice3A_203 : vector<1x256xf32> to vector<50x256xf32>
    %ge3A_207 = arith.cmpf oge, %ge3A_206, %get3A_1 : vector<50x256xf32>
    %gt3A_208 = arith.constant 13 : i32
    %gt3A_209 = vector.broadcast %gt3A_208 : i32 to vector<50x256xi32>
    %gt3A_210 = arith.cmpi sgt, %iota3A, %gt3A_209 : vector<50x256xi32>
    %and3A_211 = arith.andi %ge3A_207, %gt3A_210 : vector<50x256xi1>
    %or3A_212 = arith.ori %gt3A_205, %and3A_211 : vector<50x256xi1>
    %jit3A_213 = arith.constant 1.000000e+00 : f32
    %jit3A_214 = arith.constant 0.000000e+00 : f32
    %broadcast_in_dim3A_215 = vector.broadcast %jit3A_213 : f32 to vector<50x256xf32>
    %broadcast_in_dim3A_216 = vector.broadcast %jit3A_214 : f32 to vector<50x256xf32>
    %select_n3A_217 = arith.select %or3A_212, %broadcast_in_dim3A_215, %broadcast_in_dim3A_216 : vector<50x256xi1>, vector<50x256xf32>
    %add3A_218 = arith.addf %add3A_202, %select_n3A_217 : vector<50x256xf32>
    %slice3A_219 = vector.extract_strided_slice %get3A_1 {offsets = [14, 0], sizes = [1, 256], strides = [1, 1]} : vector<50x256xf32> to vector<1x256xf32>
    %gt3A_220 = vector.broadcast %slice3A_219 : vector<1x256xf32> to vector<50x256xf32>
    %gt3A_221 = arith.cmpf ogt, %gt3A_220, %get3A_1 : vector<50x256xf32>
    %ge3A_222 = vector.broadcast %slice3A_219 : vector<1x256xf32> to vector<50x256xf32>
    %ge3A_223 = arith.cmpf oge, %ge3A_222, %get3A_1 : vector<50x256xf32>
    %gt3A_224 = arith.constant 14 : i32
    %gt3A_225 = vector.broadcast %gt3A_224 : i32 to vector<50x256xi32>
    %gt3A_226 = arith.cmpi sgt, %iota3A, %gt3A_225 : vector<50x256xi32>
    %and3A_227 = arith.andi %ge3A_223, %gt3A_226 : vector<50x256xi1>
    %or3A_228 = arith.ori %gt3A_221, %and3A_227 : vector<50x256xi1>
    %jit3A_229 = arith.constant 1.000000e+00 : f32
    %jit3A_230 = arith.constant 0.000000e+00 : f32
    %broadcast_in_dim3A_231 = vector.broadcast %jit3A_229 : f32 to vector<50x256xf32>
    %broadcast_in_dim3A_232 = vector.broadcast %jit3A_230 : f32 to vector<50x256xf32>
    %select_n3A_233 = arith.select %or3A_228, %broadcast_in_dim3A_231, %broadcast_in_dim3A_232 : vector<50x256xi1>, vector<50x256xf32>
    %add3A_234 = arith.addf %add3A_218, %select_n3A_233 : vector<50x256xf32>
    %slice3A_235 = vector.extract_strided_slice %get3A_1 {offsets = [15, 0], sizes = [1, 256], strides = [1, 1]} : vector<50x256xf32> to vector<1x256xf32>
    %gt3A_236 = vector.broadcast %slice3A_235 : vector<1x256xf32> to vector<50x256xf32>
    %gt3A_237 = arith.cmpf ogt, %gt3A_236, %get3A_1 : vector<50x256xf32>
    %ge3A_238 = vector.broadcast %slice3A_235 : vector<1x256xf32> to vector<50x256xf32>
    %ge3A_239 = arith.cmpf oge, %ge3A_238, %get3A_1 : vector<50x256xf32>
    %gt3A_240 = arith.constant 15 : i32
    %gt3A_241 = vector.broadcast %gt3A_240 : i32 to vector<50x256xi32>
    %gt3A_242 = arith.cmpi sgt, %iota3A, %gt3A_241 : vector<50x256xi32>
    %and3A_243 = arith.andi %ge3A_239, %gt3A_242 : vector<50x256xi1>
    %or3A_244 = arith.ori %gt3A_237, %and3A_243 : vector<50x256xi1>
    %jit3A_245 = arith.constant 1.000000e+00 : f32
    %jit3A_246 = arith.constant 0.000000e+00 : f32
    %broadcast_in_dim3A_247 = vector.broadcast %jit3A_245 : f32 to vector<50x256xf32>
    %broadcast_in_dim3A_248 = vector.broadcast %jit3A_246 : f32 to vector<50x256xf32>
    %select_n3A_249 = arith.select %or3A_244, %broadcast_in_dim3A_247, %broadcast_in_dim3A_248 : vector<50x256xi1>, vector<50x256xf32>
    %add3A_250 = arith.addf %add3A_234, %select_n3A_249 : vector<50x256xf32>
    %slice3A_251 = vector.extract_strided_slice %get3A_1 {offsets = [16, 0], sizes = [1, 256], strides = [1, 1]} : vector<50x256xf32> to vector<1x256xf32>
    %gt3A_252 = vector.broadcast %slice3A_251 : vector<1x256xf32> to vector<50x256xf32>
    %gt3A_253 = arith.cmpf ogt, %gt3A_252, %get3A_1 : vector<50x256xf32>
    %ge3A_254 = vector.broadcast %slice3A_251 : vector<1x256xf32> to vector<50x256xf32>
    %ge3A_255 = arith.cmpf oge, %ge3A_254, %get3A_1 : vector<50x256xf32>
    %gt3A_256 = arith.constant 16 : i32
    %gt3A_257 = vector.broadcast %gt3A_256 : i32 to vector<50x256xi32>
    %gt3A_258 = arith.cmpi sgt, %iota3A, %gt3A_257 : vector<50x256xi32>
    %and3A_259 = arith.andi %ge3A_255, %gt3A_258 : vector<50x256xi1>
    %or3A_260 = arith.ori %gt3A_253, %and3A_259 : vector<50x256xi1>
    %jit3A_261 = arith.constant 1.000000e+00 : f32
    %jit3A_262 = arith.constant 0.000000e+00 : f32
    %broadcast_in_dim3A_263 = vector.broadcast %jit3A_261 : f32 to vector<50x256xf32>
    %broadcast_in_dim3A_264 = vector.broadcast %jit3A_262 : f32 to vector<50x256xf32>
    %select_n3A_265 = arith.select %or3A_260, %broadcast_in_dim3A_263, %broadcast_in_dim3A_264 : vector<50x256xi1>, vector<50x256xf32>
    %add3A_266 = arith.addf %add3A_250, %select_n3A_265 : vector<50x256xf32>
    %slice3A_267 = vector.extract_strided_slice %get3A_1 {offsets = [17, 0], sizes = [1, 256], strides = [1, 1]} : vector<50x256xf32> to vector<1x256xf32>
    %gt3A_268 = vector.broadcast %slice3A_267 : vector<1x256xf32> to vector<50x256xf32>
    %gt3A_269 = arith.cmpf ogt, %gt3A_268, %get3A_1 : vector<50x256xf32>
    %ge3A_270 = vector.broadcast %slice3A_267 : vector<1x256xf32> to vector<50x256xf32>
    %ge3A_271 = arith.cmpf oge, %ge3A_270, %get3A_1 : vector<50x256xf32>
    %gt3A_272 = arith.constant 17 : i32
    %gt3A_273 = vector.broadcast %gt3A_272 : i32 to vector<50x256xi32>
    %gt3A_274 = arith.cmpi sgt, %iota3A, %gt3A_273 : vector<50x256xi32>
    %and3A_275 = arith.andi %ge3A_271, %gt3A_274 : vector<50x256xi1>
    %or3A_276 = arith.ori %gt3A_269, %and3A_275 : vector<50x256xi1>
    %jit3A_277 = arith.constant 1.000000e+00 : f32
    %jit3A_278 = arith.constant 0.000000e+00 : f32
    %broadcast_in_dim3A_279 = vector.broadcast %jit3A_277 : f32 to vector<50x256xf32>
    %broadcast_in_dim3A_280 = vector.broadcast %jit3A_278 : f32 to vector<50x256xf32>
    %select_n3A_281 = arith.select %or3A_276, %broadcast_in_dim3A_279, %broadcast_in_dim3A_280 : vector<50x256xi1>, vector<50x256xf32>
    %add3A_282 = arith.addf %add3A_266, %select_n3A_281 : vector<50x256xf32>
    %slice3A_283 = vector.extract_strided_slice %get3A_1 {offsets = [18, 0], sizes = [1, 256], strides = [1, 1]} : vector<50x256xf32> to vector<1x256xf32>
    %gt3A_284 = vector.broadcast %slice3A_283 : vector<1x256xf32> to vector<50x256xf32>
    %gt3A_285 = arith.cmpf ogt, %gt3A_284, %get3A_1 : vector<50x256xf32>
    %ge3A_286 = vector.broadcast %slice3A_283 : vector<1x256xf32> to vector<50x256xf32>
    %ge3A_287 = arith.cmpf oge, %ge3A_286, %get3A_1 : vector<50x256xf32>
    %gt3A_288 = arith.constant 18 : i32
    %gt3A_289 = vector.broadcast %gt3A_288 : i32 to vector<50x256xi32>
    %gt3A_290 = arith.cmpi sgt, %iota3A, %gt3A_289 : vector<50x256xi32>
    %and3A_291 = arith.andi %ge3A_287, %gt3A_290 : vector<50x256xi1>
    %or3A_292 = arith.ori %gt3A_285, %and3A_291 : vector<50x256xi1>
    %jit3A_293 = arith.constant 1.000000e+00 : f32
    %jit3A_294 = arith.constant 0.000000e+00 : f32
    %broadcast_in_dim3A_295 = vector.broadcast %jit3A_293 : f32 to vector<50x256xf32>
    %broadcast_in_dim3A_296 = vector.broadcast %jit3A_294 : f32 to vector<50x256xf32>
    %select_n3A_297 = arith.select %or3A_292, %broadcast_in_dim3A_295, %broadcast_in_dim3A_296 : vector<50x256xi1>, vector<50x256xf32>
    %add3A_298 = arith.addf %add3A_282, %select_n3A_297 : vector<50x256xf32>
    %slice3A_299 = vector.extract_strided_slice %get3A_1 {offsets = [19, 0], sizes = [1, 256], strides = [1, 1]} : vector<50x256xf32> to vector<1x256xf32>
    %gt3A_300 = vector.broadcast %slice3A_299 : vector<1x256xf32> to vector<50x256xf32>
    %gt3A_301 = arith.cmpf ogt, %gt3A_300, %get3A_1 : vector<50x256xf32>
    %ge3A_302 = vector.broadcast %slice3A_299 : vector<1x256xf32> to vector<50x256xf32>
    %ge3A_303 = arith.cmpf oge, %ge3A_302, %get3A_1 : vector<50x256xf32>
    %gt3A_304 = arith.constant 19 : i32
    %gt3A_305 = vector.broadcast %gt3A_304 : i32 to vector<50x256xi32>
    %gt3A_306 = arith.cmpi sgt, %iota3A, %gt3A_305 : vector<50x256xi32>
    %and3A_307 = arith.andi %ge3A_303, %gt3A_306 : vector<50x256xi1>
    %or3A_308 = arith.ori %gt3A_301, %and3A_307 : vector<50x256xi1>
    %jit3A_309 = arith.constant 1.000000e+00 : f32
    %jit3A_310 = arith.constant 0.000000e+00 : f32
    %broadcast_in_dim3A_311 = vector.broadcast %jit3A_309 : f32 to vector<50x256xf32>
    %broadcast_in_dim3A_312 = vector.broadcast %jit3A_310 : f32 to vector<50x256xf32>
    %select_n3A_313 = arith.select %or3A_308, %broadcast_in_dim3A_311, %broadcast_in_dim3A_312 : vector<50x256xi1>, vector<50x256xf32>
    %add3A_314 = arith.addf %add3A_298, %select_n3A_313 : vector<50x256xf32>
    %slice3A_315 = vector.extract_strided_slice %get3A_1 {offsets = [20, 0], sizes = [1, 256], strides = [1, 1]} : vector<50x256xf32> to vector<1x256xf32>
    %gt3A_316 = vector.broadcast %slice3A_315 : vector<1x256xf32> to vector<50x256xf32>
    %gt3A_317 = arith.cmpf ogt, %gt3A_316, %get3A_1 : vector<50x256xf32>
    %ge3A_318 = vector.broadcast %slice3A_315 : vector<1x256xf32> to vector<50x256xf32>
    %ge3A_319 = arith.cmpf oge, %ge3A_318, %get3A_1 : vector<50x256xf32>
    %gt3A_320 = arith.constant 20 : i32
    %gt3A_321 = vector.broadcast %gt3A_320 : i32 to vector<50x256xi32>
    %gt3A_322 = arith.cmpi sgt, %iota3A, %gt3A_321 : vector<50x256xi32>
    %and3A_323 = arith.andi %ge3A_319, %gt3A_322 : vector<50x256xi1>
    %or3A_324 = arith.ori %gt3A_317, %and3A_323 : vector<50x256xi1>
    %jit3A_325 = arith.constant 1.000000e+00 : f32
    %jit3A_326 = arith.constant 0.000000e+00 : f32
    %broadcast_in_dim3A_327 = vector.broadcast %jit3A_325 : f32 to vector<50x256xf32>
    %broadcast_in_dim3A_328 = vector.broadcast %jit3A_326 : f32 to vector<50x256xf32>
    %select_n3A_329 = arith.select %or3A_324, %broadcast_in_dim3A_327, %broadcast_in_dim3A_328 : vector<50x256xi1>, vector<50x256xf32>
    %add3A_330 = arith.addf %add3A_314, %select_n3A_329 : vector<50x256xf32>
    %slice3A_331 = vector.extract_strided_slice %get3A_1 {offsets = [21, 0], sizes = [1, 256], strides = [1, 1]} : vector<50x256xf32> to vector<1x256xf32>
    %gt3A_332 = vector.broadcast %slice3A_331 : vector<1x256xf32> to vector<50x256xf32>
    %gt3A_333 = arith.cmpf ogt, %gt3A_332, %get3A_1 : vector<50x256xf32>
    %ge3A_334 = vector.broadcast %slice3A_331 : vector<1x256xf32> to vector<50x256xf32>
    %ge3A_335 = arith.cmpf oge, %ge3A_334, %get3A_1 : vector<50x256xf32>
    %gt3A_336 = arith.constant 21 : i32
    %gt3A_337 = vector.broadcast %gt3A_336 : i32 to vector<50x256xi32>
    %gt3A_338 = arith.cmpi sgt, %iota3A, %gt3A_337 : vector<50x256xi32>
    %and3A_339 = arith.andi %ge3A_335, %gt3A_338 : vector<50x256xi1>
    %or3A_340 = arith.ori %gt3A_333, %and3A_339 : vector<50x256xi1>
    %jit3A_341 = arith.constant 1.000000e+00 : f32
    %jit3A_342 = arith.constant 0.000000e+00 : f32
    %broadcast_in_dim3A_343 = vector.broadcast %jit3A_341 : f32 to vector<50x256xf32>
    %broadcast_in_dim3A_344 = vector.broadcast %jit3A_342 : f32 to vector<50x256xf32>
    %select_n3A_345 = arith.select %or3A_340, %broadcast_in_dim3A_343, %broadcast_in_dim3A_344 : vector<50x256xi1>, vector<50x256xf32>
    %add3A_346 = arith.addf %add3A_330, %select_n3A_345 : vector<50x256xf32>
    %slice3A_347 = vector.extract_strided_slice %get3A_1 {offsets = [22, 0], sizes = [1, 256], strides = [1, 1]} : vector<50x256xf32> to vector<1x256xf32>
    %gt3A_348 = vector.broadcast %slice3A_347 : vector<1x256xf32> to vector<50x256xf32>
    %gt3A_349 = arith.cmpf ogt, %gt3A_348, %get3A_1 : vector<50x256xf32>
    %ge3A_350 = vector.broadcast %slice3A_347 : vector<1x256xf32> to vector<50x256xf32>
    %ge3A_351 = arith.cmpf oge, %ge3A_350, %get3A_1 : vector<50x256xf32>
    %gt3A_352 = arith.constant 22 : i32
    %gt3A_353 = vector.broadcast %gt3A_352 : i32 to vector<50x256xi32>
    %gt3A_354 = arith.cmpi sgt, %iota3A, %gt3A_353 : vector<50x256xi32>
    %and3A_355 = arith.andi %ge3A_351, %gt3A_354 : vector<50x256xi1>
    %or3A_356 = arith.ori %gt3A_349, %and3A_355 : vector<50x256xi1>
    %jit3A_357 = arith.constant 1.000000e+00 : f32
    %jit3A_358 = arith.constant 0.000000e+00 : f32
    %broadcast_in_dim3A_359 = vector.broadcast %jit3A_357 : f32 to vector<50x256xf32>
    %broadcast_in_dim3A_360 = vector.broadcast %jit3A_358 : f32 to vector<50x256xf32>
    %select_n3A_361 = arith.select %or3A_356, %broadcast_in_dim3A_359, %broadcast_in_dim3A_360 : vector<50x256xi1>, vector<50x256xf32>
    %add3A_362 = arith.addf %add3A_346, %select_n3A_361 : vector<50x256xf32>
    %slice3A_363 = vector.extract_strided_slice %get3A_1 {offsets = [23, 0], sizes = [1, 256], strides = [1, 1]} : vector<50x256xf32> to vector<1x256xf32>
    %gt3A_364 = vector.broadcast %slice3A_363 : vector<1x256xf32> to vector<50x256xf32>
    %gt3A_365 = arith.cmpf ogt, %gt3A_364, %get3A_1 : vector<50x256xf32>
    %ge3A_366 = vector.broadcast %slice3A_363 : vector<1x256xf32> to vector<50x256xf32>
    %ge3A_367 = arith.cmpf oge, %ge3A_366, %get3A_1 : vector<50x256xf32>
    %gt3A_368 = arith.constant 23 : i32
    %gt3A_369 = vector.broadcast %gt3A_368 : i32 to vector<50x256xi32>
    %gt3A_370 = arith.cmpi sgt, %iota3A, %gt3A_369 : vector<50x256xi32>
    %and3A_371 = arith.andi %ge3A_367, %gt3A_370 : vector<50x256xi1>
    %or3A_372 = arith.ori %gt3A_365, %and3A_371 : vector<50x256xi1>
    %jit3A_373 = arith.constant 1.000000e+00 : f32
    %jit3A_374 = arith.constant 0.000000e+00 : f32
    %broadcast_in_dim3A_375 = vector.broadcast %jit3A_373 : f32 to vector<50x256xf32>
    %broadcast_in_dim3A_376 = vector.broadcast %jit3A_374 : f32 to vector<50x256xf32>
    %select_n3A_377 = arith.select %or3A_372, %broadcast_in_dim3A_375, %broadcast_in_dim3A_376 : vector<50x256xi1>, vector<50x256xf32>
    %add3A_378 = arith.addf %add3A_362, %select_n3A_377 : vector<50x256xf32>
    %slice3A_379 = vector.extract_strided_slice %get3A_1 {offsets = [24, 0], sizes = [1, 256], strides = [1, 1]} : vector<50x256xf32> to vector<1x256xf32>
    %gt3A_380 = vector.broadcast %slice3A_379 : vector<1x256xf32> to vector<50x256xf32>
    %gt3A_381 = arith.cmpf ogt, %gt3A_380, %get3A_1 : vector<50x256xf32>
    %ge3A_382 = vector.broadcast %slice3A_379 : vector<1x256xf32> to vector<50x256xf32>
    %ge3A_383 = arith.cmpf oge, %ge3A_382, %get3A_1 : vector<50x256xf32>
    %gt3A_384 = arith.constant 24 : i32
    %gt3A_385 = vector.broadcast %gt3A_384 : i32 to vector<50x256xi32>
    %gt3A_386 = arith.cmpi sgt, %iota3A, %gt3A_385 : vector<50x256xi32>
    %and3A_387 = arith.andi %ge3A_383, %gt3A_386 : vector<50x256xi1>
    %or3A_388 = arith.ori %gt3A_381, %and3A_387 : vector<50x256xi1>
    %jit3A_389 = arith.constant 1.000000e+00 : f32
    %jit3A_390 = arith.constant 0.000000e+00 : f32
    %broadcast_in_dim3A_391 = vector.broadcast %jit3A_389 : f32 to vector<50x256xf32>
    %broadcast_in_dim3A_392 = vector.broadcast %jit3A_390 : f32 to vector<50x256xf32>
    %select_n3A_393 = arith.select %or3A_388, %broadcast_in_dim3A_391, %broadcast_in_dim3A_392 : vector<50x256xi1>, vector<50x256xf32>
    %add3A_394 = arith.addf %add3A_378, %select_n3A_393 : vector<50x256xf32>
    %slice3A_395 = vector.extract_strided_slice %get3A_1 {offsets = [25, 0], sizes = [1, 256], strides = [1, 1]} : vector<50x256xf32> to vector<1x256xf32>
    %gt3A_396 = vector.broadcast %slice3A_395 : vector<1x256xf32> to vector<50x256xf32>
    %gt3A_397 = arith.cmpf ogt, %gt3A_396, %get3A_1 : vector<50x256xf32>
    %ge3A_398 = vector.broadcast %slice3A_395 : vector<1x256xf32> to vector<50x256xf32>
    %ge3A_399 = arith.cmpf oge, %ge3A_398, %get3A_1 : vector<50x256xf32>
    %gt3A_400 = arith.constant 25 : i32
    %gt3A_401 = vector.broadcast %gt3A_400 : i32 to vector<50x256xi32>
    %gt3A_402 = arith.cmpi sgt, %iota3A, %gt3A_401 : vector<50x256xi32>
    %and3A_403 = arith.andi %ge3A_399, %gt3A_402 : vector<50x256xi1>
    %or3A_404 = arith.ori %gt3A_397, %and3A_403 : vector<50x256xi1>
    %jit3A_405 = arith.constant 1.000000e+00 : f32
    %jit3A_406 = arith.constant 0.000000e+00 : f32
    %broadcast_in_dim3A_407 = vector.broadcast %jit3A_405 : f32 to vector<50x256xf32>
    %broadcast_in_dim3A_408 = vector.broadcast %jit3A_406 : f32 to vector<50x256xf32>
    %select_n3A_409 = arith.select %or3A_404, %broadcast_in_dim3A_407, %broadcast_in_dim3A_408 : vector<50x256xi1>, vector<50x256xf32>
    %add3A_410 = arith.addf %add3A_394, %select_n3A_409 : vector<50x256xf32>
    %slice3A_411 = vector.extract_strided_slice %get3A_1 {offsets = [26, 0], sizes = [1, 256], strides = [1, 1]} : vector<50x256xf32> to vector<1x256xf32>
    %gt3A_412 = vector.broadcast %slice3A_411 : vector<1x256xf32> to vector<50x256xf32>
    %gt3A_413 = arith.cmpf ogt, %gt3A_412, %get3A_1 : vector<50x256xf32>
    %ge3A_414 = vector.broadcast %slice3A_411 : vector<1x256xf32> to vector<50x256xf32>
    %ge3A_415 = arith.cmpf oge, %ge3A_414, %get3A_1 : vector<50x256xf32>
    %gt3A_416 = arith.constant 26 : i32
    %gt3A_417 = vector.broadcast %gt3A_416 : i32 to vector<50x256xi32>
    %gt3A_418 = arith.cmpi sgt, %iota3A, %gt3A_417 : vector<50x256xi32>
    %and3A_419 = arith.andi %ge3A_415, %gt3A_418 : vector<50x256xi1>
    %or3A_420 = arith.ori %gt3A_413, %and3A_419 : vector<50x256xi1>
    %jit3A_421 = arith.constant 1.000000e+00 : f32
    %jit3A_422 = arith.constant 0.000000e+00 : f32
    %broadcast_in_dim3A_423 = vector.broadcast %jit3A_421 : f32 to vector<50x256xf32>
    %broadcast_in_dim3A_424 = vector.broadcast %jit3A_422 : f32 to vector<50x256xf32>
    %select_n3A_425 = arith.select %or3A_420, %broadcast_in_dim3A_423, %broadcast_in_dim3A_424 : vector<50x256xi1>, vector<50x256xf32>
    %add3A_426 = arith.addf %add3A_410, %select_n3A_425 : vector<50x256xf32>
    %slice3A_427 = vector.extract_strided_slice %get3A_1 {offsets = [27, 0], sizes = [1, 256], strides = [1, 1]} : vector<50x256xf32> to vector<1x256xf32>
    %gt3A_428 = vector.broadcast %slice3A_427 : vector<1x256xf32> to vector<50x256xf32>
    %gt3A_429 = arith.cmpf ogt, %gt3A_428, %get3A_1 : vector<50x256xf32>
    %ge3A_430 = vector.broadcast %slice3A_427 : vector<1x256xf32> to vector<50x256xf32>
    %ge3A_431 = arith.cmpf oge, %ge3A_430, %get3A_1 : vector<50x256xf32>
    %gt3A_432 = arith.constant 27 : i32
    %gt3A_433 = vector.broadcast %gt3A_432 : i32 to vector<50x256xi32>
    %gt3A_434 = arith.cmpi sgt, %iota3A, %gt3A_433 : vector<50x256xi32>
    %and3A_435 = arith.andi %ge3A_431, %gt3A_434 : vector<50x256xi1>
    %or3A_436 = arith.ori %gt3A_429, %and3A_435 : vector<50x256xi1>
    %jit3A_437 = arith.constant 1.000000e+00 : f32
    %jit3A_438 = arith.constant 0.000000e+00 : f32
    %broadcast_in_dim3A_439 = vector.broadcast %jit3A_437 : f32 to vector<50x256xf32>
    %broadcast_in_dim3A_440 = vector.broadcast %jit3A_438 : f32 to vector<50x256xf32>
    %select_n3A_441 = arith.select %or3A_436, %broadcast_in_dim3A_439, %broadcast_in_dim3A_440 : vector<50x256xi1>, vector<50x256xf32>
    %add3A_442 = arith.addf %add3A_426, %select_n3A_441 : vector<50x256xf32>
    %slice3A_443 = vector.extract_strided_slice %get3A_1 {offsets = [28, 0], sizes = [1, 256], strides = [1, 1]} : vector<50x256xf32> to vector<1x256xf32>
    %gt3A_444 = vector.broadcast %slice3A_443 : vector<1x256xf32> to vector<50x256xf32>
    %gt3A_445 = arith.cmpf ogt, %gt3A_444, %get3A_1 : vector<50x256xf32>
    %ge3A_446 = vector.broadcast %slice3A_443 : vector<1x256xf32> to vector<50x256xf32>
    %ge3A_447 = arith.cmpf oge, %ge3A_446, %get3A_1 : vector<50x256xf32>
    %gt3A_448 = arith.constant 28 : i32
    %gt3A_449 = vector.broadcast %gt3A_448 : i32 to vector<50x256xi32>
    %gt3A_450 = arith.cmpi sgt, %iota3A, %gt3A_449 : vector<50x256xi32>
    %and3A_451 = arith.andi %ge3A_447, %gt3A_450 : vector<50x256xi1>
    %or3A_452 = arith.ori %gt3A_445, %and3A_451 : vector<50x256xi1>
    %jit3A_453 = arith.constant 1.000000e+00 : f32
    %jit3A_454 = arith.constant 0.000000e+00 : f32
    %broadcast_in_dim3A_455 = vector.broadcast %jit3A_453 : f32 to vector<50x256xf32>
    %broadcast_in_dim3A_456 = vector.broadcast %jit3A_454 : f32 to vector<50x256xf32>
    %select_n3A_457 = arith.select %or3A_452, %broadcast_in_dim3A_455, %broadcast_in_dim3A_456 : vector<50x256xi1>, vector<50x256xf32>
    %add3A_458 = arith.addf %add3A_442, %select_n3A_457 : vector<50x256xf32>
    %slice3A_459 = vector.extract_strided_slice %get3A_1 {offsets = [29, 0], sizes = [1, 256], strides = [1, 1]} : vector<50x256xf32> to vector<1x256xf32>
    %gt3A_460 = vector.broadcast %slice3A_459 : vector<1x256xf32> to vector<50x256xf32>
    %gt3A_461 = arith.cmpf ogt, %gt3A_460, %get3A_1 : vector<50x256xf32>
    %ge3A_462 = vector.broadcast %slice3A_459 : vector<1x256xf32> to vector<50x256xf32>
    %ge3A_463 = arith.cmpf oge, %ge3A_462, %get3A_1 : vector<50x256xf32>
    %gt3A_464 = arith.constant 29 : i32
    %gt3A_465 = vector.broadcast %gt3A_464 : i32 to vector<50x256xi32>
    %gt3A_466 = arith.cmpi sgt, %iota3A, %gt3A_465 : vector<50x256xi32>
    %and3A_467 = arith.andi %ge3A_463, %gt3A_466 : vector<50x256xi1>
    %or3A_468 = arith.ori %gt3A_461, %and3A_467 : vector<50x256xi1>
    %jit3A_469 = arith.constant 1.000000e+00 : f32
    %jit3A_470 = arith.constant 0.000000e+00 : f32
    %broadcast_in_dim3A_471 = vector.broadcast %jit3A_469 : f32 to vector<50x256xf32>
    %broadcast_in_dim3A_472 = vector.broadcast %jit3A_470 : f32 to vector<50x256xf32>
    %select_n3A_473 = arith.select %or3A_468, %broadcast_in_dim3A_471, %broadcast_in_dim3A_472 : vector<50x256xi1>, vector<50x256xf32>
    %add3A_474 = arith.addf %add3A_458, %select_n3A_473 : vector<50x256xf32>
    %slice3A_475 = vector.extract_strided_slice %get3A_1 {offsets = [30, 0], sizes = [1, 256], strides = [1, 1]} : vector<50x256xf32> to vector<1x256xf32>
    %gt3A_476 = vector.broadcast %slice3A_475 : vector<1x256xf32> to vector<50x256xf32>
    %gt3A_477 = arith.cmpf ogt, %gt3A_476, %get3A_1 : vector<50x256xf32>
    %ge3A_478 = vector.broadcast %slice3A_475 : vector<1x256xf32> to vector<50x256xf32>
    %ge3A_479 = arith.cmpf oge, %ge3A_478, %get3A_1 : vector<50x256xf32>
    %gt3A_480 = arith.constant 30 : i32
    %gt3A_481 = vector.broadcast %gt3A_480 : i32 to vector<50x256xi32>
    %gt3A_482 = arith.cmpi sgt, %iota3A, %gt3A_481 : vector<50x256xi32>
    %and3A_483 = arith.andi %ge3A_479, %gt3A_482 : vector<50x256xi1>
    %or3A_484 = arith.ori %gt3A_477, %and3A_483 : vector<50x256xi1>
    %jit3A_485 = arith.constant 1.000000e+00 : f32
    %jit3A_486 = arith.constant 0.000000e+00 : f32
    %broadcast_in_dim3A_487 = vector.broadcast %jit3A_485 : f32 to vector<50x256xf32>
    %broadcast_in_dim3A_488 = vector.broadcast %jit3A_486 : f32 to vector<50x256xf32>
    %select_n3A_489 = arith.select %or3A_484, %broadcast_in_dim3A_487, %broadcast_in_dim3A_488 : vector<50x256xi1>, vector<50x256xf32>
    %add3A_490 = arith.addf %add3A_474, %select_n3A_489 : vector<50x256xf32>
    %slice3A_491 = vector.extract_strided_slice %get3A_1 {offsets = [31, 0], sizes = [1, 256], strides = [1, 1]} : vector<50x256xf32> to vector<1x256xf32>
    %gt3A_492 = vector.broadcast %slice3A_491 : vector<1x256xf32> to vector<50x256xf32>
    %gt3A_493 = arith.cmpf ogt, %gt3A_492, %get3A_1 : vector<50x256xf32>
    %ge3A_494 = vector.broadcast %slice3A_491 : vector<1x256xf32> to vector<50x256xf32>
    %ge3A_495 = arith.cmpf oge, %ge3A_494, %get3A_1 : vector<50x256xf32>
    %gt3A_496 = arith.constant 31 : i32
    %gt3A_497 = vector.broadcast %gt3A_496 : i32 to vector<50x256xi32>
    %gt3A_498 = arith.cmpi sgt, %iota3A, %gt3A_497 : vector<50x256xi32>
    %and3A_499 = arith.andi %ge3A_495, %gt3A_498 : vector<50x256xi1>
    %or3A_500 = arith.ori %gt3A_493, %and3A_499 : vector<50x256xi1>
    %jit3A_501 = arith.constant 1.000000e+00 : f32
    %jit3A_502 = arith.constant 0.000000e+00 : f32
    %broadcast_in_dim3A_503 = vector.broadcast %jit3A_501 : f32 to vector<50x256xf32>
    %broadcast_in_dim3A_504 = vector.broadcast %jit3A_502 : f32 to vector<50x256xf32>
    %select_n3A_505 = arith.select %or3A_500, %broadcast_in_dim3A_503, %broadcast_in_dim3A_504 : vector<50x256xi1>, vector<50x256xf32>
    %add3A_506 = arith.addf %add3A_490, %select_n3A_505 : vector<50x256xf32>
    %slice3A_507 = vector.extract_strided_slice %get3A_1 {offsets = [32, 0], sizes = [1, 256], strides = [1, 1]} : vector<50x256xf32> to vector<1x256xf32>
    %gt3A_508 = vector.broadcast %slice3A_507 : vector<1x256xf32> to vector<50x256xf32>
    %gt3A_509 = arith.cmpf ogt, %gt3A_508, %get3A_1 : vector<50x256xf32>
    %ge3A_510 = vector.broadcast %slice3A_507 : vector<1x256xf32> to vector<50x256xf32>
    %ge3A_511 = arith.cmpf oge, %ge3A_510, %get3A_1 : vector<50x256xf32>
    %gt3A_512 = arith.constant 32 : i32
    %gt3A_513 = vector.broadcast %gt3A_512 : i32 to vector<50x256xi32>
    %gt3A_514 = arith.cmpi sgt, %iota3A, %gt3A_513 : vector<50x256xi32>
    %and3A_515 = arith.andi %ge3A_511, %gt3A_514 : vector<50x256xi1>
    %or3A_516 = arith.ori %gt3A_509, %and3A_515 : vector<50x256xi1>
    %jit3A_517 = arith.constant 1.000000e+00 : f32
    %jit3A_518 = arith.constant 0.000000e+00 : f32
    %broadcast_in_dim3A_519 = vector.broadcast %jit3A_517 : f32 to vector<50x256xf32>
    %broadcast_in_dim3A_520 = vector.broadcast %jit3A_518 : f32 to vector<50x256xf32>
    %select_n3A_521 = arith.select %or3A_516, %broadcast_in_dim3A_519, %broadcast_in_dim3A_520 : vector<50x256xi1>, vector<50x256xf32>
    %add3A_522 = arith.addf %add3A_506, %select_n3A_521 : vector<50x256xf32>
    %slice3A_523 = vector.extract_strided_slice %get3A_1 {offsets = [33, 0], sizes = [1, 256], strides = [1, 1]} : vector<50x256xf32> to vector<1x256xf32>
    %gt3A_524 = vector.broadcast %slice3A_523 : vector<1x256xf32> to vector<50x256xf32>
    %gt3A_525 = arith.cmpf ogt, %gt3A_524, %get3A_1 : vector<50x256xf32>
    %ge3A_526 = vector.broadcast %slice3A_523 : vector<1x256xf32> to vector<50x256xf32>
    %ge3A_527 = arith.cmpf oge, %ge3A_526, %get3A_1 : vector<50x256xf32>
    %gt3A_528 = arith.constant 33 : i32
    %gt3A_529 = vector.broadcast %gt3A_528 : i32 to vector<50x256xi32>
    %gt3A_530 = arith.cmpi sgt, %iota3A, %gt3A_529 : vector<50x256xi32>
    %and3A_531 = arith.andi %ge3A_527, %gt3A_530 : vector<50x256xi1>
    %or3A_532 = arith.ori %gt3A_525, %and3A_531 : vector<50x256xi1>
    %jit3A_533 = arith.constant 1.000000e+00 : f32
    %jit3A_534 = arith.constant 0.000000e+00 : f32
    %broadcast_in_dim3A_535 = vector.broadcast %jit3A_533 : f32 to vector<50x256xf32>
    %broadcast_in_dim3A_536 = vector.broadcast %jit3A_534 : f32 to vector<50x256xf32>
    %select_n3A_537 = arith.select %or3A_532, %broadcast_in_dim3A_535, %broadcast_in_dim3A_536 : vector<50x256xi1>, vector<50x256xf32>
    %add3A_538 = arith.addf %add3A_522, %select_n3A_537 : vector<50x256xf32>
    %slice3A_539 = vector.extract_strided_slice %get3A_1 {offsets = [34, 0], sizes = [1, 256], strides = [1, 1]} : vector<50x256xf32> to vector<1x256xf32>
    %gt3A_540 = vector.broadcast %slice3A_539 : vector<1x256xf32> to vector<50x256xf32>
    %gt3A_541 = arith.cmpf ogt, %gt3A_540, %get3A_1 : vector<50x256xf32>
    %ge3A_542 = vector.broadcast %slice3A_539 : vector<1x256xf32> to vector<50x256xf32>
    %ge3A_543 = arith.cmpf oge, %ge3A_542, %get3A_1 : vector<50x256xf32>
    %gt3A_544 = arith.constant 34 : i32
    %gt3A_545 = vector.broadcast %gt3A_544 : i32 to vector<50x256xi32>
    %gt3A_546 = arith.cmpi sgt, %iota3A, %gt3A_545 : vector<50x256xi32>
    %and3A_547 = arith.andi %ge3A_543, %gt3A_546 : vector<50x256xi1>
    %or3A_548 = arith.ori %gt3A_541, %and3A_547 : vector<50x256xi1>
    %jit3A_549 = arith.constant 1.000000e+00 : f32
    %jit3A_550 = arith.constant 0.000000e+00 : f32
    %broadcast_in_dim3A_551 = vector.broadcast %jit3A_549 : f32 to vector<50x256xf32>
    %broadcast_in_dim3A_552 = vector.broadcast %jit3A_550 : f32 to vector<50x256xf32>
    %select_n3A_553 = arith.select %or3A_548, %broadcast_in_dim3A_551, %broadcast_in_dim3A_552 : vector<50x256xi1>, vector<50x256xf32>
    %add3A_554 = arith.addf %add3A_538, %select_n3A_553 : vector<50x256xf32>
    %slice3A_555 = vector.extract_strided_slice %get3A_1 {offsets = [35, 0], sizes = [1, 256], strides = [1, 1]} : vector<50x256xf32> to vector<1x256xf32>
    %gt3A_556 = vector.broadcast %slice3A_555 : vector<1x256xf32> to vector<50x256xf32>
    %gt3A_557 = arith.cmpf ogt, %gt3A_556, %get3A_1 : vector<50x256xf32>
    %ge3A_558 = vector.broadcast %slice3A_555 : vector<1x256xf32> to vector<50x256xf32>
    %ge3A_559 = arith.cmpf oge, %ge3A_558, %get3A_1 : vector<50x256xf32>
    %gt3A_560 = arith.constant 35 : i32
    %gt3A_561 = vector.broadcast %gt3A_560 : i32 to vector<50x256xi32>
    %gt3A_562 = arith.cmpi sgt, %iota3A, %gt3A_561 : vector<50x256xi32>
    %and3A_563 = arith.andi %ge3A_559, %gt3A_562 : vector<50x256xi1>
    %or3A_564 = arith.ori %gt3A_557, %and3A_563 : vector<50x256xi1>
    %jit3A_565 = arith.constant 1.000000e+00 : f32
    %jit3A_566 = arith.constant 0.000000e+00 : f32
    %broadcast_in_dim3A_567 = vector.broadcast %jit3A_565 : f32 to vector<50x256xf32>
    %broadcast_in_dim3A_568 = vector.broadcast %jit3A_566 : f32 to vector<50x256xf32>
    %select_n3A_569 = arith.select %or3A_564, %broadcast_in_dim3A_567, %broadcast_in_dim3A_568 : vector<50x256xi1>, vector<50x256xf32>
    %add3A_570 = arith.addf %add3A_554, %select_n3A_569 : vector<50x256xf32>
    %slice3A_571 = vector.extract_strided_slice %get3A_1 {offsets = [36, 0], sizes = [1, 256], strides = [1, 1]} : vector<50x256xf32> to vector<1x256xf32>
    %gt3A_572 = vector.broadcast %slice3A_571 : vector<1x256xf32> to vector<50x256xf32>
    %gt3A_573 = arith.cmpf ogt, %gt3A_572, %get3A_1 : vector<50x256xf32>
    %ge3A_574 = vector.broadcast %slice3A_571 : vector<1x256xf32> to vector<50x256xf32>
    %ge3A_575 = arith.cmpf oge, %ge3A_574, %get3A_1 : vector<50x256xf32>
    %gt3A_576 = arith.constant 36 : i32
    %gt3A_577 = vector.broadcast %gt3A_576 : i32 to vector<50x256xi32>
    %gt3A_578 = arith.cmpi sgt, %iota3A, %gt3A_577 : vector<50x256xi32>
    %and3A_579 = arith.andi %ge3A_575, %gt3A_578 : vector<50x256xi1>
    %or3A_580 = arith.ori %gt3A_573, %and3A_579 : vector<50x256xi1>
    %jit3A_581 = arith.constant 1.000000e+00 : f32
    %jit3A_582 = arith.constant 0.000000e+00 : f32
    %broadcast_in_dim3A_583 = vector.broadcast %jit3A_581 : f32 to vector<50x256xf32>
    %broadcast_in_dim3A_584 = vector.broadcast %jit3A_582 : f32 to vector<50x256xf32>
    %select_n3A_585 = arith.select %or3A_580, %broadcast_in_dim3A_583, %broadcast_in_dim3A_584 : vector<50x256xi1>, vector<50x256xf32>
    %add3A_586 = arith.addf %add3A_570, %select_n3A_585 : vector<50x256xf32>
    %slice3A_587 = vector.extract_strided_slice %get3A_1 {offsets = [37, 0], sizes = [1, 256], strides = [1, 1]} : vector<50x256xf32> to vector<1x256xf32>
    %gt3A_588 = vector.broadcast %slice3A_587 : vector<1x256xf32> to vector<50x256xf32>
    %gt3A_589 = arith.cmpf ogt, %gt3A_588, %get3A_1 : vector<50x256xf32>
    %ge3A_590 = vector.broadcast %slice3A_587 : vector<1x256xf32> to vector<50x256xf32>
    %ge3A_591 = arith.cmpf oge, %ge3A_590, %get3A_1 : vector<50x256xf32>
    %gt3A_592 = arith.constant 37 : i32
    %gt3A_593 = vector.broadcast %gt3A_592 : i32 to vector<50x256xi32>
    %gt3A_594 = arith.cmpi sgt, %iota3A, %gt3A_593 : vector<50x256xi32>
    %and3A_595 = arith.andi %ge3A_591, %gt3A_594 : vector<50x256xi1>
    %or3A_596 = arith.ori %gt3A_589, %and3A_595 : vector<50x256xi1>
    %jit3A_597 = arith.constant 1.000000e+00 : f32
    %jit3A_598 = arith.constant 0.000000e+00 : f32
    %broadcast_in_dim3A_599 = vector.broadcast %jit3A_597 : f32 to vector<50x256xf32>
    %broadcast_in_dim3A_600 = vector.broadcast %jit3A_598 : f32 to vector<50x256xf32>
    %select_n3A_601 = arith.select %or3A_596, %broadcast_in_dim3A_599, %broadcast_in_dim3A_600 : vector<50x256xi1>, vector<50x256xf32>
    %add3A_602 = arith.addf %add3A_586, %select_n3A_601 : vector<50x256xf32>
    %slice3A_603 = vector.extract_strided_slice %get3A_1 {offsets = [38, 0], sizes = [1, 256], strides = [1, 1]} : vector<50x256xf32> to vector<1x256xf32>
    %gt3A_604 = vector.broadcast %slice3A_603 : vector<1x256xf32> to vector<50x256xf32>
    %gt3A_605 = arith.cmpf ogt, %gt3A_604, %get3A_1 : vector<50x256xf32>
    %ge3A_606 = vector.broadcast %slice3A_603 : vector<1x256xf32> to vector<50x256xf32>
    %ge3A_607 = arith.cmpf oge, %ge3A_606, %get3A_1 : vector<50x256xf32>
    %gt3A_608 = arith.constant 38 : i32
    %gt3A_609 = vector.broadcast %gt3A_608 : i32 to vector<50x256xi32>
    %gt3A_610 = arith.cmpi sgt, %iota3A, %gt3A_609 : vector<50x256xi32>
    %and3A_611 = arith.andi %ge3A_607, %gt3A_610 : vector<50x256xi1>
    %or3A_612 = arith.ori %gt3A_605, %and3A_611 : vector<50x256xi1>
    %jit3A_613 = arith.constant 1.000000e+00 : f32
    %jit3A_614 = arith.constant 0.000000e+00 : f32
    %broadcast_in_dim3A_615 = vector.broadcast %jit3A_613 : f32 to vector<50x256xf32>
    %broadcast_in_dim3A_616 = vector.broadcast %jit3A_614 : f32 to vector<50x256xf32>
    %select_n3A_617 = arith.select %or3A_612, %broadcast_in_dim3A_615, %broadcast_in_dim3A_616 : vector<50x256xi1>, vector<50x256xf32>
    %add3A_618 = arith.addf %add3A_602, %select_n3A_617 : vector<50x256xf32>
    %slice3A_619 = vector.extract_strided_slice %get3A_1 {offsets = [39, 0], sizes = [1, 256], strides = [1, 1]} : vector<50x256xf32> to vector<1x256xf32>
    %gt3A_620 = vector.broadcast %slice3A_619 : vector<1x256xf32> to vector<50x256xf32>
    %gt3A_621 = arith.cmpf ogt, %gt3A_620, %get3A_1 : vector<50x256xf32>
    %ge3A_622 = vector.broadcast %slice3A_619 : vector<1x256xf32> to vector<50x256xf32>
    %ge3A_623 = arith.cmpf oge, %ge3A_622, %get3A_1 : vector<50x256xf32>
    %gt3A_624 = arith.constant 39 : i32
    %gt3A_625 = vector.broadcast %gt3A_624 : i32 to vector<50x256xi32>
    %gt3A_626 = arith.cmpi sgt, %iota3A, %gt3A_625 : vector<50x256xi32>
    %and3A_627 = arith.andi %ge3A_623, %gt3A_626 : vector<50x256xi1>
    %or3A_628 = arith.ori %gt3A_621, %and3A_627 : vector<50x256xi1>
    %jit3A_629 = arith.constant 1.000000e+00 : f32
    %jit3A_630 = arith.constant 0.000000e+00 : f32
    %broadcast_in_dim3A_631 = vector.broadcast %jit3A_629 : f32 to vector<50x256xf32>
    %broadcast_in_dim3A_632 = vector.broadcast %jit3A_630 : f32 to vector<50x256xf32>
    %select_n3A_633 = arith.select %or3A_628, %broadcast_in_dim3A_631, %broadcast_in_dim3A_632 : vector<50x256xi1>, vector<50x256xf32>
    %add3A_634 = arith.addf %add3A_618, %select_n3A_633 : vector<50x256xf32>
    %slice3A_635 = vector.extract_strided_slice %get3A_1 {offsets = [40, 0], sizes = [1, 256], strides = [1, 1]} : vector<50x256xf32> to vector<1x256xf32>
    %gt3A_636 = vector.broadcast %slice3A_635 : vector<1x256xf32> to vector<50x256xf32>
    %gt3A_637 = arith.cmpf ogt, %gt3A_636, %get3A_1 : vector<50x256xf32>
    %ge3A_638 = vector.broadcast %slice3A_635 : vector<1x256xf32> to vector<50x256xf32>
    %ge3A_639 = arith.cmpf oge, %ge3A_638, %get3A_1 : vector<50x256xf32>
    %gt3A_640 = arith.constant 40 : i32
    %gt3A_641 = vector.broadcast %gt3A_640 : i32 to vector<50x256xi32>
    %gt3A_642 = arith.cmpi sgt, %iota3A, %gt3A_641 : vector<50x256xi32>
    %and3A_643 = arith.andi %ge3A_639, %gt3A_642 : vector<50x256xi1>
    %or3A_644 = arith.ori %gt3A_637, %and3A_643 : vector<50x256xi1>
    %jit3A_645 = arith.constant 1.000000e+00 : f32
    %jit3A_646 = arith.constant 0.000000e+00 : f32
    %broadcast_in_dim3A_647 = vector.broadcast %jit3A_645 : f32 to vector<50x256xf32>
    %broadcast_in_dim3A_648 = vector.broadcast %jit3A_646 : f32 to vector<50x256xf32>
    %select_n3A_649 = arith.select %or3A_644, %broadcast_in_dim3A_647, %broadcast_in_dim3A_648 : vector<50x256xi1>, vector<50x256xf32>
    %add3A_650 = arith.addf %add3A_634, %select_n3A_649 : vector<50x256xf32>
    %slice3A_651 = vector.extract_strided_slice %get3A_1 {offsets = [41, 0], sizes = [1, 256], strides = [1, 1]} : vector<50x256xf32> to vector<1x256xf32>
    %gt3A_652 = vector.broadcast %slice3A_651 : vector<1x256xf32> to vector<50x256xf32>
    %gt3A_653 = arith.cmpf ogt, %gt3A_652, %get3A_1 : vector<50x256xf32>
    %ge3A_654 = vector.broadcast %slice3A_651 : vector<1x256xf32> to vector<50x256xf32>
    %ge3A_655 = arith.cmpf oge, %ge3A_654, %get3A_1 : vector<50x256xf32>
    %gt3A_656 = arith.constant 41 : i32
    %gt3A_657 = vector.broadcast %gt3A_656 : i32 to vector<50x256xi32>
    %gt3A_658 = arith.cmpi sgt, %iota3A, %gt3A_657 : vector<50x256xi32>
    %and3A_659 = arith.andi %ge3A_655, %gt3A_658 : vector<50x256xi1>
    %or3A_660 = arith.ori %gt3A_653, %and3A_659 : vector<50x256xi1>
    %jit3A_661 = arith.constant 1.000000e+00 : f32
    %jit3A_662 = arith.constant 0.000000e+00 : f32
    %broadcast_in_dim3A_663 = vector.broadcast %jit3A_661 : f32 to vector<50x256xf32>
    %broadcast_in_dim3A_664 = vector.broadcast %jit3A_662 : f32 to vector<50x256xf32>
    %select_n3A_665 = arith.select %or3A_660, %broadcast_in_dim3A_663, %broadcast_in_dim3A_664 : vector<50x256xi1>, vector<50x256xf32>
    %add3A_666 = arith.addf %add3A_650, %select_n3A_665 : vector<50x256xf32>
    %slice3A_667 = vector.extract_strided_slice %get3A_1 {offsets = [42, 0], sizes = [1, 256], strides = [1, 1]} : vector<50x256xf32> to vector<1x256xf32>
    %gt3A_668 = vector.broadcast %slice3A_667 : vector<1x256xf32> to vector<50x256xf32>
    %gt3A_669 = arith.cmpf ogt, %gt3A_668, %get3A_1 : vector<50x256xf32>
    %ge3A_670 = vector.broadcast %slice3A_667 : vector<1x256xf32> to vector<50x256xf32>
    %ge3A_671 = arith.cmpf oge, %ge3A_670, %get3A_1 : vector<50x256xf32>
    %gt3A_672 = arith.constant 42 : i32
    %gt3A_673 = vector.broadcast %gt3A_672 : i32 to vector<50x256xi32>
    %gt3A_674 = arith.cmpi sgt, %iota3A, %gt3A_673 : vector<50x256xi32>
    %and3A_675 = arith.andi %ge3A_671, %gt3A_674 : vector<50x256xi1>
    %or3A_676 = arith.ori %gt3A_669, %and3A_675 : vector<50x256xi1>
    %jit3A_677 = arith.constant 1.000000e+00 : f32
    %jit3A_678 = arith.constant 0.000000e+00 : f32
    %broadcast_in_dim3A_679 = vector.broadcast %jit3A_677 : f32 to vector<50x256xf32>
    %broadcast_in_dim3A_680 = vector.broadcast %jit3A_678 : f32 to vector<50x256xf32>
    %select_n3A_681 = arith.select %or3A_676, %broadcast_in_dim3A_679, %broadcast_in_dim3A_680 : vector<50x256xi1>, vector<50x256xf32>
    %add3A_682 = arith.addf %add3A_666, %select_n3A_681 : vector<50x256xf32>
    %slice3A_683 = vector.extract_strided_slice %get3A_1 {offsets = [43, 0], sizes = [1, 256], strides = [1, 1]} : vector<50x256xf32> to vector<1x256xf32>
    %gt3A_684 = vector.broadcast %slice3A_683 : vector<1x256xf32> to vector<50x256xf32>
    %gt3A_685 = arith.cmpf ogt, %gt3A_684, %get3A_1 : vector<50x256xf32>
    %ge3A_686 = vector.broadcast %slice3A_683 : vector<1x256xf32> to vector<50x256xf32>
    %ge3A_687 = arith.cmpf oge, %ge3A_686, %get3A_1 : vector<50x256xf32>
    %gt3A_688 = arith.constant 43 : i32
    %gt3A_689 = vector.broadcast %gt3A_688 : i32 to vector<50x256xi32>
    %gt3A_690 = arith.cmpi sgt, %iota3A, %gt3A_689 : vector<50x256xi32>
    %and3A_691 = arith.andi %ge3A_687, %gt3A_690 : vector<50x256xi1>
    %or3A_692 = arith.ori %gt3A_685, %and3A_691 : vector<50x256xi1>
    %jit3A_693 = arith.constant 1.000000e+00 : f32
    %jit3A_694 = arith.constant 0.000000e+00 : f32
    %broadcast_in_dim3A_695 = vector.broadcast %jit3A_693 : f32 to vector<50x256xf32>
    %broadcast_in_dim3A_696 = vector.broadcast %jit3A_694 : f32 to vector<50x256xf32>
    %select_n3A_697 = arith.select %or3A_692, %broadcast_in_dim3A_695, %broadcast_in_dim3A_696 : vector<50x256xi1>, vector<50x256xf32>
    %add3A_698 = arith.addf %add3A_682, %select_n3A_697 : vector<50x256xf32>
    %slice3A_699 = vector.extract_strided_slice %get3A_1 {offsets = [44, 0], sizes = [1, 256], strides = [1, 1]} : vector<50x256xf32> to vector<1x256xf32>
    %gt3A_700 = vector.broadcast %slice3A_699 : vector<1x256xf32> to vector<50x256xf32>
    %gt3A_701 = arith.cmpf ogt, %gt3A_700, %get3A_1 : vector<50x256xf32>
    %ge3A_702 = vector.broadcast %slice3A_699 : vector<1x256xf32> to vector<50x256xf32>
    %ge3A_703 = arith.cmpf oge, %ge3A_702, %get3A_1 : vector<50x256xf32>
    %gt3A_704 = arith.constant 44 : i32
    %gt3A_705 = vector.broadcast %gt3A_704 : i32 to vector<50x256xi32>
    %gt3A_706 = arith.cmpi sgt, %iota3A, %gt3A_705 : vector<50x256xi32>
    %and3A_707 = arith.andi %ge3A_703, %gt3A_706 : vector<50x256xi1>
    %or3A_708 = arith.ori %gt3A_701, %and3A_707 : vector<50x256xi1>
    %jit3A_709 = arith.constant 1.000000e+00 : f32
    %jit3A_710 = arith.constant 0.000000e+00 : f32
    %broadcast_in_dim3A_711 = vector.broadcast %jit3A_709 : f32 to vector<50x256xf32>
    %broadcast_in_dim3A_712 = vector.broadcast %jit3A_710 : f32 to vector<50x256xf32>
    %select_n3A_713 = arith.select %or3A_708, %broadcast_in_dim3A_711, %broadcast_in_dim3A_712 : vector<50x256xi1>, vector<50x256xf32>
    %add3A_714 = arith.addf %add3A_698, %select_n3A_713 : vector<50x256xf32>
    %slice3A_715 = vector.extract_strided_slice %get3A_1 {offsets = [45, 0], sizes = [1, 256], strides = [1, 1]} : vector<50x256xf32> to vector<1x256xf32>
    %gt3A_716 = vector.broadcast %slice3A_715 : vector<1x256xf32> to vector<50x256xf32>
    %gt3A_717 = arith.cmpf ogt, %gt3A_716, %get3A_1 : vector<50x256xf32>
    %ge3A_718 = vector.broadcast %slice3A_715 : vector<1x256xf32> to vector<50x256xf32>
    %ge3A_719 = arith.cmpf oge, %ge3A_718, %get3A_1 : vector<50x256xf32>
    %gt3A_720 = arith.constant 45 : i32
    %gt3A_721 = vector.broadcast %gt3A_720 : i32 to vector<50x256xi32>
    %gt3A_722 = arith.cmpi sgt, %iota3A, %gt3A_721 : vector<50x256xi32>
    %and3A_723 = arith.andi %ge3A_719, %gt3A_722 : vector<50x256xi1>
    %or3A_724 = arith.ori %gt3A_717, %and3A_723 : vector<50x256xi1>
    %jit3A_725 = arith.constant 1.000000e+00 : f32
    %jit3A_726 = arith.constant 0.000000e+00 : f32
    %broadcast_in_dim3A_727 = vector.broadcast %jit3A_725 : f32 to vector<50x256xf32>
    %broadcast_in_dim3A_728 = vector.broadcast %jit3A_726 : f32 to vector<50x256xf32>
    %select_n3A_729 = arith.select %or3A_724, %broadcast_in_dim3A_727, %broadcast_in_dim3A_728 : vector<50x256xi1>, vector<50x256xf32>
    %add3A_730 = arith.addf %add3A_714, %select_n3A_729 : vector<50x256xf32>
    %slice3A_731 = vector.extract_strided_slice %get3A_1 {offsets = [46, 0], sizes = [1, 256], strides = [1, 1]} : vector<50x256xf32> to vector<1x256xf32>
    %gt3A_732 = vector.broadcast %slice3A_731 : vector<1x256xf32> to vector<50x256xf32>
    %gt3A_733 = arith.cmpf ogt, %gt3A_732, %get3A_1 : vector<50x256xf32>
    %ge3A_734 = vector.broadcast %slice3A_731 : vector<1x256xf32> to vector<50x256xf32>
    %ge3A_735 = arith.cmpf oge, %ge3A_734, %get3A_1 : vector<50x256xf32>
    %gt3A_736 = arith.constant 46 : i32
    %gt3A_737 = vector.broadcast %gt3A_736 : i32 to vector<50x256xi32>
    %gt3A_738 = arith.cmpi sgt, %iota3A, %gt3A_737 : vector<50x256xi32>
    %and3A_739 = arith.andi %ge3A_735, %gt3A_738 : vector<50x256xi1>
    %or3A_740 = arith.ori %gt3A_733, %and3A_739 : vector<50x256xi1>
    %jit3A_741 = arith.constant 1.000000e+00 : f32
    %jit3A_742 = arith.constant 0.000000e+00 : f32
    %broadcast_in_dim3A_743 = vector.broadcast %jit3A_741 : f32 to vector<50x256xf32>
    %broadcast_in_dim3A_744 = vector.broadcast %jit3A_742 : f32 to vector<50x256xf32>
    %select_n3A_745 = arith.select %or3A_740, %broadcast_in_dim3A_743, %broadcast_in_dim3A_744 : vector<50x256xi1>, vector<50x256xf32>
    %add3A_746 = arith.addf %add3A_730, %select_n3A_745 : vector<50x256xf32>
    %slice3A_747 = vector.extract_strided_slice %get3A_1 {offsets = [47, 0], sizes = [1, 256], strides = [1, 1]} : vector<50x256xf32> to vector<1x256xf32>
    %gt3A_748 = vector.broadcast %slice3A_747 : vector<1x256xf32> to vector<50x256xf32>
    %gt3A_749 = arith.cmpf ogt, %gt3A_748, %get3A_1 : vector<50x256xf32>
    %ge3A_750 = vector.broadcast %slice3A_747 : vector<1x256xf32> to vector<50x256xf32>
    %ge3A_751 = arith.cmpf oge, %ge3A_750, %get3A_1 : vector<50x256xf32>
    %gt3A_752 = arith.constant 47 : i32
    %gt3A_753 = vector.broadcast %gt3A_752 : i32 to vector<50x256xi32>
    %gt3A_754 = arith.cmpi sgt, %iota3A, %gt3A_753 : vector<50x256xi32>
    %and3A_755 = arith.andi %ge3A_751, %gt3A_754 : vector<50x256xi1>
    %or3A_756 = arith.ori %gt3A_749, %and3A_755 : vector<50x256xi1>
    %jit3A_757 = arith.constant 1.000000e+00 : f32
    %jit3A_758 = arith.constant 0.000000e+00 : f32
    %broadcast_in_dim3A_759 = vector.broadcast %jit3A_757 : f32 to vector<50x256xf32>
    %broadcast_in_dim3A_760 = vector.broadcast %jit3A_758 : f32 to vector<50x256xf32>
    %select_n3A_761 = arith.select %or3A_756, %broadcast_in_dim3A_759, %broadcast_in_dim3A_760 : vector<50x256xi1>, vector<50x256xf32>
    %add3A_762 = arith.addf %add3A_746, %select_n3A_761 : vector<50x256xf32>
    %slice3A_763 = vector.extract_strided_slice %get3A_1 {offsets = [48, 0], sizes = [1, 256], strides = [1, 1]} : vector<50x256xf32> to vector<1x256xf32>
    %gt3A_764 = vector.broadcast %slice3A_763 : vector<1x256xf32> to vector<50x256xf32>
    %gt3A_765 = arith.cmpf ogt, %gt3A_764, %get3A_1 : vector<50x256xf32>
    %ge3A_766 = vector.broadcast %slice3A_763 : vector<1x256xf32> to vector<50x256xf32>
    %ge3A_767 = arith.cmpf oge, %ge3A_766, %get3A_1 : vector<50x256xf32>
    %gt3A_768 = arith.constant 48 : i32
    %gt3A_769 = vector.broadcast %gt3A_768 : i32 to vector<50x256xi32>
    %gt3A_770 = arith.cmpi sgt, %iota3A, %gt3A_769 : vector<50x256xi32>
    %and3A_771 = arith.andi %ge3A_767, %gt3A_770 : vector<50x256xi1>
    %or3A_772 = arith.ori %gt3A_765, %and3A_771 : vector<50x256xi1>
    %jit3A_773 = arith.constant 1.000000e+00 : f32
    %jit3A_774 = arith.constant 0.000000e+00 : f32
    %broadcast_in_dim3A_775 = vector.broadcast %jit3A_773 : f32 to vector<50x256xf32>
    %broadcast_in_dim3A_776 = vector.broadcast %jit3A_774 : f32 to vector<50x256xf32>
    %select_n3A_777 = arith.select %or3A_772, %broadcast_in_dim3A_775, %broadcast_in_dim3A_776 : vector<50x256xi1>, vector<50x256xf32>
    %add3A_778 = arith.addf %add3A_762, %select_n3A_777 : vector<50x256xf32>
    %slice3A_779 = vector.extract_strided_slice %get3A_1 {offsets = [49, 0], sizes = [1, 256], strides = [1, 1]} : vector<50x256xf32> to vector<1x256xf32>
    %gt3A_780 = vector.broadcast %slice3A_779 : vector<1x256xf32> to vector<50x256xf32>
    %gt3A_781 = arith.cmpf ogt, %gt3A_780, %get3A_1 : vector<50x256xf32>
    %ge3A_782 = vector.broadcast %slice3A_779 : vector<1x256xf32> to vector<50x256xf32>
    %ge3A_783 = arith.cmpf oge, %ge3A_782, %get3A_1 : vector<50x256xf32>
    %gt3A_784 = arith.constant 49 : i32
    %gt3A_785 = vector.broadcast %gt3A_784 : i32 to vector<50x256xi32>
    %gt3A_786 = arith.cmpi sgt, %iota3A, %gt3A_785 : vector<50x256xi32>
    %and3A_787 = arith.andi %ge3A_783, %gt3A_786 : vector<50x256xi1>
    %or3A_788 = arith.ori %gt3A_781, %and3A_787 : vector<50x256xi1>
    %jit3A_789 = arith.constant 1.000000e+00 : f32
    %jit3A_790 = arith.constant 0.000000e+00 : f32
    %broadcast_in_dim3A_791 = vector.broadcast %jit3A_789 : f32 to vector<50x256xf32>
    %broadcast_in_dim3A_792 = vector.broadcast %jit3A_790 : f32 to vector<50x256xf32>
    %select_n3A_793 = arith.select %or3A_788, %broadcast_in_dim3A_791, %broadcast_in_dim3A_792 : vector<50x256xi1>, vector<50x256xf32>
    %add3A_794 = arith.addf %add3A_778, %select_n3A_793 : vector<50x256xf32>
    %gt3A_795 = arith.constant -9.99999993E+36 : f32
    %gt3A_796 = vector.broadcast %gt3A_795 : f32 to vector<50x256xf32>
    %gt3A_797 = arith.cmpf ogt, %get3A_1, %gt3A_796 : vector<50x256xf32>
    %lt3A = arith.constant 1.600000e+01 : f32
    %lt3A_798 = vector.broadcast %lt3A : f32 to vector<50x256xf32>
    %lt3A_799 = arith.cmpf olt, %add3A_794, %lt3A_798 : vector<50x256xf32>
    %and3A_800 = arith.andi %gt3A_797, %lt3A_799 : vector<50x256xi1>
    %jit3A_801 = arith.constant 1.000000e+00 : f32
    %jit3A_802 = arith.constant 0.000000e+00 : f32
    %broadcast_in_dim3A_803 = vector.broadcast %jit3A_801 : f32 to vector<50x256xf32>
    %broadcast_in_dim3A_804 = vector.broadcast %jit3A_802 : f32 to vector<50x256xf32>
    %select_n3A_805 = arith.select %and3A_800, %broadcast_in_dim3A_803, %broadcast_in_dim3A_804 : vector<50x256xi1>, vector<50x256xf32>
    %iota3A_806 = tpu.iota {dimensions = array<i32: 0>} : vector<50x50xi32>
    %iota3A_807 = tpu.iota {dimensions = array<i32: 1>} : vector<50x50xi32>
    %gt3A_808 = arith.cmpi sgt, %iota3A_806, %iota3A_807 : vector<50x50xi32>
    %jit3A_809 = arith.constant 1.000000e+00 : f32
    %jit3A_810 = arith.constant 0.000000e+00 : f32
    %broadcast_in_dim3A_811 = vector.broadcast %jit3A_809 : f32 to vector<50x50xf32>
    %broadcast_in_dim3A_812 = vector.broadcast %jit3A_810 : f32 to vector<50x50xf32>
    %select_n3A_813 = arith.select %gt3A_808, %broadcast_in_dim3A_811, %broadcast_in_dim3A_812 : vector<50x50xi1>, vector<50x50xf32>
    %dot_general3A = arith.constant dense<0.000000e+00> : vector<50x256xf32>
    %dot_general3A_814 = tpu.matmul %select_n3A_813, %select_n3A_805, %dot_general3A {dimension_numbers = #tpu.dot_dimension_numbers<[1], [0], [0], [1], [0, 0, 1, 1], [], []>, transpose_lhs_hint = false} : vector<50x50xf32>, vector<50x256xf32>, vector<50x256xf32> -> vector<50x256xf32>
    %slice3A_815 = vector.extract_strided_slice %dot_general3A_814 {offsets = [49, 0], sizes = [1, 256], strides = [1, 1]} : vector<50x256xf32> to vector<1x256xf32>
    %slice3A_816 = vector.extract_strided_slice %select_n3A_805 {offsets = [49, 0], sizes = [1, 256], strides = [1, 1]} : vector<50x256xf32> to vector<1x256xf32>
    %add3A_817 = arith.addf %slice3A_815, %slice3A_816 : vector<1x256xf32>
    %swap3A = arith.constant 0 : index
    %swap3A_818 = arith.constant 0 : index
    %swap3A_819 = vector.load %arg4[%swap3A, %swap3A_818] : memref<1x256xf32, #tpu.memory_space<vmem>>, vector<1x256xf32>
    tpu.vector_store %arg4[%swap3A, %swap3A_818], %add3A_817 {strides = array<i32>} : memref<1x256xf32, #tpu.memory_space<vmem>>, vector<1x256xf32>,
    %get3A_820 = arith.constant 0 : index
    %get3A_821 = arith.constant 0 : index
    %get3A_822 = vector.load %arg2[%get3A_820, %get3A_821] : memref<50x256xf32, #tpu.memory_space<vmem>>, vector<50x256xf32>
    %eq3A = arith.constant 0.000000e+00 : f32
    %eq3A_823 = vector.broadcast %eq3A : f32 to vector<50x256xf32>
    %eq3A_824 = arith.cmpf oeq, %dot_general3A_814, %eq3A_823 : vector<50x256xf32>
    %jit3A_825 = arith.constant 1.000000e+00 : f32
    %jit3A_826 = arith.constant 0.000000e+00 : f32
    %broadcast_in_dim3A_827 = vector.broadcast %jit3A_825 : f32 to vector<50x256xf32>
    %broadcast_in_dim3A_828 = vector.broadcast %jit3A_826 : f32 to vector<50x256xf32>
    %select_n3A_829 = arith.select %eq3A_824, %broadcast_in_dim3A_827, %broadcast_in_dim3A_828 : vector<50x256xi1>, vector<50x256xf32>
    %mul3A = arith.mulf %select_n3A_805, %select_n3A_829 : vector<50x256xf32>
    %mul3A_830 = arith.mulf %get3A_822, %mul3A : vector<50x256xf32>
    %reduce_sum3A = arith.constant dense<0.000000e+00> : vector<256xf32>
    %reduce_sum3A_831 = vector.multi_reduction <add>, %mul3A_830, %reduce_sum3A [0] : vector<50x256xf32> to vector<256xf32>
    %broadcast_in_dim3A_832 = vector.shape_cast %reduce_sum3A_831 : vector<256xf32> to vector<1x256xf32>
    %convert_element_type3A = arith.fptosi %broadcast_in_dim3A_832 : vector<1x256xf32> to vector<1x256xi32>
    %swap3A_833 = arith.constant 0 : index
    %swap3A_834 = arith.constant 0 : index
    %swap3A_835 = vector.load %arg3[%swap3A_833, %swap3A_834] : memref<16x256xi32, #tpu.memory_space<vmem>>, vector<1x256xi32>
    tpu.vector_store %arg3[%swap3A_833, %swap3A_834], %convert_element_type3A {strides = array<i32>} : memref<16x256xi32, #tpu.memory_space<vmem>>, vector<1x256xi32>,
    %eq3A_836 = arith.constant 1.000000e+00 : f32
    %eq3A_837 = vector.broadcast %eq3A_836 : f32 to vector<50x256xf32>
    %eq3A_838 = arith.cmpf oeq, %dot_general3A_814, %eq3A_837 : vector<50x256xf32>
    %jit3A_839 = arith.constant 1.000000e+00 : f32
    %jit3A_840 = arith.constant 0.000000e+00 : f32
    %broadcast_in_dim3A_841 = vector.broadcast %jit3A_839 : f32 to vector<50x256xf32>
    %broadcast_in_dim3A_842 = vector.broadcast %jit3A_840 : f32 to vector<50x256xf32>
    %select_n3A_843 = arith.select %eq3A_838, %broadcast_in_dim3A_841, %broadcast_in_dim3A_842 : vector<50x256xi1>, vector<50x256xf32>
    %mul3A_844 = arith.mulf %select_n3A_805, %select_n3A_843 : vector<50x256xf32>
    %mul3A_845 = arith.mulf %get3A_822, %mul3A_844 : vector<50x256xf32>
    %reduce_sum3A_846 = arith.constant dense<0.000000e+00> : vector<256xf32>
    %reduce_sum3A_847 = vector.multi_reduction <add>, %mul3A_845, %reduce_sum3A_846 [0] : vector<50x256xf32> to vector<256xf32>
    %broadcast_in_dim3A_848 = vector.shape_cast %reduce_sum3A_847 : vector<256xf32> to vector<1x256xf32>
    %convert_element_type3A_849 = arith.fptosi %broadcast_in_dim3A_848 : vector<1x256xf32> to vector<1x256xi32>
    %swap3A_850 = arith.constant 1 : index
    %swap3A_851 = arith.constant 0 : index
    %swap3A_852 = vector.load %arg3[%swap3A_850, %swap3A_851] : memref<16x256xi32, #tpu.memory_space<vmem>>, vector<1x256xi32>
    tpu.vector_store %arg3[%swap3A_850, %swap3A_851], %convert_element_type3A_849 {strides = array<i32>} : memref<16x256xi32, #tpu.memory_space<vmem>>, vector<1x256xi32>,
    %eq3A_853 = arith.constant 2.000000e+00 : f32
    %eq3A_854 = vector.broadcast %eq3A_853 : f32 to vector<50x256xf32>
    %eq3A_855 = arith.cmpf oeq, %dot_general3A_814, %eq3A_854 : vector<50x256xf32>
    %jit3A_856 = arith.constant 1.000000e+00 : f32
    %jit3A_857 = arith.constant 0.000000e+00 : f32
    %broadcast_in_dim3A_858 = vector.broadcast %jit3A_856 : f32 to vector<50x256xf32>
    %broadcast_in_dim3A_859 = vector.broadcast %jit3A_857 : f32 to vector<50x256xf32>
    %select_n3A_860 = arith.select %eq3A_855, %broadcast_in_dim3A_858, %broadcast_in_dim3A_859 : vector<50x256xi1>, vector<50x256xf32>
    %mul3A_861 = arith.mulf %select_n3A_805, %select_n3A_860 : vector<50x256xf32>
    %mul3A_862 = arith.mulf %get3A_822, %mul3A_861 : vector<50x256xf32>
    %reduce_sum3A_863 = arith.constant dense<0.000000e+00> : vector<256xf32>
    %reduce_sum3A_864 = vector.multi_reduction <add>, %mul3A_862, %reduce_sum3A_863 [0] : vector<50x256xf32> to vector<256xf32>
    %broadcast_in_dim3A_865 = vector.shape_cast %reduce_sum3A_864 : vector<256xf32> to vector<1x256xf32>
    %convert_element_type3A_866 = arith.fptosi %broadcast_in_dim3A_865 : vector<1x256xf32> to vector<1x256xi32>
    %swap3A_867 = arith.constant 2 : index
    %swap3A_868 = arith.constant 0 : index
    %swap3A_869 = vector.load %arg3[%swap3A_867, %swap3A_868] : memref<16x256xi32, #tpu.memory_space<vmem>>, vector<1x256xi32>
    tpu.vector_store %arg3[%swap3A_867, %swap3A_868], %convert_element_type3A_866 {strides = array<i32>} : memref<16x256xi32, #tpu.memory_space<vmem>>, vector<1x256xi32>,
    %eq3A_870 = arith.constant 3.000000e+00 : f32
    %eq3A_871 = vector.broadcast %eq3A_870 : f32 to vector<50x256xf32>
    %eq3A_872 = arith.cmpf oeq, %dot_general3A_814, %eq3A_871 : vector<50x256xf32>
    %jit3A_873 = arith.constant 1.000000e+00 : f32
    %jit3A_874 = arith.constant 0.000000e+00 : f32
    %broadcast_in_dim3A_875 = vector.broadcast %jit3A_873 : f32 to vector<50x256xf32>
    %broadcast_in_dim3A_876 = vector.broadcast %jit3A_874 : f32 to vector<50x256xf32>
    %select_n3A_877 = arith.select %eq3A_872, %broadcast_in_dim3A_875, %broadcast_in_dim3A_876 : vector<50x256xi1>, vector<50x256xf32>
    %mul3A_878 = arith.mulf %select_n3A_805, %select_n3A_877 : vector<50x256xf32>
    %mul3A_879 = arith.mulf %get3A_822, %mul3A_878 : vector<50x256xf32>
    %reduce_sum3A_880 = arith.constant dense<0.000000e+00> : vector<256xf32>
    %reduce_sum3A_881 = vector.multi_reduction <add>, %mul3A_879, %reduce_sum3A_880 [0] : vector<50x256xf32> to vector<256xf32>
    %broadcast_in_dim3A_882 = vector.shape_cast %reduce_sum3A_881 : vector<256xf32> to vector<1x256xf32>
    %convert_element_type3A_883 = arith.fptosi %broadcast_in_dim3A_882 : vector<1x256xf32> to vector<1x256xi32>
    %swap3A_884 = arith.constant 3 : index
    %swap3A_885 = arith.constant 0 : index
    %swap3A_886 = vector.load %arg3[%swap3A_884, %swap3A_885] : memref<16x256xi32, #tpu.memory_space<vmem>>, vector<1x256xi32>
    tpu.vector_store %arg3[%swap3A_884, %swap3A_885], %convert_element_type3A_883 {strides = array<i32>} : memref<16x256xi32, #tpu.memory_space<vmem>>, vector<1x256xi32>,
    %eq3A_887 = arith.constant 4.000000e+00 : f32
    %eq3A_888 = vector.broadcast %eq3A_887 : f32 to vector<50x256xf32>
    %eq3A_889 = arith.cmpf oeq, %dot_general3A_814, %eq3A_888 : vector<50x256xf32>
    %jit3A_890 = arith.constant 1.000000e+00 : f32
    %jit3A_891 = arith.constant 0.000000e+00 : f32
    %broadcast_in_dim3A_892 = vector.broadcast %jit3A_890 : f32 to vector<50x256xf32>
    %broadcast_in_dim3A_893 = vector.broadcast %jit3A_891 : f32 to vector<50x256xf32>
    %select_n3A_894 = arith.select %eq3A_889, %broadcast_in_dim3A_892, %broadcast_in_dim3A_893 : vector<50x256xi1>, vector<50x256xf32>
    %mul3A_895 = arith.mulf %select_n3A_805, %select_n3A_894 : vector<50x256xf32>
    %mul3A_896 = arith.mulf %get3A_822, %mul3A_895 : vector<50x256xf32>
    %reduce_sum3A_897 = arith.constant dense<0.000000e+00> : vector<256xf32>
    %reduce_sum3A_898 = vector.multi_reduction <add>, %mul3A_896, %reduce_sum3A_897 [0] : vector<50x256xf32> to vector<256xf32>
    %broadcast_in_dim3A_899 = vector.shape_cast %reduce_sum3A_898 : vector<256xf32> to vector<1x256xf32>
    %convert_element_type3A_900 = arith.fptosi %broadcast_in_dim3A_899 : vector<1x256xf32> to vector<1x256xi32>
    %swap3A_901 = arith.constant 4 : index
    %swap3A_902 = arith.constant 0 : index
    %swap3A_903 = vector.load %arg3[%swap3A_901, %swap3A_902] : memref<16x256xi32, #tpu.memory_space<vmem>>, vector<1x256xi32>
    tpu.vector_store %arg3[%swap3A_901, %swap3A_902], %convert_element_type3A_900 {strides = array<i32>} : memref<16x256xi32, #tpu.memory_space<vmem>>, vector<1x256xi32>,
    %eq3A_904 = arith.constant 5.000000e+00 : f32
    %eq3A_905 = vector.broadcast %eq3A_904 : f32 to vector<50x256xf32>
    %eq3A_906 = arith.cmpf oeq, %dot_general3A_814, %eq3A_905 : vector<50x256xf32>
    %jit3A_907 = arith.constant 1.000000e+00 : f32
    %jit3A_908 = arith.constant 0.000000e+00 : f32
    %broadcast_in_dim3A_909 = vector.broadcast %jit3A_907 : f32 to vector<50x256xf32>
    %broadcast_in_dim3A_910 = vector.broadcast %jit3A_908 : f32 to vector<50x256xf32>
    %select_n3A_911 = arith.select %eq3A_906, %broadcast_in_dim3A_909, %broadcast_in_dim3A_910 : vector<50x256xi1>, vector<50x256xf32>
    %mul3A_912 = arith.mulf %select_n3A_805, %select_n3A_911 : vector<50x256xf32>
    %mul3A_913 = arith.mulf %get3A_822, %mul3A_912 : vector<50x256xf32>
    %reduce_sum3A_914 = arith.constant dense<0.000000e+00> : vector<256xf32>
    %reduce_sum3A_915 = vector.multi_reduction <add>, %mul3A_913, %reduce_sum3A_914 [0] : vector<50x256xf32> to vector<256xf32>
    %broadcast_in_dim3A_916 = vector.shape_cast %reduce_sum3A_915 : vector<256xf32> to vector<1x256xf32>
    %convert_element_type3A_917 = arith.fptosi %broadcast_in_dim3A_916 : vector<1x256xf32> to vector<1x256xi32>
    %swap3A_918 = arith.constant 5 : index
    %swap3A_919 = arith.constant 0 : index
    %swap3A_920 = vector.load %arg3[%swap3A_918, %swap3A_919] : memref<16x256xi32, #tpu.memory_space<vmem>>, vector<1x256xi32>
    tpu.vector_store %arg3[%swap3A_918, %swap3A_919], %convert_element_type3A_917 {strides = array<i32>} : memref<16x256xi32, #tpu.memory_space<vmem>>, vector<1x256xi32>,
    %eq3A_921 = arith.constant 6.000000e+00 : f32
    %eq3A_922 = vector.broadcast %eq3A_921 : f32 to vector<50x256xf32>
    %eq3A_923 = arith.cmpf oeq, %dot_general3A_814, %eq3A_922 : vector<50x256xf32>
    %jit3A_924 = arith.constant 1.000000e+00 : f32
    %jit3A_925 = arith.constant 0.000000e+00 : f32
    %broadcast_in_dim3A_926 = vector.broadcast %jit3A_924 : f32 to vector<50x256xf32>
    %broadcast_in_dim3A_927 = vector.broadcast %jit3A_925 : f32 to vector<50x256xf32>
    %select_n3A_928 = arith.select %eq3A_923, %broadcast_in_dim3A_926, %broadcast_in_dim3A_927 : vector<50x256xi1>, vector<50x256xf32>
    %mul3A_929 = arith.mulf %select_n3A_805, %select_n3A_928 : vector<50x256xf32>
    %mul3A_930 = arith.mulf %get3A_822, %mul3A_929 : vector<50x256xf32>
    %reduce_sum3A_931 = arith.constant dense<0.000000e+00> : vector<256xf32>
    %reduce_sum3A_932 = vector.multi_reduction <add>, %mul3A_930, %reduce_sum3A_931 [0] : vector<50x256xf32> to vector<256xf32>
    %broadcast_in_dim3A_933 = vector.shape_cast %reduce_sum3A_932 : vector<256xf32> to vector<1x256xf32>
    %convert_element_type3A_934 = arith.fptosi %broadcast_in_dim3A_933 : vector<1x256xf32> to vector<1x256xi32>
    %swap3A_935 = arith.constant 6 : index
    %swap3A_936 = arith.constant 0 : index
    %swap3A_937 = vector.load %arg3[%swap3A_935, %swap3A_936] : memref<16x256xi32, #tpu.memory_space<vmem>>, vector<1x256xi32>
    tpu.vector_store %arg3[%swap3A_935, %swap3A_936], %convert_element_type3A_934 {strides = array<i32>} : memref<16x256xi32, #tpu.memory_space<vmem>>, vector<1x256xi32>,
    %eq3A_938 = arith.constant 7.000000e+00 : f32
    %eq3A_939 = vector.broadcast %eq3A_938 : f32 to vector<50x256xf32>
    %eq3A_940 = arith.cmpf oeq, %dot_general3A_814, %eq3A_939 : vector<50x256xf32>
    %jit3A_941 = arith.constant 1.000000e+00 : f32
    %jit3A_942 = arith.constant 0.000000e+00 : f32
    %broadcast_in_dim3A_943 = vector.broadcast %jit3A_941 : f32 to vector<50x256xf32>
    %broadcast_in_dim3A_944 = vector.broadcast %jit3A_942 : f32 to vector<50x256xf32>
    %select_n3A_945 = arith.select %eq3A_940, %broadcast_in_dim3A_943, %broadcast_in_dim3A_944 : vector<50x256xi1>, vector<50x256xf32>
    %mul3A_946 = arith.mulf %select_n3A_805, %select_n3A_945 : vector<50x256xf32>
    %mul3A_947 = arith.mulf %get3A_822, %mul3A_946 : vector<50x256xf32>
    %reduce_sum3A_948 = arith.constant dense<0.000000e+00> : vector<256xf32>
    %reduce_sum3A_949 = vector.multi_reduction <add>, %mul3A_947, %reduce_sum3A_948 [0] : vector<50x256xf32> to vector<256xf32>
    %broadcast_in_dim3A_950 = vector.shape_cast %reduce_sum3A_949 : vector<256xf32> to vector<1x256xf32>
    %convert_element_type3A_951 = arith.fptosi %broadcast_in_dim3A_950 : vector<1x256xf32> to vector<1x256xi32>
    %swap3A_952 = arith.constant 7 : index
    %swap3A_953 = arith.constant 0 : index
    %swap3A_954 = vector.load %arg3[%swap3A_952, %swap3A_953] : memref<16x256xi32, #tpu.memory_space<vmem>>, vector<1x256xi32>
    tpu.vector_store %arg3[%swap3A_952, %swap3A_953], %convert_element_type3A_951 {strides = array<i32>} : memref<16x256xi32, #tpu.memory_space<vmem>>, vector<1x256xi32>,
    %eq3A_955 = arith.constant 8.000000e+00 : f32
    %eq3A_956 = vector.broadcast %eq3A_955 : f32 to vector<50x256xf32>
    %eq3A_957 = arith.cmpf oeq, %dot_general3A_814, %eq3A_956 : vector<50x256xf32>
    %jit3A_958 = arith.constant 1.000000e+00 : f32
    %jit3A_959 = arith.constant 0.000000e+00 : f32
    %broadcast_in_dim3A_960 = vector.broadcast %jit3A_958 : f32 to vector<50x256xf32>
    %broadcast_in_dim3A_961 = vector.broadcast %jit3A_959 : f32 to vector<50x256xf32>
    %select_n3A_962 = arith.select %eq3A_957, %broadcast_in_dim3A_960, %broadcast_in_dim3A_961 : vector<50x256xi1>, vector<50x256xf32>
    %mul3A_963 = arith.mulf %select_n3A_805, %select_n3A_962 : vector<50x256xf32>
    %mul3A_964 = arith.mulf %get3A_822, %mul3A_963 : vector<50x256xf32>
    %reduce_sum3A_965 = arith.constant dense<0.000000e+00> : vector<256xf32>
    %reduce_sum3A_966 = vector.multi_reduction <add>, %mul3A_964, %reduce_sum3A_965 [0] : vector<50x256xf32> to vector<256xf32>
    %broadcast_in_dim3A_967 = vector.shape_cast %reduce_sum3A_966 : vector<256xf32> to vector<1x256xf32>
    %convert_element_type3A_968 = arith.fptosi %broadcast_in_dim3A_967 : vector<1x256xf32> to vector<1x256xi32>
    %swap3A_969 = arith.constant 8 : index
    %swap3A_970 = arith.constant 0 : index
    %swap3A_971 = vector.load %arg3[%swap3A_969, %swap3A_970] : memref<16x256xi32, #tpu.memory_space<vmem>>, vector<1x256xi32>
    tpu.vector_store %arg3[%swap3A_969, %swap3A_970], %convert_element_type3A_968 {strides = array<i32>} : memref<16x256xi32, #tpu.memory_space<vmem>>, vector<1x256xi32>,
    %eq3A_972 = arith.constant 9.000000e+00 : f32
    %eq3A_973 = vector.broadcast %eq3A_972 : f32 to vector<50x256xf32>
    %eq3A_974 = arith.cmpf oeq, %dot_general3A_814, %eq3A_973 : vector<50x256xf32>
    %jit3A_975 = arith.constant 1.000000e+00 : f32
    %jit3A_976 = arith.constant 0.000000e+00 : f32
    %broadcast_in_dim3A_977 = vector.broadcast %jit3A_975 : f32 to vector<50x256xf32>
    %broadcast_in_dim3A_978 = vector.broadcast %jit3A_976 : f32 to vector<50x256xf32>
    %select_n3A_979 = arith.select %eq3A_974, %broadcast_in_dim3A_977, %broadcast_in_dim3A_978 : vector<50x256xi1>, vector<50x256xf32>
    %mul3A_980 = arith.mulf %select_n3A_805, %select_n3A_979 : vector<50x256xf32>
    %mul3A_981 = arith.mulf %get3A_822, %mul3A_980 : vector<50x256xf32>
    %reduce_sum3A_982 = arith.constant dense<0.000000e+00> : vector<256xf32>
    %reduce_sum3A_983 = vector.multi_reduction <add>, %mul3A_981, %reduce_sum3A_982 [0] : vector<50x256xf32> to vector<256xf32>
    %broadcast_in_dim3A_984 = vector.shape_cast %reduce_sum3A_983 : vector<256xf32> to vector<1x256xf32>
    %convert_element_type3A_985 = arith.fptosi %broadcast_in_dim3A_984 : vector<1x256xf32> to vector<1x256xi32>
    %swap3A_986 = arith.constant 9 : index
    %swap3A_987 = arith.constant 0 : index
    %swap3A_988 = vector.load %arg3[%swap3A_986, %swap3A_987] : memref<16x256xi32, #tpu.memory_space<vmem>>, vector<1x256xi32>
    tpu.vector_store %arg3[%swap3A_986, %swap3A_987], %convert_element_type3A_985 {strides = array<i32>} : memref<16x256xi32, #tpu.memory_space<vmem>>, vector<1x256xi32>,
    %eq3A_989 = arith.constant 1.000000e+01 : f32
    %eq3A_990 = vector.broadcast %eq3A_989 : f32 to vector<50x256xf32>
    %eq3A_991 = arith.cmpf oeq, %dot_general3A_814, %eq3A_990 : vector<50x256xf32>
    %jit3A_992 = arith.constant 1.000000e+00 : f32
    %jit3A_993 = arith.constant 0.000000e+00 : f32
    %broadcast_in_dim3A_994 = vector.broadcast %jit3A_992 : f32 to vector<50x256xf32>
    %broadcast_in_dim3A_995 = vector.broadcast %jit3A_993 : f32 to vector<50x256xf32>
    %select_n3A_996 = arith.select %eq3A_991, %broadcast_in_dim3A_994, %broadcast_in_dim3A_995 : vector<50x256xi1>, vector<50x256xf32>
    %mul3A_997 = arith.mulf %select_n3A_805, %select_n3A_996 : vector<50x256xf32>
    %mul3A_998 = arith.mulf %get3A_822, %mul3A_997 : vector<50x256xf32>
    %reduce_sum3A_999 = arith.constant dense<0.000000e+00> : vector<256xf32>
    %reduce_sum3A_1000 = vector.multi_reduction <add>, %mul3A_998, %reduce_sum3A_999 [0] : vector<50x256xf32> to vector<256xf32>
    %broadcast_in_dim3A_1001 = vector.shape_cast %reduce_sum3A_1000 : vector<256xf32> to vector<1x256xf32>
    %convert_element_type3A_1002 = arith.fptosi %broadcast_in_dim3A_1001 : vector<1x256xf32> to vector<1x256xi32>
    %swap3A_1003 = arith.constant 10 : index
    %swap3A_1004 = arith.constant 0 : index
    %swap3A_1005 = vector.load %arg3[%swap3A_1003, %swap3A_1004] : memref<16x256xi32, #tpu.memory_space<vmem>>, vector<1x256xi32>
    tpu.vector_store %arg3[%swap3A_1003, %swap3A_1004], %convert_element_type3A_1002 {strides = array<i32>} : memref<16x256xi32, #tpu.memory_space<vmem>>, vector<1x256xi32>,
    %eq3A_1006 = arith.constant 1.100000e+01 : f32
    %eq3A_1007 = vector.broadcast %eq3A_1006 : f32 to vector<50x256xf32>
    %eq3A_1008 = arith.cmpf oeq, %dot_general3A_814, %eq3A_1007 : vector<50x256xf32>
    %jit3A_1009 = arith.constant 1.000000e+00 : f32
    %jit3A_1010 = arith.constant 0.000000e+00 : f32
    %broadcast_in_dim3A_1011 = vector.broadcast %jit3A_1009 : f32 to vector<50x256xf32>
    %broadcast_in_dim3A_1012 = vector.broadcast %jit3A_1010 : f32 to vector<50x256xf32>
    %select_n3A_1013 = arith.select %eq3A_1008, %broadcast_in_dim3A_1011, %broadcast_in_dim3A_1012 : vector<50x256xi1>, vector<50x256xf32>
    %mul3A_1014 = arith.mulf %select_n3A_805, %select_n3A_1013 : vector<50x256xf32>
    %mul3A_1015 = arith.mulf %get3A_822, %mul3A_1014 : vector<50x256xf32>
    %reduce_sum3A_1016 = arith.constant dense<0.000000e+00> : vector<256xf32>
    %reduce_sum3A_1017 = vector.multi_reduction <add>, %mul3A_1015, %reduce_sum3A_1016 [0] : vector<50x256xf32> to vector<256xf32>
    %broadcast_in_dim3A_1018 = vector.shape_cast %reduce_sum3A_1017 : vector<256xf32> to vector<1x256xf32>
    %convert_element_type3A_1019 = arith.fptosi %broadcast_in_dim3A_1018 : vector<1x256xf32> to vector<1x256xi32>
    %swap3A_1020 = arith.constant 11 : index
    %swap3A_1021 = arith.constant 0 : index
    %swap3A_1022 = vector.load %arg3[%swap3A_1020, %swap3A_1021] : memref<16x256xi32, #tpu.memory_space<vmem>>, vector<1x256xi32>
    tpu.vector_store %arg3[%swap3A_1020, %swap3A_1021], %convert_element_type3A_1019 {strides = array<i32>} : memref<16x256xi32, #tpu.memory_space<vmem>>, vector<1x256xi32>,
    %eq3A_1023 = arith.constant 1.200000e+01 : f32
    %eq3A_1024 = vector.broadcast %eq3A_1023 : f32 to vector<50x256xf32>
    %eq3A_1025 = arith.cmpf oeq, %dot_general3A_814, %eq3A_1024 : vector<50x256xf32>
    %jit3A_1026 = arith.constant 1.000000e+00 : f32
    %jit3A_1027 = arith.constant 0.000000e+00 : f32
    %broadcast_in_dim3A_1028 = vector.broadcast %jit3A_1026 : f32 to vector<50x256xf32>
    %broadcast_in_dim3A_1029 = vector.broadcast %jit3A_1027 : f32 to vector<50x256xf32>
    %select_n3A_1030 = arith.select %eq3A_1025, %broadcast_in_dim3A_1028, %broadcast_in_dim3A_1029 : vector<50x256xi1>, vector<50x256xf32>
    %mul3A_1031 = arith.mulf %select_n3A_805, %select_n3A_1030 : vector<50x256xf32>
    %mul3A_1032 = arith.mulf %get3A_822, %mul3A_1031 : vector<50x256xf32>
    %reduce_sum3A_1033 = arith.constant dense<0.000000e+00> : vector<256xf32>
    %reduce_sum3A_1034 = vector.multi_reduction <add>, %mul3A_1032, %reduce_sum3A_1033 [0] : vector<50x256xf32> to vector<256xf32>
    %broadcast_in_dim3A_1035 = vector.shape_cast %reduce_sum3A_1034 : vector<256xf32> to vector<1x256xf32>
    %convert_element_type3A_1036 = arith.fptosi %broadcast_in_dim3A_1035 : vector<1x256xf32> to vector<1x256xi32>
    %swap3A_1037 = arith.constant 12 : index
    %swap3A_1038 = arith.constant 0 : index
    %swap3A_1039 = vector.load %arg3[%swap3A_1037, %swap3A_1038] : memref<16x256xi32, #tpu.memory_space<vmem>>, vector<1x256xi32>
    tpu.vector_store %arg3[%swap3A_1037, %swap3A_1038], %convert_element_type3A_1036 {strides = array<i32>} : memref<16x256xi32, #tpu.memory_space<vmem>>, vector<1x256xi32>,
    %eq3A_1040 = arith.constant 1.300000e+01 : f32
    %eq3A_1041 = vector.broadcast %eq3A_1040 : f32 to vector<50x256xf32>
    %eq3A_1042 = arith.cmpf oeq, %dot_general3A_814, %eq3A_1041 : vector<50x256xf32>
    %jit3A_1043 = arith.constant 1.000000e+00 : f32
    %jit3A_1044 = arith.constant 0.000000e+00 : f32
    %broadcast_in_dim3A_1045 = vector.broadcast %jit3A_1043 : f32 to vector<50x256xf32>
    %broadcast_in_dim3A_1046 = vector.broadcast %jit3A_1044 : f32 to vector<50x256xf32>
    %select_n3A_1047 = arith.select %eq3A_1042, %broadcast_in_dim3A_1045, %broadcast_in_dim3A_1046 : vector<50x256xi1>, vector<50x256xf32>
    %mul3A_1048 = arith.mulf %select_n3A_805, %select_n3A_1047 : vector<50x256xf32>
    %mul3A_1049 = arith.mulf %get3A_822, %mul3A_1048 : vector<50x256xf32>
    %reduce_sum3A_1050 = arith.constant dense<0.000000e+00> : vector<256xf32>
    %reduce_sum3A_1051 = vector.multi_reduction <add>, %mul3A_1049, %reduce_sum3A_1050 [0] : vector<50x256xf32> to vector<256xf32>
    %broadcast_in_dim3A_1052 = vector.shape_cast %reduce_sum3A_1051 : vector<256xf32> to vector<1x256xf32>
    %convert_element_type3A_1053 = arith.fptosi %broadcast_in_dim3A_1052 : vector<1x256xf32> to vector<1x256xi32>
    %swap3A_1054 = arith.constant 13 : index
    %swap3A_1055 = arith.constant 0 : index
    %swap3A_1056 = vector.load %arg3[%swap3A_1054, %swap3A_1055] : memref<16x256xi32, #tpu.memory_space<vmem>>, vector<1x256xi32>
    tpu.vector_store %arg3[%swap3A_1054, %swap3A_1055], %convert_element_type3A_1053 {strides = array<i32>} : memref<16x256xi32, #tpu.memory_space<vmem>>, vector<1x256xi32>,
    %eq3A_1057 = arith.constant 1.400000e+01 : f32
    %eq3A_1058 = vector.broadcast %eq3A_1057 : f32 to vector<50x256xf32>
    %eq3A_1059 = arith.cmpf oeq, %dot_general3A_814, %eq3A_1058 : vector<50x256xf32>
    %jit3A_1060 = arith.constant 1.000000e+00 : f32
    %jit3A_1061 = arith.constant 0.000000e+00 : f32
    %broadcast_in_dim3A_1062 = vector.broadcast %jit3A_1060 : f32 to vector<50x256xf32>
    %broadcast_in_dim3A_1063 = vector.broadcast %jit3A_1061 : f32 to vector<50x256xf32>
    %select_n3A_1064 = arith.select %eq3A_1059, %broadcast_in_dim3A_1062, %broadcast_in_dim3A_1063 : vector<50x256xi1>, vector<50x256xf32>
    %mul3A_1065 = arith.mulf %select_n3A_805, %select_n3A_1064 : vector<50x256xf32>
    %mul3A_1066 = arith.mulf %get3A_822, %mul3A_1065 : vector<50x256xf32>
    %reduce_sum3A_1067 = arith.constant dense<0.000000e+00> : vector<256xf32>
    %reduce_sum3A_1068 = vector.multi_reduction <add>, %mul3A_1066, %reduce_sum3A_1067 [0] : vector<50x256xf32> to vector<256xf32>
    %broadcast_in_dim3A_1069 = vector.shape_cast %reduce_sum3A_1068 : vector<256xf32> to vector<1x256xf32>
    %convert_element_type3A_1070 = arith.fptosi %broadcast_in_dim3A_1069 : vector<1x256xf32> to vector<1x256xi32>
    %swap3A_1071 = arith.constant 14 : index
    %swap3A_1072 = arith.constant 0 : index
    %swap3A_1073 = vector.load %arg3[%swap3A_1071, %swap3A_1072] : memref<16x256xi32, #tpu.memory_space<vmem>>, vector<1x256xi32>
    tpu.vector_store %arg3[%swap3A_1071, %swap3A_1072], %convert_element_type3A_1070 {strides = array<i32>} : memref<16x256xi32, #tpu.memory_space<vmem>>, vector<1x256xi32>,
    %eq3A_1074 = arith.constant 1.500000e+01 : f32
    %eq3A_1075 = vector.broadcast %eq3A_1074 : f32 to vector<50x256xf32>
    %eq3A_1076 = arith.cmpf oeq, %dot_general3A_814, %eq3A_1075 : vector<50x256xf32>
    %jit3A_1077 = arith.constant 1.000000e+00 : f32
    %jit3A_1078 = arith.constant 0.000000e+00 : f32
    %broadcast_in_dim3A_1079 = vector.broadcast %jit3A_1077 : f32 to vector<50x256xf32>
    %broadcast_in_dim3A_1080 = vector.broadcast %jit3A_1078 : f32 to vector<50x256xf32>
    %select_n3A_1081 = arith.select %eq3A_1076, %broadcast_in_dim3A_1079, %broadcast_in_dim3A_1080 : vector<50x256xi1>, vector<50x256xf32>
    %mul3A_1082 = arith.mulf %select_n3A_805, %select_n3A_1081 : vector<50x256xf32>
    %mul3A_1083 = arith.mulf %get3A_822, %mul3A_1082 : vector<50x256xf32>
    %reduce_sum3A_1084 = arith.constant dense<0.000000e+00> : vector<256xf32>
    %reduce_sum3A_1085 = vector.multi_reduction <add>, %mul3A_1083, %reduce_sum3A_1084 [0] : vector<50x256xf32> to vector<256xf32>
    %broadcast_in_dim3A_1086 = vector.shape_cast %reduce_sum3A_1085 : vector<256xf32> to vector<1x256xf32>
    %convert_element_type3A_1087 = arith.fptosi %broadcast_in_dim3A_1086 : vector<1x256xf32> to vector<1x256xi32>
    %swap3A_1088 = arith.constant 15 : index
    %swap3A_1089 = arith.constant 0 : index
    %swap3A_1090 = vector.load %arg3[%swap3A_1088, %swap3A_1089] : memref<16x256xi32, #tpu.memory_space<vmem>>, vector<1x256xi32>
    tpu.vector_store %arg3[%swap3A_1088, %swap3A_1089], %convert_element_type3A_1087 {strides = array<i32>} : memref<16x256xi32, #tpu.memory_space<vmem>>, vector<1x256xi32>,
    return
  }
  func.func @transform_0(%arg0: i32) -> (i32, i32) {
    %c0_i32 = arith.constant 0 : i32
    %c0_i32_0 = arith.constant 0 : i32
    return %c0_i32, %arg0 : i32, i32
  }
  func.func @transform_1(%arg0: i32) -> (i32, i32) {
    %c0_i32 = arith.constant 0 : i32
    %c0_i32_0 = arith.constant 0 : i32
    return %c0_i32, %arg0 : i32, i32
  }
  func.func @transform_2(%arg0: i32) -> (i32, i32) {
    %c0_i32 = arith.constant 0 : i32
    %c0_i32_0 = arith.constant 0 : i32
    return %c0_i32, %arg0 : i32, i32
  }
  func.func @transform_3(%arg0: i32) -> (i32, i32) {
    %c0_i32 = arith.constant 0 : i32
    %c0_i32_0 = arith.constant 0 : i32
    return %c0_i32, %arg0 : i32, i32
  }
}

</mosaic_0001>

<sc_bundles>
// kernel: kernel.5.cloned.1.call-start
scs
__scs_entry_jumppad:
0x0: {  	(pc) =	sbr.rel $0x88, $3  }
0x1: {  	(tag) =	ssettag $0x0;
	lr =	simm.s32 $0x1  }
0x2: {  	[smem:$0x3F98] =	sst lr;
	_ =	strace $0xD0000000  }
0x3: {  	_ = 	snop  }
0x4: {  	_ = 	snop  }
0x5: {  	_ = 	snop  }
0x6: {  	_ = 	snop  }
0x7: {  	_ = 	snop  }
__scs_overlays_trampoline_lowered:
0x8: {  	[smem:$0x3FA7] =	sst s0  }
0x9: {  	[smem:$0x3FA8] =	sst s1  }
0xa: {  	[smem:$0x3FA9] =	sst s2  }
0xb: {  	[smem:$0x3FAA] =	sst s3  }
0xc: {  	[smem:$0x3FAB] =	sst s4  }
0xd: {  	[smem:$0x3FAC] =	sst s5  }
0xe: {  	[smem:$0x3FAD] =	sst s6  }
0xf: {  	[smem:$0x3FAE] =	sst s7  }
0x10: {  	[smem:$0x3FAF] =	sst s8  }
0x11: {  	[smem:$0x3FB0] =	sst s9;
	s0 =	simm.s32 @!p0 $0x0  }
0x12: {  	s1 =	sld [smem:$0x3F96];
	s0 =	simm.s32 @p0 $0x1  }
0x13: {  	[smem:$0x3FB1] =	sst s0;
	s0 =	simm.s32 @!p1 $0x0  }
0x14: {  	s2 =	sld [smem:$0x3F95];
	s0 =	simm.s32 @p1 $0x1  }
0x15: {  	[smem:$0x3FB2] =	sst s0;
	s0 =	simm.s32 @!p2 $0x0  }
0x16: {  	s3 =	sld [smem:$0x3FDB];
	s0 =	simm.s32 @p2 $0x1  }
0x17: {  	s4 =	simm.s32 $0x1BF5;
	[smem:$0x3FB4] =	sst s0  }
0x18: {  	s0 =	sld [smem:$0x3F97];
	_ =	swait.ge [sflag:s4], $0x0  }
0x19: {  	s7 =	sld [smem:$0x3F98]  }
0x1a: {  	s8 =	sadd.s32 $0xFFFFE003, lr  }
0x1b: {  	s9 =	sadd.s32 $0xFFFFFEF7, lr;
	s5 =	simm.s32 $0xFFFFFFFF;
	p2 =	slt.u32 s8, $0xFFFFF086  }
0x1c: {  	p1 =	slt.u32 s9, $0xF7A;
	s5 =	simm.s32 @!p2 $0x0  }
0x1d: {  	s5 =	simm.s32 @p1 $0x1;
	p0 =	seq.s32 s7, s2  }
0x1e: {  	s7 =	smul.u32 @!p0 $0xF7A, s2;
	p2 =	seq.s32 @!p0 s5, $0x0  }
0x1f: {  	s9 =	smul.u32 $0xF7A, s1;
	s8 =	simm.s32 @!p0 $0x1BF5;
	p2 =	por !p2, p0  }
0x20: {  	[sflag:s8] =	ssyncset.s32 @!p0 $0xFFFFF086;
	s6 =	sadd.s32 @!p0 s3, s7;
	s7 =	simm.s32 @!p0 $0x108  }
0x21: {  	s3 =	sadd.s32 s3, s9;
	s6 =	sadd.s32 @!p0 $0x88, s6;
	s7 =	simm.s32 @p2 $0x1082  }
0x22: {  	[simem:s7], [sflag:s8] =	dma.local @!p0 [hbm:s6], $0xF7A  }
0x23: {  	s9 =	sor.u32 $0xD0000000, s2;
	s6 =	simm.s32 $0x108;
	_ =	swait.ge @!p0 [sflag:s8], $0x0  }
0x24: {  	s3 =	sadd.s32 $0x88, s3;
	s6 =	simm.s32 @!p1 $0x1082;
	[sflag:s4] =	ssyncset.s32 $0xFFFFF086  }
0x25: {  	[simem:s6], [sflag:s4] =	dma.local [hbm:s3], $0xF7A  }
0x26: {  	[smem:$0x3F98] =	sst s1;
	(tag) =	ssettag s2;
	_ =	strace s9  }
0x27: {  	s1 =	sld [smem:$0x3FA8]  }
0x28: {  	s2 =	sld [smem:$0x3FA9]  }
0x29: {  	s4 =	sld [smem:$0x3FAB]  }
0x2a: {  	p0 =	seq.s32 s5, $0x0;
	s5 =	sld [smem:$0x3FAC]  }
0x2b: {  	s6 =	sld [smem:$0x3FAD]  }
0x2c: {  	s7 =	sld [smem:$0x3FAE]  }
0x2d: {  	s3 =	simm.s32 $0x108;
	s8 =	sld [smem:$0x3FAF]  }
0x2e: {  	s3 =	simm.s32 @!p0 $0x1082;
	s9 =	sld [smem:$0x3FB0]  }
0x2f: {  	lr =	sadd.s32 s0, s3;
	s0 =	sld [smem:$0x3FA7]  }
0x30: {  	s3 =	sld [smem:$0x3FAA]  }
0x31: {  	[smem:$0x3FB3] =	sst s10  }
0x32: {  	s10 =	sld [smem:$0x3FB1];
	_ =	sdelay $0x3  }
0x33: {  	p0 =	seq.s32 s10, $0x1;
	s10 =	sld [smem:$0x3FB3];
	_ =	sdelay $0x3  }
0x34: {  	[smem:$0x3FB3] =	sst s10  }
0x35: {  	s10 =	sld [smem:$0x3FB2];
	_ =	sdelay $0x3  }
0x36: {  	p1 =	seq.s32 s10, $0x1;
	s10 =	sld [smem:$0x3FB3];
	_ =	sdelay $0x3  }
0x37: {  	[smem:$0x3FB3] =	sst s10  }
0x38: {  	s10 =	sld [smem:$0x3FB4]  }
0x39: {  	_ = 	snop;
	(pc) =	sbr.ind lr, $3  }
0x3a: {  	_ = 	snop  }
0x3b: {  	_ = 	snop  }
0x3c: {  	p2 =	seq.s32 s10, $0x1;
	s10 =	sld [smem:$0x3FB3]  }
0x3d: {  	_ =	shalt  }
0x3e: {  	_ =	shalt  }
0x3f: {  	_ =	shalt  }
0x40: {  	_ =	shalt  }
0x41: {  	_ =	shalt  }
0x42: {  	_ =	shalt  }
0x43: {  	_ =	shalt  }
0x44: {  	_ =	shalt  }
0x45: {  	_ =	shalt  }
0x46: {  	_ =	shalt  }
0x47: {  	_ =	shalt  }
0x48: {  	_ =	shalt  }
0x49: {  	_ =	shalt  }
0x4a: {  	_ =	shalt  }
0x4b: {  	_ =	shalt  }
0x4c: {  	_ =	shalt  }
0x4d: {  	_ =	shalt  }
0x4e: {  	_ =	shalt  }
0x4f: {  	_ =	shalt  }
0x50: {  	_ =	shalt  }
0x51: {  	_ =	shalt  }
0x52: {  	_ =	shalt  }
0x53: {  	_ =	shalt  }
0x54: {  	_ =	shalt  }
0x55: {  	_ =	shalt  }
0x56: {  	_ =	shalt  }
0x57: {  	_ =	shalt  }
0x58: {  	_ =	shalt  }
0x59: {  	_ =	shalt  }
0x5a: {  	_ =	shalt  }
0x5b: {  	_ =	shalt  }
0x5c: {  	_ =	shalt  }
0x5d: {  	_ =	shalt  }
0x5e: {  	_ =	shalt  }
0x5f: {  	_ =	shalt  }
0x60: {  	_ =	shalt  }
0x61: {  	_ =	shalt  }
0x62: {  	_ =	shalt  }
0x63: {  	_ =	shalt  }
0x64: {  	_ =	shalt  }
0x65: {  	_ =	shalt  }
0x66: {  	_ =	shalt  }
0x67: {  	_ =	shalt  }
0x68: {  	_ =	shalt  }
0x69: {  	_ =	shalt  }
0x6a: {  	_ =	shalt  }
0x6b: {  	_ =	shalt  }
0x6c: {  	_ =	shalt  }
0x6d: {  	_ =	shalt  }
0x6e: {  	_ =	shalt  }
0x6f: {  	_ =	shalt  }
0x70: {  	_ =	shalt  }
0x71: {  	_ =	shalt  }
0x72: {  	_ =	shalt  }
0x73: {  	_ =	shalt  }
0x74: {  	_ =	shalt  }
0x75: {  	_ =	shalt  }
0x76: {  	_ =	shalt  }
0x77: {  	_ =	shalt  }
0x78: {  	_ =	shalt  }
0x79: {  	_ =	shalt  }
0x7a: {  	_ =	shalt  }
0x7b: {  	_ =	shalt  }
0x7c: {  	_ =	shalt  }
0x7d: {  	_ =	shalt  }
0x7e: {  	_ =	shalt  }
0x7f: {  	_ =	shalt  }
0x80: {  	_ =	shalt  }
0x81: {  	_ =	shalt  }
0x82: {  	_ =	shalt  }
0x83: {  	_ =	shalt  }
0x84: {  	_ =	shalt  }
0x85: {  	_ =	shalt  }
0x86: {  	_ =	shalt  }
0x87: {  	_ =	shalt  }
.Lfunc_end0:
.L_simem_size_0:
called_computation_lowered:
.L_overlay_start_0:
0x88: {  	s2 =	sld [smem:$0x3FD9]  }
0x89: {  	s3 =	sld [smem:$0x3FFE];
	_ =	sdelay $0x1  }
0x8a: {  	s1 =	srdreg.scid  }
0x8b: {  	s0 =	sand.u32 $0x1, s1  }
0x8c: {  	s17 =	sshll.u32 s0, $0xA;
	s2 =	sadd.s32 s3, s2  }
0x8d: {  	s2 =	sadd.s32 s2, s17  }
0x8e: {  	[smem:$0x3FBF] =	sst s2  }
0x8f: {  	_ = 	snop  }
0x90: {  	s2 =	sld [smem:$0x3FC9]  }
0x91: {  	s18 =	sld [smem:$0x3FD0];
	(tm) =	ssettm $0x1  }
0x92: {  	s4 =	sld [smem:$0x3FFB];
	_ =	sdelay $0x3  }
0x93: {  	_ =	strace s4  }
0x94: {  	s4 =	sld [smem:$0x3FFC];
	_ =	sdelay $0x3  }
0x95: {  	_ =	strace s4  }
0x96: {  	s4 =	sld [smem:$0x3FFD];
	_ =	sdelay $0x3  }
0x97: {  	_ =	strace s4  }
0x98: {  	_ =	strace $0x8FFFFFFF  }
0x99: {  	s19 =	sld [smem:$0x3FDB];
	_ =	sdelay $0x1  }
0x9a: {  	s5 =	simm.s32 $_scs_section_size  }
0x9b: {  	s6 =	simm.s32 $_size__tile_overlayer_lowered;
	s7 =	simm.s32 $_tile_overlayer_lowered  }
0x9c: {  	s22 =	simm.s32 $0x1BFF;
	s21 =	sshll.u32 s7, $0x1;
	s4 =	sadd.s32 s5, s19  }
0x9d: {  	s8 =	simm.s32 $0x0;
	s20 =	sshll.u32 s6, $0x1;
	s6 =	sadd.s32 s21, s4  }
0x9e: {  	[timem:s8], [sflag:s22] =	dma.local [hbm:s6], s20  }
0x9f: {  	_ =	swait.ge [sflag:s22], s20  }
0xa0: {  	s5 =	ssub.s32 $0x0, s20;
	[sflag:s22] =	ssyncset.done $0x0  }
0xa1: {  	[sflag:s22] =	ssyncadd.s32 s5;
	_ =	sdelay $0x1  }
0xa2: {  	s23 =	simm.s32 $0x1B8B  }
0xa3: {  	_ =	swait.ge [sflag:s23], $0x1  }
0xa4: {  	[sflag:s23] =	ssyncset.done $0x0  }
0xa5: {  	s25 =	simm.s32 $0x1B8E;
	s24 =	sld [smem:$0x3FFE];
	[sflag:s23] =	ssyncadd.s32 $0xFFFFFFFF  }
0xa6: {  	s26 =	simm.s32 $execute0_lowered;
	[smem:$0x3FD2] =	sst s25  }
0xa7: {  	s6 =	sshll.u32 s26, $0x1;
	_ =	strace $0x80000046;
	[dreg:$0x1] =	wrdreg $0xFFFFFFFF  }
0xa8: {  	s28 =	simm.s32 $_size_execute0_lowered;
	s4 =	sadd.s32 s4, s6;
	[dreg:$0x0] =	wrdreg $0x0  }
0xa9: {  	s6 =	sshll.u32 s28, $0x1;
	[dreg:$0x2] =	wrdreg s4  }
0xaa: {  	[dreg:$0x3] =	wrdreg s6  }
0xab: {  	[dreg:$0x4] =	wrdreg $0xC0  }
0xac: {  	_ =	task [dreg:s8], $0x5FFFF  }
0xad: {  	[dreg:$0x1] =	wrdreg $0xFFFFFFFF  }
0xae: {  	[dreg:$0x0] =	wrdreg $0x60  }
0xaf: {  	[dreg:$0x2] =	wrdreg s18  }
0xb0: {  	[dreg:$0x3] =	wrdreg s2  }
0xb1: {  	[dreg:$0x4] =	wrdreg s24  }
0xb2: {  	[dreg:$0x5] =	wrdreg $0x9  }
0xb3: {  	_ =	task.clear_ibuf [dreg:s8], $0x6FFFF;
	_ =	strace $0x90000046  }
0xb4: {  	s29 =	simm.s32 $0x9;
	_ =	strace $0x80000048  }
0xb5: {  	_ =	swait.ge [sflag:s29], $0x1  }
0xb6: {  	[sflag:s29] =	ssyncadd.s32 $0xFFFFFFFF  }
0xb7: {  	_ =	strace $0x90000048  }
0xb8: {  	_ =	sfence  }
0xb9: {  	s30 =	sld [smem:$0x0];
	_ =	sdelay $0x2  }
0xba: {  	s31 =	sshll.u32 s1, $0xD;
	s1 =	sshrl.u32 s1, $0x2  }
0xbb: {  	s3 =	sand.u32 $0x4000, s31;
	s1 =	sadd.s32 s1, s30  }
0xbc: {  	s0 =	sor.u32 s3, s0;
	s1 =	sshll.u32 s1, $0x11  }
0xbd: {  	s0 =	sor.u32 s1, s0  }
0xbe: {  	s0 =	sadd.s32 $0x8F2B, s0  }
0xbf: {  	[sflag:s0] =	ssyncadd.remote.s32 $0x1  }
0xc0: {  	_ =	sfence.sel $0xFFFF  }
0xc1: {  	[dreg:$0x0] =	wrdreg $0xFFFFFFFF;
	(pc) =	sbr.abs _section_cstart, $3  }
0xc2: {  	[dreg:$0x1] =	wrdreg $0xFFFFFFFF  }
0xc3: {  	_ =	task.clear_ibuf [dreg:s8], $0x2FFFF;
	_ =	strace $0x9FFFFFFF  }
0xc4: {  	(tm) =	ssettm $0x7FFFFFFF  }
0xc5: {  	_ =	shalt  }
tec
execute0_lowered:
.L_overlay_start_1:
0x0: {  	(tag) =	ssettag $0x1  }
0x1: {  	s0 =	srdreg.scid;
	s4 =	rddreg [dreg:$0x0]  }
0x2: {  	s18 =	stileid.u32;
	s2 =	rddreg [dreg:$0x1]  }
0x3: {  	s25 =	rddreg [dreg:$0x2];
	s3 =	simm.s32 $0x1;
	s0 =	sand.u32 $0x1, s0  }
0x4: {  	s19 =	simm.s32 $0x0;
	s31 =	simm.s32 $0x9;
	s1 =	sor.u32 s0, s18  }
0x5: {  	s30 =	simm.s32 $0x280;
	p1 =	seq.s32 s0, $0x1;
	p0 =	seq.s32 s1, $0x0  }
0x6: {  	s29 =	simm.s32 $0x300;
	[smem:$0x7FF] =	sst s19;
	p0 =	por !p0, !p1  }
0x7: {  	s28 =	simm.s32 $0x380;
	_ =	strace $0x80000047;
	p0 =	por !p0, !p0  }
0x8: {  	s6 =	sshll.u32 s0, $0xE;
	s8 =	ssub.s32 $0x2, s0;
	s3 =	simm.s32 @!p0 $0x0  }
0x9: {  	s0 =	sshll.u32 s0, $0x16;
	s1 =	sadd.s32 $0x1400, s25;
	s3 =	ssub.s32 s18, s3  }
0xa: {  	p0 =	por $0x0, $0x0;
	s5 =	sshll.u32 s3, $0xC;
	s7 =	sshll.u32 s3, $0x7  }
0xb: {  	s3 =	sshll.u32 s3, $0xA;
	s5 =	sand.u32 $0xFFFF8000, s5;
	s26 =	sand.u32 $0x380, s7  }
0xc: {  	s7 =	sshrl.u32 s8, $0x1;
	s0 =	sadd.s32 s0, s3;
	s5 =	sor.u32 s6, s5  }
0xd: {  	s3 =	ssub.s32 s8, s7;
	s8 =	sshrl.u32 s0, $0x3;
	s10 =	sadd.s32 $0x40000, s0  }
0xe: {  	s12 =	sadd.s32 $0x80000, s0;
	s13 =	sadd.s32 $0xC0000, s0;
	s17 =	sadd.s32 $0x100000, s0  }
0xf: {  	s21 =	sadd.s32 $0x140000, s0;
	s22 =	sadd.s32 $0x180000, s0;
	s6 =	sadd.s32 $0x200000, s0  }
0x10: {  	s7 =	sadd.s32 $0x240000, s0;
	s5 =	sor.u32 s26, s5;
	s9 =	sadd.s32 s1, s8  }
0x11: {  	s11 =	sshrl.u32 s10, $0x3;
	s15 =	sshrl.u32 s13, $0x3;
	s20 =	sshrl.u32 s17, $0x3  }
0x12: {  	s24 =	sshrl.u32 s22, $0x3;
	s26 =	sadd.s32 $0x1C0000, s0;
	s13 =	sadd.s32 $0x2C0000, s0  }
0x13: {  	s22 =	sadd.s32 $0x380000, s0;
	s5 =	sshrl.u32 s5, $0x3;
	[dreg:$0x5] =	wrdreg s9  }
0x14: {  	s16 =	sadd.s32 s1, s15;
	s25 =	sadd.s32 s1, s24;
	s9 =	sshrl.u32 s7, $0x3  }
0x15: {  	s24 =	smax.u32 s3, $0x1;
	s3 =	simm.s32 $0x400;
	s7 =	simm.s32 $0x7  }
0x16: {  	s4 =	sadd.s32 s4, s5;
	s5 =	sshrl.u32 s12, $0x3;
	[dreg:$0x8] =	wrdreg s16  }
0x17: {  	[dreg:$0xb] =	wrdreg s25;
	s10 =	sadd.s32 s1, s9;
	s25 =	simm.s32 $0x100  }
0x18: {  	s9 =	simm.s32 $0x6;
	p1 =	sne.s32 s24, $0x1;
	[dreg:$0x4] =	wrdreg s4  }
0x19: {  	s4 =	sadd.s32 s1, s11;
	s14 =	sadd.s32 s1, s5;
	[dreg:$0xe] =	wrdreg s10  }
0x1a: {  	s5 =	sshrl.u32 s21, $0x3;
	s11 =	sadd.s32 $0x280000, s0;
	[dreg:$0x15] =	wrdreg s25  }
0x1b: {  	s10 =	simm.s32 $0xC800;
	s25 =	simm.s32 $0x500;
	[dreg:$0x6] =	wrdreg s4  }
0x1c: {  	[dreg:$0x7] =	wrdreg s14;
	s4 =	sadd.s32 s1, s20;
	s23 =	sadd.s32 s1, s5  }
0x1d: {  	s5 =	sshrl.u32 s26, $0x3;
	s12 =	sshrl.u32 s11, $0x3;
	s14 =	sadd.s32 $0x300000, s0  }
0x1e: {  	s20 =	sadd.s32 $0x340000, s0;
	s0 =	sadd.s32 $0x3C0000, s0;
	[dreg:$0x9] =	wrdreg s4  }
0x1f: {  	s11 =	simm.s32 $0x8800;
	s26 =	simm.s32 $0x180;
	[dreg:$0xa] =	wrdreg s23  }
0x20: {  	s4 =	sadd.s32 s1, s5;
	s5 =	sshrl.u32 s6, $0x3;
	s16 =	sshrl.u32 s14, $0x3  }
0x21: {  	s21 =	sshrl.u32 s20, $0x3;
	s0 =	sshrl.u32 s0, $0x3;
	s14 =	simm.s32 $0x1  }
0x22: {  	s6 =	simm.s32 $0x80;
	[dreg:$0x16] =	wrdreg s26;
	s26 =	simm.s32 $0x480  }
0x23: {  	s20 =	simm.s32 $0x780;
	[dreg:$0xc] =	wrdreg s4;
	s8 =	sadd.s32 s1, s5  }
0x24: {  	s4 =	sadd.s32 s1, s12;
	s5 =	sshrl.u32 s13, $0x3;
	s17 =	sadd.s32 s1, s16  }
0x25: {  	s0 =	sadd.s32 s1, s0;
	s13 =	simm.s32 $0x4800;
	[dreg:$0xd] =	wrdreg s8  }
0x26: {  	s16 =	simm.s32 $0x2;
	s12 =	simm.s32 $0x4;
	[dreg:$0xf] =	wrdreg s4  }
0x27: {  	s15 =	sadd.s32 s1, s5;
	[dreg:$0x11] =	wrdreg s17;
	s4 =	sadd.s32 s1, s21  }
0x28: {  	s5 =	sshrl.u32 s22, $0x3;
	[dreg:$0x14] =	wrdreg s0;
	s17 =	simm.s32 $0x800  }
.Ltmp0:
0x29: {  	s8 =	simm.s32 $0x5;
	s0 =	rddreg [dreg:$0x4];
	(pc) =	sbr.rel @!p1 .LBB2_1-.Ltmp0, $4  }
0x2a: {  	s22 =	simm.s32 $0x680;
	s21 =	simm.s32 $0x700;
	[dreg:$0x10] =	wrdreg s15  }
0x2b: {  	[dreg:$0x12] =	wrdreg s4;
	s23 =	sadd.s32 s1, s5;
	s4 =	simm.s32 $0x4000  }
0x2c: {  	s15 =	simm.s32 $0x3;
	s5 =	simm.s32 $0x8;
	s1 =	sadd.s32 $0xFFFFFFFF, s24  }
0x2d: {  	s24 =	simm.s32 $0x580;
	[dreg:$0x13] =	wrdreg s23;
	s23 =	simm.s32 $0x600  }
0x2e: {  	[tilespmem:s19], [sflag:$0x9] =	stream.strided.gather [hbm4b:s0+s6], $0x800, s3, s6, $0x38;
	[tilespmem:$0x10800] =	vst v63  }
0x2f: {  	_ =	swait.ge [sflag:s31], $0x800  }
0x30: {  	[sflag:s31] =	ssyncset.done $0x0  }
0x31: {  	[sflag:s31] =	ssyncadd.s32 $0xFFFFF800  }
0x32: {  	[tilespmem:s17], [sflag:$0x1] =	stream.indirect.gather [hbm4b:s2+s6], $0x80, s19, s6, $0xb8;
	[tilespmem:$0x10800] =	vst v63  }
0x33: {  	_ = 	snop  }
0x34: {  	[tilespmem:s13], [sflag:$0x2] =	stream.indirect.gather [hbm4b:s2+s6], $0x80, s6, s6, $0xb8;
	[tilespmem:$0x10800] =	vst v63  }
0x35: {  	_ =	swait.ge [sflag:s14], $0x4000  }
0x36: {  	[sflag:s14] =	ssyncset.done $0x0  }
0x37: {  	s0 =	rddreg [dreg:$0x5];
	[sflag:s14] =	ssyncadd.s32 $0xFFFFC000  }
0x38: {  	[hbm4b:s0+s3] =	stream.strided.scatter [tilespmem:s17], [sflag:$0x5], $0x4000, s4, s3, $0x38;
	[tilespmem:$0x10800] =	vst v63  }
0x39: {  	s18 =	smov.u32 s1;
	s1 =	rddreg [dreg:$0x15]  }
0x3a: {  	[tilespmem:s11], [sflag:$0x3] =	stream.indirect.gather [hbm4b:s2+s6], $0x80, s1, s6, $0xb8;
	[tilespmem:$0x10800] =	vst v63  }
0x3b: {  	_ =	swait.ge [sflag:s16], $0x4000  }
0x3c: {  	[sflag:s16] =	ssyncset.done $0x0  }
0x3d: {  	s0 =	rddreg [dreg:$0x6];
	[sflag:s16] =	ssyncadd.s32 $0xFFFFC000  }
0x3e: {  	[hbm4b:s0+s3] =	stream.strided.scatter [tilespmem:s13], [sflag:$0x6], $0x4000, s4, s3, $0x38;
	[tilespmem:$0x10800] =	vst v63  }
0x3f: {  	s1 =	rddreg [dreg:$0x16]  }
0x40: {  	[tilespmem:s10], [sflag:$0x4] =	stream.indirect.gather [hbm4b:s2+s6], $0x80, s1, s6, $0xb8;
	[tilespmem:$0x10800] =	vst v63  }
0x41: {  	_ =	swait.ge [sflag:s15], $0x4000  }
0x42: {  	[sflag:s15] =	ssyncset.done $0x0  }
0x43: {  	s1 =	rddreg [dreg:$0x7];
	[sflag:s15] =	ssyncadd.s32 $0xFFFFC000  }
0x44: {  	[hbm4b:s1+s3] =	stream.strided.scatter [tilespmem:s11], [sflag:$0x7], $0x4000, s4, s3, $0x38;
	[tilespmem:$0x10800] =	vst v63  }
0x45: {  	_ =	swait.ge [sflag:s8], $0x4000  }
0x46: {  	[sflag:s8] =	ssyncset.done $0x0  }
0x47: {  	s1 =	simm.s32 $0x200;
	[sflag:s8] =	ssyncadd.s32 $0xFFFFC000  }
0x48: {  	[tilespmem:s17], [sflag:$0x1] =	stream.indirect.gather [hbm4b:s2+s6], $0x80, s1, s6, $0xb8;
	[tilespmem:$0x10800] =	vst v63  }
0x49: {  	_ =	swait.ge [sflag:s12], $0x4000  }
0x4a: {  	[sflag:s12] =	ssyncset.done $0x0  }
0x4b: {  	s1 =	rddreg [dreg:$0x8];
	[sflag:s12] =	ssyncadd.s32 $0xFFFFC000  }
0x4c: {  	[hbm4b:s1+s3] =	stream.strided.scatter [tilespmem:s10], [sflag:$0x8], $0x4000, s4, s3, $0x38;
	[tilespmem:$0x10800] =	vst v63  }
0x4d: {  	_ =	swait.ge [sflag:s9], $0x4000  }
0x4e: {  	[sflag:s9] =	ssyncset.done $0x0  }
0x4f: {  	[sflag:s9] =	ssyncadd.s32 $0xFFFFC000  }
0x50: {  	[tilespmem:s13], [sflag:$0x2] =	stream.indirect.gather [hbm4b:s2+s6], $0x80, s30, s6, $0xb8;
	[tilespmem:$0x10800] =	vst v63  }
0x51: {  	_ =	swait.ge [sflag:s14], $0x4000  }
0x52: {  	[sflag:s14] =	ssyncset.done $0x0  }
0x53: {  	s1 =	rddreg [dreg:$0x9];
	[sflag:s14] =	ssyncadd.s32 $0xFFFFC000  }
0x54: {  	[hbm4b:s1+s3] =	stream.strided.scatter [tilespmem:s17], [sflag:$0x5], $0x4000, s4, s3, $0x38;
	[tilespmem:$0x10800] =	vst v63  }
0x55: {  	_ =	swait.ge [sflag:s7], $0x4000  }
0x56: {  	[sflag:s7] =	ssyncset.done $0x0  }
0x57: {  	[sflag:s7] =	ssyncadd.s32 $0xFFFFC000  }
0x58: {  	[tilespmem:s11], [sflag:$0x3] =	stream.indirect.gather [hbm4b:s2+s6], $0x80, s29, s6, $0xb8;
	[tilespmem:$0x10800] =	vst v63  }
0x59: {  	_ =	swait.ge [sflag:s16], $0x4000  }
0x5a: {  	[sflag:s16] =	ssyncset.done $0x0  }
0x5b: {  	s1 =	rddreg [dreg:$0xa];
	[sflag:s16] =	ssyncadd.s32 $0xFFFFC000  }
0x5c: {  	[hbm4b:s1+s3] =	stream.strided.scatter [tilespmem:s13], [sflag:$0x6], $0x4000, s4, s3, $0x38;
	[tilespmem:$0x10800] =	vst v63  }
0x5d: {  	_ =	swait.ge [sflag:s5], $0x4000  }
0x5e: {  	[sflag:s5] =	ssyncset.done $0x0  }
0x5f: {  	[sflag:s5] =	ssyncadd.s32 $0xFFFFC000  }
0x60: {  	[tilespmem:s10], [sflag:$0x4] =	stream.indirect.gather [hbm4b:s2+s6], $0x80, s28, s6, $0xb8;
	[tilespmem:$0x10800] =	vst v63  }
0x61: {  	_ =	swait.ge [sflag:s15], $0x4000  }
0x62: {  	[sflag:s15] =	ssyncset.done $0x0  }
0x63: {  	s1 =	rddreg [dreg:$0xb];
	[sflag:s15] =	ssyncadd.s32 $0xFFFFC000  }
0x64: {  	[hbm4b:s1+s3] =	stream.strided.scatter [tilespmem:s11], [sflag:$0x7], $0x4000, s4, s3, $0x38;
	[tilespmem:$0x10800] =	vst v63  }
0x65: {  	_ =	swait.ge [sflag:s8], $0x4000  }
0x66: {  	[sflag:s8] =	ssyncset.done $0x0  }
0x67: {  	[sflag:s8] =	ssyncadd.s32 $0xFFFFC000  }
0x68: {  	[tilespmem:s17], [sflag:$0x1] =	stream.indirect.gather [hbm4b:s2+s6], $0x80, s3, s6, $0xb8;
	[tilespmem:$0x10800] =	vst v63  }
0x69: {  	_ =	swait.ge [sflag:s12], $0x4000  }
0x6a: {  	[sflag:s12] =	ssyncset.done $0x0  }
0x6b: {  	s1 =	rddreg [dreg:$0xc];
	[sflag:s12] =	ssyncadd.s32 $0xFFFFC000  }
0x6c: {  	[hbm4b:s1+s3] =	stream.strided.scatter [tilespmem:s10], [sflag:$0x8], $0x4000, s4, s3, $0x38;
	[tilespmem:$0x10800] =	vst v63  }
0x6d: {  	_ =	swait.ge [sflag:s9], $0x4000  }
0x6e: {  	[sflag:s9] =	ssyncset.done $0x0  }
0x6f: {  	[sflag:s9] =	ssyncadd.s32 $0xFFFFC000  }
0x70: {  	[tilespmem:s13], [sflag:$0x2] =	stream.indirect.gather [hbm4b:s2+s6], $0x80, s26, s6, $0xb8;
	[tilespmem:$0x10800] =	vst v63  }
0x71: {  	_ =	swait.ge [sflag:s14], $0x4000  }
0x72: {  	[sflag:s14] =	ssyncset.done $0x0  }
0x73: {  	s1 =	rddreg [dreg:$0xd];
	[sflag:s14] =	ssyncadd.s32 $0xFFFFC000  }
0x74: {  	[hbm4b:s1+s3] =	stream.strided.scatter [tilespmem:s17], [sflag:$0x5], $0x4000, s4, s3, $0x38;
	[tilespmem:$0x10800] =	vst v63  }
0x75: {  	_ =	swait.ge [sflag:s7], $0x4000  }
0x76: {  	[sflag:s7] =	ssyncset.done $0x0  }
0x77: {  	[sflag:s7] =	ssyncadd.s32 $0xFFFFC000  }
0x78: {  	[tilespmem:s11], [sflag:$0x3] =	stream.indirect.gather [hbm4b:s2+s6], $0x80, s25, s6, $0xb8;
	[tilespmem:$0x10800] =	vst v63  }
0x79: {  	_ =	swait.ge [sflag:s16], $0x4000  }
0x7a: {  	[sflag:s16] =	ssyncset.done $0x0  }
0x7b: {  	s1 =	rddreg [dreg:$0xe];
	[sflag:s16] =	ssyncadd.s32 $0xFFFFC000  }
0x7c: {  	[hbm4b:s1+s3] =	stream.strided.scatter [tilespmem:s13], [sflag:$0x6], $0x4000, s4, s3, $0x38;
	[tilespmem:$0x10800] =	vst v63  }
0x7d: {  	_ =	swait.ge [sflag:s5], $0x4000  }
0x7e: {  	[sflag:s5] =	ssyncset.done $0x0  }
0x7f: {  	[sflag:s5] =	ssyncadd.s32 $0xFFFFC000  }
0x80: {  	[tilespmem:s10], [sflag:$0x4] =	stream.indirect.gather [hbm4b:s2+s6], $0x80, s24, s6, $0xb8;
	[tilespmem:$0x10800] =	vst v63  }
0x81: {  	_ =	swait.ge [sflag:s15], $0x4000  }
0x82: {  	[sflag:s15] =	ssyncset.done $0x0  }
0x83: {  	s1 =	rddreg [dreg:$0xf];
	[sflag:s15] =	ssyncadd.s32 $0xFFFFC000  }
0x84: {  	[hbm4b:s1+s3] =	stream.strided.scatter [tilespmem:s11], [sflag:$0x7], $0x4000, s4, s3, $0x38;
	[tilespmem:$0x10800] =	vst v63  }
0x85: {  	_ =	swait.ge [sflag:s8], $0x4000  }
0x86: {  	[sflag:s8] =	ssyncset.done $0x0  }
0x87: {  	[sflag:s8] =	ssyncadd.s32 $0xFFFFC000  }
0x88: {  	[tilespmem:s17], [sflag:$0x1] =	stream.indirect.gather [hbm4b:s2+s6], $0x80, s23, s6, $0xb8;
	[tilespmem:$0x10800] =	vst v63  }
0x89: {  	_ =	swait.ge [sflag:s12], $0x4000  }
0x8a: {  	[sflag:s12] =	ssyncset.done $0x0  }
0x8b: {  	s1 =	rddreg [dreg:$0x10];
	[sflag:s12] =	ssyncadd.s32 $0xFFFFC000  }
0x8c: {  	[hbm4b:s1+s3] =	stream.strided.scatter [tilespmem:s10], [sflag:$0x8], $0x4000, s4, s3, $0x38;
	[tilespmem:$0x10800] =	vst v63  }
0x8d: {  	_ =	swait.ge [sflag:s9], $0x4000  }
0x8e: {  	[sflag:s9] =	ssyncset.done $0x0  }
0x8f: {  	[sflag:s9] =	ssyncadd.s32 $0xFFFFC000  }
0x90: {  	[tilespmem:s13], [sflag:$0x2] =	stream.indirect.gather [hbm4b:s2+s6], $0x80, s22, s6, $0xb8;
	[tilespmem:$0x10800] =	vst v63  }
0x91: {  	_ =	swait.ge [sflag:s14], $0x4000  }
0x92: {  	[sflag:s14] =	ssyncset.done $0x0  }
0x93: {  	s1 =	rddreg [dreg:$0x11];
	[sflag:s14] =	ssyncadd.s32 $0xFFFFC000  }
0x94: {  	[hbm4b:s1+s3] =	stream.strided.scatter [tilespmem:s17], [sflag:$0x5], $0x4000, s4, s3, $0x38;
	[tilespmem:$0x10800] =	vst v63  }
0x95: {  	_ =	swait.ge [sflag:s7], $0x4000  }
0x96: {  	[sflag:s7] =	ssyncset.done $0x0  }
0x97: {  	[sflag:s7] =	ssyncadd.s32 $0xFFFFC000  }
0x98: {  	[tilespmem:s11], [sflag:$0x3] =	stream.indirect.gather [hbm4b:s2+s6], $0x80, s21, s6, $0xb8;
	[tilespmem:$0x10800] =	vst v63  }
0x99: {  	_ =	swait.ge [sflag:s16], $0x4000  }
0x9a: {  	[sflag:s16] =	ssyncset.done $0x0  }
0x9b: {  	s1 =	rddreg [dreg:$0x12];
	[sflag:s16] =	ssyncadd.s32 $0xFFFFC000  }
0x9c: {  	[hbm4b:s1+s3] =	stream.strided.scatter [tilespmem:s13], [sflag:$0x6], $0x4000, s4, s3, $0x38;
	[tilespmem:$0x10800] =	vst v63  }
0x9d: {  	_ =	swait.ge [sflag:s5], $0x4000  }
0x9e: {  	[sflag:s5] =	ssyncset.done $0x0  }
0x9f: {  	[sflag:s5] =	ssyncadd.s32 $0xFFFFC000  }
0xa0: {  	[tilespmem:s10], [sflag:$0x4] =	stream.indirect.gather [hbm4b:s2+s6], $0x80, s20, s6, $0xb8;
	[tilespmem:$0x10800] =	vst v63  }
0xa1: {  	_ =	swait.ge [sflag:s15], $0x4000  }
0xa2: {  	[sflag:s15] =	ssyncset.done $0x0  }
0xa3: {  	s1 =	rddreg [dreg:$0x13];
	[sflag:s15] =	ssyncadd.s32 $0xFFFFC000  }
0xa4: {  	[hbm4b:s1+s3] =	stream.strided.scatter [tilespmem:s11], [sflag:$0x7], $0x4000, s4, s3, $0x38;
	[tilespmem:$0x10800] =	vst v63  }
0xa5: {  	_ =	swait.ge [sflag:s12], $0x4000  }
0xa6: {  	[sflag:s12] =	ssyncset.done $0x0  }
0xa7: {  	s1 =	rddreg [dreg:$0x14];
	[sflag:s12] =	ssyncadd.s32 $0xFFFFC000  }
0xa8: {  	[hbm4b:s1+s3] =	stream.strided.scatter [tilespmem:s10], [sflag:$0x8], $0x4000, s4, s3, $0x38;
	[tilespmem:$0x10800] =	vst v63  }
0xa9: {  	_ =	swait.ge [sflag:s8], $0x4000  }
0xaa: {  	[sflag:s8] =	ssyncset.done $0x0  }
0xab: {  	[sflag:s8] =	ssyncadd.s32 $0xFFFFC000  }
0xac: {  	_ =	swait.ge [sflag:s9], $0x4000  }
0xad: {  	[sflag:s9] =	ssyncset.done $0x0  }
0xae: {  	p1 =	sne.s32 s18, $0x1;
	[sflag:s9] =	ssyncadd.s32 $0xFFFFC000  }
.Ltmp1:
0xaf: {  	_ =	swait.ge [sflag:s7], $0x4000;
	(pc) =	sbr.rel @!p1 .LBB2_3-.Ltmp1, $4  }
0xb0: {  	[sflag:s7] =	ssyncset.done $0x0  }
0xb1: {  	[sflag:s7] =	ssyncadd.s32 $0xFFFFC000  }
0xb2: {  	p0 =	por $0x1, $0x1;
	_ =	swait.ge [sflag:s5], $0x4000  }
0xb3: {  	s1 =	sadd.s32 $0xFFFFFFFF, s18;
	s0 =	rddreg [dreg:$0x4];
	[sflag:s5] =	ssyncset.done $0x0  }
.LBB2_4:
0xb4: {  	[sflag:s5] =	ssyncadd.s32 $0xFFFFC000  }
0xb5: {  	[tilespmem:s19], [sflag:$0x9] =	stream.strided.gather [hbm4b:s0+s6], $0x800, s3, s6, $0x38;
	[tilespmem:$0x10800] =	vst v63  }
0xb6: {  	_ =	swait.ge [sflag:s31], $0x800  }
0xb7: {  	[sflag:s31] =	ssyncset.done $0x0  }
0xb8: {  	[sflag:s31] =	ssyncadd.s32 $0xFFFFF800  }
0xb9: {  	[tilespmem:s17], [sflag:$0x1] =	stream.indirect.gather [hbm4b:s2+s6], $0x80, s19, s6, $0xb8;
	[tilespmem:$0x10800] =	vst v63  }
0xba: {  	_ = 	snop  }
0xbb: {  	[tilespmem:s13], [sflag:$0x2] =	stream.indirect.gather [hbm4b:s2+s6], $0x80, s6, s6, $0xb8;
	[tilespmem:$0x10800] =	vst v63  }
0xbc: {  	_ =	swait.ge [sflag:s14], $0x4000  }
0xbd: {  	[sflag:s14] =	ssyncset.done $0x0  }
0xbe: {  	s0 =	rddreg [dreg:$0x5];
	[sflag:s14] =	ssyncadd.s32 $0xFFFFC000  }
0xbf: {  	[hbm4b:s0+s3] =	stream.strided.scatter [tilespmem:s17], [sflag:$0x5], $0x4000, s4, s3, $0x38;
	[tilespmem:$0x10800] =	vst v63  }
0xc0: {  	s18 =	rddreg [dreg:$0x15]  }
0xc1: {  	[tilespmem:s11], [sflag:$0x3] =	stream.indirect.gather [hbm4b:s2+s6], $0x80, s18, s6, $0xb8;
	[tilespmem:$0x10800] =	vst v63  }
0xc2: {  	_ =	swait.ge [sflag:s16], $0x4000  }
0xc3: {  	[sflag:s16] =	ssyncset.done $0x0  }
0xc4: {  	s0 =	rddreg [dreg:$0x6];
	[sflag:s16] =	ssyncadd.s32 $0xFFFFC000  }
0xc5: {  	[hbm4b:s0+s3] =	stream.strided.scatter [tilespmem:s13], [sflag:$0x6], $0x4000, s4, s3, $0x38;
	[tilespmem:$0x10800] =	vst v63  }
0xc6: {  	s18 =	rddreg [dreg:$0x16]  }
0xc7: {  	[tilespmem:s10], [sflag:$0x4] =	stream.indirect.gather [hbm4b:s2+s6], $0x80, s18, s6, $0xb8;
	[tilespmem:$0x10800] =	vst v63  }
0xc8: {  	_ =	swait.ge [sflag:s15], $0x4000  }
0xc9: {  	[sflag:s15] =	ssyncset.done $0x0  }
0xca: {  	s18 =	rddreg [dreg:$0x7];
	[sflag:s15] =	ssyncadd.s32 $0xFFFFC000  }
0xcb: {  	[hbm4b:s18+s3] =	stream.strided.scatter [tilespmem:s11], [sflag:$0x7], $0x4000, s4, s3, $0x38;
	[tilespmem:$0x10800] =	vst v63  }
0xcc: {  	_ =	swait.ge [sflag:s8], $0x4000  }
0xcd: {  	[sflag:s8] =	ssyncset.done $0x0  }
0xce: {  	s18 =	simm.s32 $0x200;
	[sflag:s8] =	ssyncadd.s32 $0xFFFFC000  }
0xcf: {  	[tilespmem:s17], [sflag:$0x1] =	stream.indirect.gather [hbm4b:s2+s6], $0x80, s18, s6, $0xb8;
	[tilespmem:$0x10800] =	vst v63  }
0xd0: {  	_ =	swait.ge [sflag:s12], $0x4000  }
0xd1: {  	[sflag:s12] =	ssyncset.done $0x0  }
0xd2: {  	s18 =	rddreg [dreg:$0x8];
	[sflag:s12] =	ssyncadd.s32 $0xFFFFC000  }
0xd3: {  	[hbm4b:s18+s3] =	stream.strided.scatter [tilespmem:s10], [sflag:$0x8], $0x4000, s4, s3, $0x38;
	[tilespmem:$0x10800] =	vst v63  }
0xd4: {  	_ =	swait.ge [sflag:s9], $0x4000  }
0xd5: {  	[sflag:s9] =	ssyncset.done $0x0  }
0xd6: {  	[sflag:s9] =	ssyncadd.s32 $0xFFFFC000  }
0xd7: {  	[tilespmem:s13], [sflag:$0x2] =	stream.indirect.gather [hbm4b:s2+s6], $0x80, s30, s6, $0xb8;
	[tilespmem:$0x10800] =	vst v63  }
0xd8: {  	_ =	swait.ge [sflag:s14], $0x4000  }
0xd9: {  	[sflag:s14] =	ssyncset.done $0x0  }
0xda: {  	s18 =	rddreg [dreg:$0x9];
	[sflag:s14] =	ssyncadd.s32 $0xFFFFC000  }
0xdb: {  	[hbm4b:s18+s3] =	stream.strided.scatter [tilespmem:s17], [sflag:$0x5], $0x4000, s4, s3, $0x38;
	[tilespmem:$0x10800] =	vst v63  }
0xdc: {  	_ =	swait.ge [sflag:s7], $0x4000  }
0xdd: {  	[sflag:s7] =	ssyncset.done $0x0  }
0xde: {  	[sflag:s7] =	ssyncadd.s32 $0xFFFFC000  }
0xdf: {  	[tilespmem:s11], [sflag:$0x3] =	stream.indirect.gather [hbm4b:s2+s6], $0x80, s29, s6, $0xb8;
	[tilespmem:$0x10800] =	vst v63  }
0xe0: {  	_ =	swait.ge [sflag:s16], $0x4000  }
0xe1: {  	[sflag:s16] =	ssyncset.done $0x0  }
0xe2: {  	s18 =	rddreg [dreg:$0xa];
	[sflag:s16] =	ssyncadd.s32 $0xFFFFC000  }
0xe3: {  	[hbm4b:s18+s3] =	stream.strided.scatter [tilespmem:s13], [sflag:$0x6], $0x4000, s4, s3, $0x38;
	[tilespmem:$0x10800] =	vst v63  }
0xe4: {  	_ =	swait.ge [sflag:s5], $0x4000  }
0xe5: {  	[sflag:s5] =	ssyncset.done $0x0  }
0xe6: {  	[sflag:s5] =	ssyncadd.s32 $0xFFFFC000  }
0xe7: {  	[tilespmem:s10], [sflag:$0x4] =	stream.indirect.gather [hbm4b:s2+s6], $0x80, s28, s6, $0xb8;
	[tilespmem:$0x10800] =	vst v63  }
0xe8: {  	_ =	swait.ge [sflag:s15], $0x4000  }
0xe9: {  	[sflag:s15] =	ssyncset.done $0x0  }
0xea: {  	s18 =	rddreg [dreg:$0xb];
	[sflag:s15] =	ssyncadd.s32 $0xFFFFC000  }
0xeb: {  	[hbm4b:s18+s3] =	stream.strided.scatter [tilespmem:s11], [sflag:$0x7], $0x4000, s4, s3, $0x38;
	[tilespmem:$0x10800] =	vst v63  }
0xec: {  	_ =	swait.ge [sflag:s8], $0x4000  }
0xed: {  	[sflag:s8] =	ssyncset.done $0x0  }
0xee: {  	[sflag:s8] =	ssyncadd.s32 $0xFFFFC000  }
0xef: {  	[tilespmem:s17], [sflag:$0x1] =	stream.indirect.gather [hbm4b:s2+s6], $0x80, s3, s6, $0xb8;
	[tilespmem:$0x10800] =	vst v63  }
0xf0: {  	_ =	swait.ge [sflag:s12], $0x4000  }
0xf1: {  	[sflag:s12] =	ssyncset.done $0x0  }
0xf2: {  	s18 =	rddreg [dreg:$0xc];
	[sflag:s12] =	ssyncadd.s32 $0xFFFFC000  }
0xf3: {  	[hbm4b:s18+s3] =	stream.strided.scatter [tilespmem:s10], [sflag:$0x8], $0x4000, s4, s3, $0x38;
	[tilespmem:$0x10800] =	vst v63  }
0xf4: {  	_ =	swait.ge [sflag:s9], $0x4000  }
0xf5: {  	[sflag:s9] =	ssyncset.done $0x0  }
0xf6: {  	[sflag:s9] =	ssyncadd.s32 $0xFFFFC000  }
0xf7: {  	[tilespmem:s13], [sflag:$0x2] =	stream.indirect.gather [hbm4b:s2+s6], $0x80, s26, s6, $0xb8;
	[tilespmem:$0x10800] =	vst v63  }
0xf8: {  	_ =	swait.ge [sflag:s14], $0x4000  }
0xf9: {  	[sflag:s14] =	ssyncset.done $0x0  }
0xfa: {  	s18 =	rddreg [dreg:$0xd];
	[sflag:s14] =	ssyncadd.s32 $0xFFFFC000  }
0xfb: {  	[hbm4b:s18+s3] =	stream.strided.scatter [tilespmem:s17], [sflag:$0x5], $0x4000, s4, s3, $0x38;
	[tilespmem:$0x10800] =	vst v63  }
0xfc: {  	_ =	swait.ge [sflag:s7], $0x4000  }
0xfd: {  	[sflag:s7] =	ssyncset.done $0x0  }
0xfe: {  	[sflag:s7] =	ssyncadd.s32 $0xFFFFC000  }
0xff: {  	[tilespmem:s11], [sflag:$0x3] =	stream.indirect.gather [hbm4b:s2+s6], $0x80, s25, s6, $0xb8;
	[tilespmem:$0x10800] =	vst v63  }
0x100: {  	_ =	swait.ge [sflag:s16], $0x4000  }
0x101: {  	[sflag:s16] =	ssyncset.done $0x0  }
0x102: {  	s18 =	rddreg [dreg:$0xe];
	[sflag:s16] =	ssyncadd.s32 $0xFFFFC000  }
0x103: {  	[hbm4b:s18+s3] =	stream.strided.scatter [tilespmem:s13], [sflag:$0x6], $0x4000, s4, s3, $0x38;
	[tilespmem:$0x10800] =	vst v63  }
0x104: {  	_ =	swait.ge [sflag:s5], $0x4000  }
0x105: {  	[sflag:s5] =	ssyncset.done $0x0  }
0x106: {  	[sflag:s5] =	ssyncadd.s32 $0xFFFFC000  }
0x107: {  	[tilespmem:s10], [sflag:$0x4] =	stream.indirect.gather [hbm4b:s2+s6], $0x80, s24, s6, $0xb8;
	[tilespmem:$0x10800] =	vst v63  }
0x108: {  	_ =	swait.ge [sflag:s15], $0x4000  }
0x109: {  	[sflag:s15] =	ssyncset.done $0x0  }
0x10a: {  	s18 =	rddreg [dreg:$0xf];
	[sflag:s15] =	ssyncadd.s32 $0xFFFFC000  }
0x10b: {  	[hbm4b:s18+s3] =	stream.strided.scatter [tilespmem:s11], [sflag:$0x7], $0x4000, s4, s3, $0x38;
	[tilespmem:$0x10800] =	vst v63  }
0x10c: {  	_ =	swait.ge [sflag:s8], $0x4000  }
0x10d: {  	[sflag:s8] =	ssyncset.done $0x0  }
0x10e: {  	[sflag:s8] =	ssyncadd.s32 $0xFFFFC000  }
0x10f: {  	[tilespmem:s17], [sflag:$0x1] =	stream.indirect.gather [hbm4b:s2+s6], $0x80, s23, s6, $0xb8;
	[tilespmem:$0x10800] =	vst v63  }
0x110: {  	_ =	swait.ge [sflag:s12], $0x4000  }
0x111: {  	[sflag:s12] =	ssyncset.done $0x0  }
0x112: {  	s18 =	rddreg [dreg:$0x10];
	[sflag:s12] =	ssyncadd.s32 $0xFFFFC000  }
0x113: {  	[hbm4b:s18+s3] =	stream.strided.scatter [tilespmem:s10], [sflag:$0x8], $0x4000, s4, s3, $0x38;
	[tilespmem:$0x10800] =	vst v63  }
0x114: {  	_ =	swait.ge [sflag:s9], $0x4000  }
0x115: {  	[sflag:s9] =	ssyncset.done $0x0  }
0x116: {  	[sflag:s9] =	ssyncadd.s32 $0xFFFFC000  }
0x117: {  	[tilespmem:s13], [sflag:$0x2] =	stream.indirect.gather [hbm4b:s2+s6], $0x80, s22, s6, $0xb8;
	[tilespmem:$0x10800] =	vst v63  }
0x118: {  	_ =	swait.ge [sflag:s14], $0x4000  }
0x119: {  	[sflag:s14] =	ssyncset.done $0x0  }
0x11a: {  	s18 =	rddreg [dreg:$0x11];
	[sflag:s14] =	ssyncadd.s32 $0xFFFFC000  }
0x11b: {  	[hbm4b:s18+s3] =	stream.strided.scatter [tilespmem:s17], [sflag:$0x5], $0x4000, s4, s3, $0x38;
	[tilespmem:$0x10800] =	vst v63  }
0x11c: {  	_ =	swait.ge [sflag:s7], $0x4000  }
0x11d: {  	[sflag:s7] =	ssyncset.done $0x0  }
0x11e: {  	[sflag:s7] =	ssyncadd.s32 $0xFFFFC000  }
0x11f: {  	[tilespmem:s11], [sflag:$0x3] =	stream.indirect.gather [hbm4b:s2+s6], $0x80, s21, s6, $0xb8;
	[tilespmem:$0x10800] =	vst v63  }
0x120: {  	_ =	swait.ge [sflag:s16], $0x4000  }
0x121: {  	[sflag:s16] =	ssyncset.done $0x0  }
0x122: {  	s18 =	rddreg [dreg:$0x12];
	[sflag:s16] =	ssyncadd.s32 $0xFFFFC000  }
0x123: {  	[hbm4b:s18+s3] =	stream.strided.scatter [tilespmem:s13], [sflag:$0x6], $0x4000, s4, s3, $0x38;
	[tilespmem:$0x10800] =	vst v63  }
0x124: {  	_ =	swait.ge [sflag:s5], $0x4000  }
0x125: {  	[sflag:s5] =	ssyncset.done $0x0  }
0x126: {  	[sflag:s5] =	ssyncadd.s32 $0xFFFFC000  }
0x127: {  	[tilespmem:s10], [sflag:$0x4] =	stream.indirect.gather [hbm4b:s2+s6], $0x80, s20, s6, $0xb8;
	[tilespmem:$0x10800] =	vst v63  }
0x128: {  	_ =	swait.ge [sflag:s15], $0x4000  }
0x129: {  	[sflag:s15] =	ssyncset.done $0x0  }
0x12a: {  	s18 =	rddreg [dreg:$0x13];
	[sflag:s15] =	ssyncadd.s32 $0xFFFFC000  }
0x12b: {  	[hbm4b:s18+s3] =	stream.strided.scatter [tilespmem:s11], [sflag:$0x7], $0x4000, s4, s3, $0x38;
	[tilespmem:$0x10800] =	vst v63  }
0x12c: {  	_ =	swait.ge [sflag:s12], $0x4000  }
0x12d: {  	[sflag:s12] =	ssyncset.done $0x0  }
0x12e: {  	s18 =	rddreg [dreg:$0x14];
	[sflag:s12] =	ssyncadd.s32 $0xFFFFC000  }
0x12f: {  	[hbm4b:s18+s3] =	stream.strided.scatter [tilespmem:s10], [sflag:$0x8], $0x4000, s4, s3, $0x38;
	[tilespmem:$0x10800] =	vst v63  }
0x130: {  	_ =	swait.ge [sflag:s8], $0x4000  }
0x131: {  	[sflag:s8] =	ssyncset.done $0x0  }
0x132: {  	[sflag:s8] =	ssyncadd.s32 $0xFFFFC000  }
0x133: {  	_ =	swait.ge [sflag:s9], $0x4000  }
0x134: {  	[sflag:s9] =	ssyncset.done $0x0  }
0x135: {  	p1 =	sne.s32 s1, $0x1;
	[sflag:s9] =	ssyncadd.s32 $0xFFFFC000  }
.Ltmp2:
0x136: {  	_ =	swait.ge [sflag:s7], $0x4000;
	(pc) =	sbr.rel @p1 .LBB2_4-.Ltmp2, $4  }
0x137: {  	[sflag:s7] =	ssyncset.done $0x0  }
0x138: {  	[sflag:s7] =	ssyncadd.s32 $0xFFFFC000  }
0x139: {  	_ =	swait.ge [sflag:s5], $0x4000  }
0x13a: {  	s1 =	sadd.s32 $0xFFFFFFFF, s1;
	s0 =	rddreg [dreg:$0x4];
	[sflag:s5] =	ssyncset.done $0x0  }
0x13b: {  	s20 =	simm.s32 $0x200;
	s30 =	simm.s32 $0x280  }
0x13c: {  	s29 =	simm.s32 $0x300;
	s28 =	simm.s32 $0x380;
	s26 =	simm.s32 $0x480  }
0x13d: {  	s25 =	simm.s32 $0x500;
	s24 =	simm.s32 $0x580;
	s23 =	simm.s32 $0x600  }
0x13e: {  	s22 =	simm.s32 $0x680;
	s21 =	simm.s32 $0x700;
	s18 =	stileid.u32  }
.LBB2_6:
0x13f: {  	[sflag:s5] =	ssyncadd.s32 @p0 $0xFFFFC000  }
0x140: {  	[tilespmem:s19], [sflag:$0x9] =	stream.strided.gather [hbm4b:s0+s6], $0x800, s3, s6, $0x38;
	[tilespmem:$0x10800] =	vst v63  }
0x141: {  	_ =	swait.ge [sflag:s31], $0x800  }
0x142: {  	[sflag:s31] =	ssyncset.done $0x0  }
0x143: {  	[sflag:s31] =	ssyncadd.s32 $0xFFFFF800  }
0x144: {  	[tilespmem:s17], [sflag:$0x1] =	stream.indirect.gather [hbm4b:s2+s6], $0x80, s19, s6, $0xb8;
	[tilespmem:$0x10800] =	vst v63  }
0x145: {  	_ = 	snop  }
0x146: {  	[tilespmem:s13], [sflag:$0x2] =	stream.indirect.gather [hbm4b:s2+s6], $0x80, s6, s6, $0xb8;
	[tilespmem:$0x10800] =	vst v63  }
0x147: {  	_ =	swait.ge [sflag:s14], $0x4000  }
0x148: {  	[sflag:s14] =	ssyncset.done $0x0  }
0x149: {  	s31 =	rddreg [dreg:$0x5];
	[sflag:s14] =	ssyncadd.s32 $0xFFFFC000  }
0x14a: {  	[hbm4b:s31+s3] =	stream.strided.scatter [tilespmem:s17], [sflag:$0x5], $0x4000, s4, s3, $0x38;
	[tilespmem:$0x10800] =	vst v63  }
0x14b: {  	s1 =	rddreg [dreg:$0x15]  }
0x14c: {  	[tilespmem:s11], [sflag:$0x3] =	stream.indirect.gather [hbm4b:s2+s6], $0x80, s1, s6, $0xb8;
	[tilespmem:$0x10800] =	vst v63  }
0x14d: {  	_ =	swait.ge [sflag:s16], $0x4000  }
0x14e: {  	[sflag:s16] =	ssyncset.done $0x0  }
0x14f: {  	s19 =	rddreg [dreg:$0x6];
	[sflag:s16] =	ssyncadd.s32 $0xFFFFC000  }
0x150: {  	[hbm4b:s19+s3] =	stream.strided.scatter [tilespmem:s13], [sflag:$0x6], $0x4000, s4, s3, $0x38;
	[tilespmem:$0x10800] =	vst v63  }
0x151: {  	s31 =	rddreg [dreg:$0x16]  }
0x152: {  	[tilespmem:s10], [sflag:$0x4] =	stream.indirect.gather [hbm4b:s2+s6], $0x80, s31, s6, $0xb8;
	[tilespmem:$0x10800] =	vst v63  }
0x153: {  	_ =	swait.ge [sflag:s15], $0x4000  }
0x154: {  	[sflag:s15] =	ssyncset.done $0x0  }
0x155: {  	s1 =	rddreg [dreg:$0x7];
	[sflag:s15] =	ssyncadd.s32 $0xFFFFC000  }
0x156: {  	[hbm4b:s1+s3] =	stream.strided.scatter [tilespmem:s11], [sflag:$0x7], $0x4000, s4, s3, $0x38;
	[tilespmem:$0x10800] =	vst v63  }
0x157: {  	_ =	swait.ge [sflag:s8], $0x4000  }
0x158: {  	[sflag:s8] =	ssyncset.done $0x0  }
0x159: {  	[sflag:s8] =	ssyncadd.s32 $0xFFFFC000  }
0x15a: {  	[tilespmem:s17], [sflag:$0x1] =	stream.indirect.gather [hbm4b:s2+s6], $0x80, s20, s6, $0xb8;
	[tilespmem:$0x10800] =	vst v63  }
0x15b: {  	_ =	swait.ge [sflag:s12], $0x4000  }
0x15c: {  	[sflag:s12] =	ssyncset.done $0x0  }
0x15d: {  	s19 =	rddreg [dreg:$0x8];
	[sflag:s12] =	ssyncadd.s32 $0xFFFFC000  }
0x15e: {  	[hbm4b:s19+s3] =	stream.strided.scatter [tilespmem:s10], [sflag:$0x8], $0x4000, s4, s3, $0x38;
	[tilespmem:$0x10800] =	vst v63  }
0x15f: {  	_ =	swait.ge [sflag:s9], $0x4000  }
0x160: {  	[sflag:s9] =	ssyncset.done $0x0  }
0x161: {  	[sflag:s9] =	ssyncadd.s32 $0xFFFFC000  }
0x162: {  	[tilespmem:s13], [sflag:$0x2] =	stream.indirect.gather [hbm4b:s2+s6], $0x80, s30, s6, $0xb8;
	[tilespmem:$0x10800] =	vst v63  }
0x163: {  	_ =	swait.ge [sflag:s14], $0x4000  }
0x164: {  	[sflag:s14] =	ssyncset.done $0x0  }
0x165: {  	s20 =	rddreg [dreg:$0x9];
	[sflag:s14] =	ssyncadd.s32 $0xFFFFC000  }
0x166: {  	[hbm4b:s20+s3] =	stream.strided.scatter [tilespmem:s17], [sflag:$0x5], $0x4000, s4, s3, $0x38;
	[tilespmem:$0x10800] =	vst v63  }
0x167: {  	_ =	swait.ge [sflag:s7], $0x4000  }
0x168: {  	[sflag:s7] =	ssyncset.done $0x0  }
0x169: {  	[sflag:s7] =	ssyncadd.s32 $0xFFFFC000  }
0x16a: {  	[tilespmem:s11], [sflag:$0x3] =	stream.indirect.gather [hbm4b:s2+s6], $0x80, s29, s6, $0xb8;
	[tilespmem:$0x10800] =	vst v63  }
0x16b: {  	_ =	swait.ge [sflag:s16], $0x4000  }
0x16c: {  	[sflag:s16] =	ssyncset.done $0x0  }
0x16d: {  	s30 =	rddreg [dreg:$0xa];
	[sflag:s16] =	ssyncadd.s32 $0xFFFFC000  }
0x16e: {  	[hbm4b:s30+s3] =	stream.strided.scatter [tilespmem:s13], [sflag:$0x6], $0x4000, s4, s3, $0x38;
	[tilespmem:$0x10800] =	vst v63  }
0x16f: {  	_ =	swait.ge [sflag:s5], $0x4000  }
0x170: {  	[sflag:s5] =	ssyncset.done $0x0  }
0x171: {  	[sflag:s5] =	ssyncadd.s32 $0xFFFFC000  }
0x172: {  	[tilespmem:s10], [sflag:$0x4] =	stream.indirect.gather [hbm4b:s2+s6], $0x80, s28, s6, $0xb8;
	[tilespmem:$0x10800] =	vst v63  }
0x173: {  	_ =	swait.ge [sflag:s15], $0x4000  }
0x174: {  	[sflag:s15] =	ssyncset.done $0x0  }
0x175: {  	s31 =	rddreg [dreg:$0xb];
	[sflag:s15] =	ssyncadd.s32 $0xFFFFC000  }
0x176: {  	[hbm4b:s31+s3] =	stream.strided.scatter [tilespmem:s11], [sflag:$0x7], $0x4000, s4, s3, $0x38;
	[tilespmem:$0x10800] =	vst v63  }
0x177: {  	_ =	swait.ge [sflag:s8], $0x4000  }
0x178: {  	[sflag:s8] =	ssyncset.done $0x0  }
0x179: {  	[sflag:s8] =	ssyncadd.s32 $0xFFFFC000  }
0x17a: {  	[tilespmem:s17], [sflag:$0x1] =	stream.indirect.gather [hbm4b:s2+s6], $0x80, s3, s6, $0xb8;
	[tilespmem:$0x10800] =	vst v63  }
0x17b: {  	_ =	swait.ge [sflag:s12], $0x4000  }
0x17c: {  	[sflag:s12] =	ssyncset.done $0x0  }
0x17d: {  	s1 =	rddreg [dreg:$0xc];
	[sflag:s12] =	ssyncadd.s32 $0xFFFFC000  }
0x17e: {  	[hbm4b:s1+s3] =	stream.strided.scatter [tilespmem:s10], [sflag:$0x8], $0x4000, s4, s3, $0x38;
	[tilespmem:$0x10800] =	vst v63  }
0x17f: {  	_ =	swait.ge [sflag:s9], $0x4000  }
0x180: {  	[sflag:s9] =	ssyncset.done $0x0  }
0x181: {  	[sflag:s9] =	ssyncadd.s32 $0xFFFFC000  }
0x182: {  	[tilespmem:s13], [sflag:$0x2] =	stream.indirect.gather [hbm4b:s2+s6], $0x80, s26, s6, $0xb8;
	[tilespmem:$0x10800] =	vst v63  }
0x183: {  	_ =	swait.ge [sflag:s14], $0x4000  }
0x184: {  	[sflag:s14] =	ssyncset.done $0x0  }
0x185: {  	s19 =	rddreg [dreg:$0xd];
	[sflag:s14] =	ssyncadd.s32 $0xFFFFC000  }
0x186: {  	[hbm4b:s19+s3] =	stream.strided.scatter [tilespmem:s17], [sflag:$0x5], $0x4000, s4, s3, $0x38;
	[tilespmem:$0x10800] =	vst v63  }
0x187: {  	_ =	swait.ge [sflag:s7], $0x4000  }
0x188: {  	[sflag:s7] =	ssyncset.done $0x0  }
0x189: {  	[sflag:s7] =	ssyncadd.s32 $0xFFFFC000  }
0x18a: {  	[tilespmem:s11], [sflag:$0x3] =	stream.indirect.gather [hbm4b:s2+s6], $0x80, s25, s6, $0xb8;
	[tilespmem:$0x10800] =	vst v63  }
0x18b: {  	_ =	swait.ge [sflag:s16], $0x4000  }
0x18c: {  	[sflag:s16] =	ssyncset.done $0x0  }
0x18d: {  	s20 =	rddreg [dreg:$0xe];
	[sflag:s16] =	ssyncadd.s32 $0xFFFFC000  }
0x18e: {  	[hbm4b:s20+s3] =	stream.strided.scatter [tilespmem:s13], [sflag:$0x6], $0x4000, s4, s3, $0x38;
	[tilespmem:$0x10800] =	vst v63  }
0x18f: {  	_ =	swait.ge [sflag:s5], $0x4000  }
0x190: {  	[sflag:s5] =	ssyncset.done $0x0  }
0x191: {  	[sflag:s5] =	ssyncadd.s32 $0xFFFFC000  }
0x192: {  	[tilespmem:s10], [sflag:$0x4] =	stream.indirect.gather [hbm4b:s2+s6], $0x80, s24, s6, $0xb8;
	[tilespmem:$0x10800] =	vst v63  }
0x193: {  	_ =	swait.ge [sflag:s15], $0x4000  }
0x194: {  	[sflag:s15] =	ssyncset.done $0x0  }
0x195: {  	s24 =	rddreg [dreg:$0xf];
	[sflag:s15] =	ssyncadd.s32 $0xFFFFC000  }
0x196: {  	[hbm4b:s24+s3] =	stream.strided.scatter [tilespmem:s11], [sflag:$0x7], $0x4000, s4, s3, $0x38;
	[tilespmem:$0x10800] =	vst v63  }
0x197: {  	_ =	swait.ge [sflag:s8], $0x4000  }
0x198: {  	[sflag:s8] =	ssyncset.done $0x0  }
0x199: {  	[sflag:s8] =	ssyncadd.s32 $0xFFFFC000  }
0x19a: {  	[tilespmem:s17], [sflag:$0x1] =	stream.indirect.gather [hbm4b:s2+s6], $0x80, s23, s6, $0xb8;
	[tilespmem:$0x10800] =	vst v63  }
0x19b: {  	_ =	swait.ge [sflag:s12], $0x4000  }
0x19c: {  	[sflag:s12] =	ssyncset.done $0x0  }
0x19d: {  	s25 =	rddreg [dreg:$0x10];
	[sflag:s12] =	ssyncadd.s32 $0xFFFFC000  }
0x19e: {  	[hbm4b:s25+s3] =	stream.strided.scatter [tilespmem:s10], [sflag:$0x8], $0x4000, s4, s3, $0x38;
	[tilespmem:$0x10800] =	vst v63  }
0x19f: {  	_ =	swait.ge [sflag:s9], $0x4000  }
0x1a0: {  	[sflag:s9] =	ssyncset.done $0x0  }
0x1a1: {  	[sflag:s9] =	ssyncadd.s32 $0xFFFFC000  }
0x1a2: {  	[tilespmem:s13], [sflag:$0x2] =	stream.indirect.gather [hbm4b:s2+s6], $0x80, s22, s6, $0xb8;
	[tilespmem:$0x10800] =	vst v63  }
0x1a3: {  	_ =	swait.ge [sflag:s14], $0x4000  }
0x1a4: {  	[sflag:s14] =	ssyncset.done $0x0  }
0x1a5: {  	s26 =	rddreg [dreg:$0x11];
	[sflag:s14] =	ssyncadd.s32 $0xFFFFC000  }
0x1a6: {  	[hbm4b:s26+s3] =	stream.strided.scatter [tilespmem:s17], [sflag:$0x5], $0x4000, s4, s3, $0x38;
	[tilespmem:$0x10800] =	vst v63  }
0x1a7: {  	_ =	swait.ge [sflag:s7], $0x4000  }
0x1a8: {  	[sflag:s7] =	ssyncset.done $0x0  }
0x1a9: {  	[sflag:s7] =	ssyncadd.s32 $0xFFFFC000  }
0x1aa: {  	[tilespmem:s11], [sflag:$0x3] =	stream.indirect.gather [hbm4b:s2+s6], $0x80, s21, s6, $0xb8;
	[tilespmem:$0x10800] =	vst v63  }
0x1ab: {  	_ =	swait.ge [sflag:s16], $0x4000  }
0x1ac: {  	[sflag:s16] =	ssyncset.done $0x0  }
0x1ad: {  	s28 =	rddreg [dreg:$0x12];
	[sflag:s16] =	ssyncadd.s32 $0xFFFFC000  }
0x1ae: {  	[hbm4b:s28+s3] =	stream.strided.scatter [tilespmem:s13], [sflag:$0x6], $0x4000, s4, s3, $0x38;
	[tilespmem:$0x10800] =	vst v63  }
0x1af: {  	_ =	swait.ge [sflag:s5], $0x4000  }
0x1b0: {  	[sflag:s5] =	ssyncset.done $0x0  }
0x1b1: {  	s29 =	simm.s32 $0x780;
	[sflag:s5] =	ssyncadd.s32 $0xFFFFC000  }
0x1b2: {  	[tilespmem:s10], [sflag:$0x4] =	stream.indirect.gather [hbm4b:s2+s6], $0x80, s29, s6, $0xb8;
	[tilespmem:$0x10800] =	vst v63  }
0x1b3: {  	_ =	swait.ge [sflag:s15], $0x4000  }
0x1b4: {  	[sflag:s15] =	ssyncset.done $0x0  }
0x1b5: {  	s30 =	rddreg [dreg:$0x13];
	[sflag:s15] =	ssyncadd.s32 $0xFFFFC000  }
0x1b6: {  	[hbm4b:s30+s3] =	stream.strided.scatter [tilespmem:s11], [sflag:$0x7], $0x4000, s4, s3, $0x38;
	[tilespmem:$0x10800] =	vst v63  }
0x1b7: {  	_ =	swait.ge [sflag:s12], $0x4000  }
0x1b8: {  	[sflag:s12] =	ssyncset.done $0x0  }
0x1b9: {  	s31 =	rddreg [dreg:$0x14];
	[sflag:s12] =	ssyncadd.s32 $0xFFFFC000  }
0x1ba: {  	[hbm4b:s31+s3] =	stream.strided.scatter [tilespmem:s10], [sflag:$0x8], $0x4000, s4, s3, $0x38;
	[tilespmem:$0x10800] =	vst v63  }
0x1bb: {  	_ =	swait.ge [sflag:s8], $0x4000  }
0x1bc: {  	[sflag:s8] =	ssyncset.done $0x0  }
0x1bd: {  	[sflag:s8] =	ssyncadd.s32 $0xFFFFC000  }
0x1be: {  	_ =	swait.ge [sflag:s9], $0x4000  }
0x1bf: {  	[sflag:s9] =	ssyncset.done $0x0  }
0x1c0: {  	[sflag:s9] =	ssyncadd.s32 $0xFFFFC000  }
0x1c1: {  	_ =	swait.ge [sflag:s7], $0x4000  }
0x1c2: {  	[sflag:s7] =	ssyncset.done $0x0  }
0x1c3: {  	[sflag:s7] =	ssyncadd.s32 $0xFFFFC000  }
0x1c4: {  	_ =	swait.ge [sflag:s5], $0x4000  }
0x1c5: {  	[sflag:s5] =	ssyncset.done $0x0  }
0x1c6: {  	[sflag:s5] =	ssyncadd.s32 $0xFFFFC000  }
0x1c7: {  	_ =	sfence.sel $0x180000  }
0x1c8: {  	[bflag:$0x0] =	sbarrier.arrive $0xFFFF  }
0x1c9: {  	_ =	strace $0x90000047  }
0x1ca: {  	[bflag:$0x2] =	sbarrier.arrive $0xFFFF  }
0x1cb: {  	p0 =	sne.s32 s18, $0x0;
	s0 =	rddreg [dreg:$0x3]  }
0x1cc: {  	s0 =	sadd.s32 @!p0 $0x100000, s0  }
0x1cd: {  	[sflag:s0] =	ssyncadd.tile.s32 @!p0 $0x1;
	_ =	shalt  }
.LBB2_1:
.Ltmp3:
0x1ce: {  	(pc) =	sbr.rel .LBB2_6-.Ltmp3, $4  }
0x1cf: {  	s20 =	simm.s32 $0x200  }
0x1d0: {  	s30 =	simm.s32 $0x280;
	s29 =	simm.s32 $0x300;
	s28 =	simm.s32 $0x380  }
0x1d1: {  	s26 =	simm.s32 $0x480;
	s25 =	simm.s32 $0x500;
	s24 =	simm.s32 $0x580  }
0x1d2: {  	s23 =	simm.s32 $0x600;
	s22 =	simm.s32 $0x680;
	s21 =	simm.s32 $0x700  }
.LBB2_3:
.Ltmp4:
0x1d3: {  	(pc) =	sbr.rel .LBB2_6-.Ltmp4, $4  }
0x1d4: {  	s20 =	simm.s32 $0x200;
	s30 =	simm.s32 $0x280  }
0x1d5: {  	s29 =	simm.s32 $0x300;
	s28 =	simm.s32 $0x380;
	s26 =	simm.s32 $0x480  }
0x1d6: {  	s25 =	simm.s32 $0x500;
	s24 =	simm.s32 $0x580;
	s23 =	simm.s32 $0x600  }
0x1d7: {  	s22 =	simm.s32 $0x680;
	s21 =	simm.s32 $0x700;
	s18 =	stileid.u32  }
.Lfunc_end2:
_tile_overlayer_lowered:
.L_overlay_start_2:
0x1d8: {  	(tag) =	ssettag $0x2  }
0x1d9: {  	s0 =	rddreg [dreg:$0x0];
	s2 =	stileid.u32  }
0x1da: {  	s1 =	rddreg [dreg:$0x1];
	p0 =	sne.s32 s2, $0x0  }
0x1db: {  	s3 =	rddreg [dreg:$0x2];
	[bflag:$0x3] =	sbarrier.arrive $0xFFFF;
	s2 =	simm.s32 @!p0 $0x1C09  }
0x1dc: {  	[timem:s3], [sflag:s2] =	dma.local @!p0 [hbm:s0], s1  }
0x1dd: {  	s0 =	simm.s32 @!p0 $0x9  }
0x1de: {  	_ =	swait.ge @!p0 [sflag:s0], s1  }
0x1df: {  	s1 =	ssub.s32 @!p0 $0x0, s1;
	[sflag:s0] =	ssyncset.done @!p0 $0x0  }
0x1e0: {  	[sflag:s0] =	ssyncadd.s32 @!p0 s1  }
0x1e1: {  	[bflag:$0x3] =	sbarrier.arrive $0xFFFF  }
0x1e2: {  	_ =	shalt  }

</sc_bundles>
